<compile_context>
chip_gen: v7x
topology: tpu7x:2x2x1
jax: 0.10.2.dev20260603
libtpu: 0.0.44.dev20260713+nightly
codegen_flags: <defaults>
</compile_context>

<pallas_src>
import functools

import jax
import jax.numpy as jnp
from jax import lax
from jax.experimental import pallas as pl
from jax.experimental.pallas import tpu as pltpu
from jax.experimental.pallas import tpu_sc as plsc

NC = 2
NS = 16
L = 16

NCG = 8
K = 16
KW = K // 2
NNH = 2
NEH = 2
CE = 2000


def _sc_body(n, e, rh, akp, row_hbm, col_hbm, xt_hbm, mv_hbm, out_hbm,
             rowa, cola, rowb, colb, xrep, aggr, mbuf,
             sra, sca, srb, scb):
    wid = lax.axis_index("s") * NC + lax.axis_index("c")
    cg = wid % NCG
    nh = (wid // NCG) % NNH
    eh = wid // (NCG * NNH)
    nlo = nh * rh
    eshare = e // NEH
    ebase = eh * eshare
    nchunks = eshare // CE
    nw = n * KW

    pltpu.sync_copy(xt_hbm.at[pl.ds(cg * nw, nw)], xrep.at[pl.ds(0, nw)])
    xrep[pl.ds(nw, L)] = jnp.zeros((L,), dtype=jnp.int32)
    pltpu.sync_copy(mv_hbm, mbuf)
    mv = mbuf[...]

    def init(j, _):
        aggr[pl.ds(j * L, L)] = jnp.zeros((L,), dtype=jnp.int32)
        return 0
    lax.fori_loop(0, akp // L, init, 0)

    def start(ch, rbuf, cbuf, sr, sc_):
        base = ebase + ch * CE
        pltpu.make_async_copy(row_hbm.at[pl.ds(base, CE)], rbuf, sr).start()
        pltpu.make_async_copy(col_hbm.at[pl.ds(base, CE)], cbuf, sc_).start()

    def wait(rbuf, cbuf, sr, sc_):
        pltpu.make_async_copy(row_hbm.at[pl.ds(0, CE)], rbuf, sr).wait()
        pltpu.make_async_copy(col_hbm.at[pl.ds(0, CE)], cbuf, sc_).wait()

    def process(rowv, colv):
        def acc(j, _):
            rv = rowv[pl.ds(j * L, L)]
            rloc = jnp.where((rv >= nlo) & (rv < nlo + rh), rv - nlo, rh)
            aoff = rloc * KW
            xoff = colv[pl.ds(j * L, L)] * KW
            for i in range(L):
                ao = aoff[i]
                xo = xoff[i]
                a = aggr[pl.ds(ao, L)]
                v = xrep[pl.ds(xo, L)] & mv
                ml = jnp.maximum(a & 0xFFFF, v & 0xFFFF)
                mh = jnp.maximum(lax.shift_right_logical(a, 16),
                                 lax.shift_right_logical(v, 16))
                aggr[pl.ds(ao, L)] = ml | lax.shift_left(mh, 16)
            return 0
        lax.fori_loop(0, CE // L, acc, 0)

    npairs = nchunks // 2
    start(0, rowa, cola, sra, sca)

    def pair_body(g, _):
        start(2 * g + 1, rowb, colb, srb, scb)
        wait(rowa, cola, sra, sca)
        process(rowa, cola)

        @pl.when(g < npairs - 1)
        def _():
            start(2 * g + 2, rowa, cola, sra, sca)
        wait(rowb, colb, srb, scb)
        process(rowb, colb)
        return 0

    lax.fori_loop(0, npairs, pair_body, 0)

    pltpu.sync_copy(aggr,
                    out_hbm.at[pl.ds(((eh * NCG + cg) * NNH + nh) * akp,
                                     akp)])


def _dense_body(x_ref, k0_ref, k1_ref, w_ref, b_ref, o_ref):
    k = jnp.maximum(k0_ref[...], k1_ref[...])
    u = jnp.where(k >= 32768, k ^ 32768, k ^ 65535)
    val = lax.bitcast_convert_type(lax.shift_left(u, 16), jnp.float32)
    a = jnp.where(k == 0, 0.0, val) - x_ref[...]
    h = lax.dot_general(a, w_ref[...], (((1,), (1,)), ((), ())),
                        preferred_element_type=jnp.float32)
    h = h + b_ref[...]
    o_ref[...] = h * 0.5 * (1.0 + lax.erf(h * 0.7071067811865476))


def kernel(x, edge_index, W, b):
    Bv, N, C = x.shape
    C_out = W.shape[0]
    E = edge_index.shape[1]
    x_flat = x.reshape(N, C)
    row = edge_index[0]
    col = edge_index[1]
    rh = N // NNH

    AKP = (rh * KW + 2 * L + 7) // 8 * 8

    u = lax.bitcast_convert_type(x_flat.astype(jnp.bfloat16),
                                 jnp.uint16).astype(jnp.int32)
    key = jnp.where(u >= 32768, u ^ 65535, u ^ 32768)
    kp = key.reshape(N, NCG, KW, 2)
    xt = (kp[..., 0] | lax.shift_left(kp[..., 1], 16))
    xt = xt.transpose(1, 0, 2).reshape(NCG * N * KW)
    mvec = jnp.asarray([-1] * KW + [0] * (L - KW), dtype=jnp.int32)

    mesh = plsc.VectorSubcoreMesh(core_axis_name="c", subcore_axis_name="s",
                                  num_cores=NC, num_subcores=NS)
    sc = pl.kernel(
        functools.partial(_sc_body, N, E, rh, AKP),
        out_type=jax.ShapeDtypeStruct((NEH * NCG * NNH * AKP,), jnp.int32),
        mesh=mesh,
        scratch_types=[
            pltpu.VMEM((CE,), jnp.int32),
            pltpu.VMEM((CE,), jnp.int32),
            pltpu.VMEM((CE,), jnp.int32),
            pltpu.VMEM((CE,), jnp.int32),
            pltpu.VMEM((N * KW + L,), jnp.int32),
            pltpu.VMEM((AKP,), jnp.int32),
            pltpu.VMEM((L,), jnp.int32),
            pltpu.SemaphoreType.DMA,
            pltpu.SemaphoreType.DMA,
            pltpu.SemaphoreType.DMA,
            pltpu.SemaphoreType.DMA,
        ],
    )
    part = sc(row, col, xt, mvec)

    part = part.reshape(NEH, NCG, NNH, AKP)[:, :, :, :rh * KW]
    part = part.reshape(NEH, NCG, NNH, rh, KW)
    lo = part & 0xFFFF
    hi = lax.shift_right_logical(part, 16)
    keys = jnp.stack([lo, hi], axis=-1).reshape(NEH, NCG, NNH, rh, K)
    keys = keys.transpose(0, 2, 3, 1, 4).reshape(NEH, N, C)

    RB = 1000
    out = pl.pallas_call(
        _dense_body,
        grid=(N // RB,),
        in_specs=[
            pl.BlockSpec((RB, C), lambda i: (i, 0)),
            pl.BlockSpec((RB, C), lambda i: (i, 0)),
            pl.BlockSpec((RB, C), lambda i: (i, 0)),
            pl.BlockSpec((C_out, C), lambda i: (0, 0)),
            pl.BlockSpec((1, C_out), lambda i: (0, 0)),
        ],
        out_specs=pl.BlockSpec((RB, C_out), lambda i: (i, 0)),
        out_shape=jax.ShapeDtypeStruct((N, C_out), jnp.float32),
    )(x_flat, keys[0], keys[1], W, b.reshape(1, C_out))

    return out.reshape(Bv, N, C_out)

# --- scband reference (transcript-rebuilt; emitter-appended) ---
"""Pipeline reference for scband-graph-mrconv-11347303596504 (READ-ONLY COPY).

The authoritative reference and input builder live on the scoring server;
editing this copy changes nothing except your own understanding.
"""

import jax, jax.numpy as jnp
import numpy as np

B, N, C_IN, C_OUT, E = 1, 10000, 128, 128, 320000


def setup_inputs(seed: int = 0) -> dict:
    key = jax.random.key(seed)
    k1, k2, k3, k4 = jax.random.split(key, 4)
    x = jax.random.normal(k1, (B, N, C_IN), dtype=jnp.float32)
    edge_index = jax.random.randint(k2, (2, E), 0, N, dtype=jnp.int32)
    # Linear layer params (torch nn.Linear: W [out, in], b [out])
    bound = 1.0 / np.sqrt(C_IN)
    W = jax.random.uniform(k3, (C_OUT, C_IN), dtype=jnp.float32, minval=-bound, maxval=bound)
    b = jax.random.uniform(k4, (C_OUT,), dtype=jnp.float32, minval=-bound, maxval=bound)
    return {"x": x, "edge_index": edge_index, "W": W, "b": b}


def reference(x, edge_index, W, b):
    Bv, Nv, C = x.shape
    x_flat = x.reshape(-1, C)
    row = edge_index[0]
    col = edge_index[1]
    num_edges = row.shape[0]
    batch_offsets = jnp.arange(Bv, dtype=row.dtype) * Nv
    edge_offsets = jnp.repeat(batch_offsets, num_edges)
    row_batch = jnp.tile(row, Bv) + edge_offsets
    col_batch = jnp.tile(col, Bv) + edge_offsets
    x_j = x_flat[col_batch]
    neg = jnp.float32(-1000000000.0)
    aggr = jnp.full((Bv * Nv, C), neg, dtype=x.dtype)
    aggr = aggr.at[row_batch].max(x_j)
    aggr = jnp.where(aggr == neg, jnp.zeros_like(aggr), aggr)
    aggr = aggr - x_flat
    out = jax.nn.gelu(aggr @ W.T + b, approximate=False)
    return out.reshape(Bv, Nv, -1)

if __name__ == "__main__":
    import jax
    _d = setup_inputs()
    print(jax.jit(kernel)(*tuple(_d.values())))

</pallas_src>

<mosaic_0001>
#map = affine_map<(d0, d1) -> (0)>
module attributes {stable_mosaic.version = 14 : i64} {
  func.func @_sc_body(%arg0: i32, %arg1: i32, %arg2: memref<320000xi32, #tpu.memory_space<hbm>>, %arg3: memref<320000xi32, #tpu.memory_space<hbm>>, %arg4: memref<640000xi32, #tpu.memory_space<hbm>>, %arg5: memref<16xi32, #tpu.memory_space<hbm>>, %arg6: memref<1281024xi32, #tpu.memory_space<hbm>>, %arg7: memref<2000xi32, #tpu.memory_space<vmem>>, %arg8: memref<2000xi32, #tpu.memory_space<vmem>>, %arg9: memref<2000xi32, #tpu.memory_space<vmem>>, %arg10: memref<2000xi32, #tpu.memory_space<vmem>>, %arg11: memref<80016xi32, #tpu.memory_space<vmem>>, %arg12: memref<40032xi32, #tpu.memory_space<vmem>>, %arg13: memref<16xi32, #tpu.memory_space<vmem>>, %arg14: memref<!tpu.dma_semaphore, #tpu.memory_space<semaphore_mem>>, %arg15: memref<!tpu.dma_semaphore, #tpu.memory_space<semaphore_mem>>, %arg16: memref<!tpu.dma_semaphore, #tpu.memory_space<semaphore_mem>>, %arg17: memref<!tpu.dma_semaphore, #tpu.memory_space<semaphore_mem>>) attributes {dimension_semantics = [#tpu.dimension_semantics<core_parallel>, #tpu.dimension_semantics<subcore_parallel>], iteration_bounds = array<i64: 2, 16>, scalar_prefetch = 0 : i64, scratch_operands = 11 : i64, tpu.core_type = #tpu.core_type<sc_vector_subcore>, window_params = [{transform_indices = #map}, {transform_indices = #map}, {transform_indices = #map}, {transform_indices = #map}, {transform_indices = #map}]} {
    %mul3A = arith.constant 2 : i32
    %mul3A_0 = arith.muli %arg1, %mul3A : i32
    %add3A = arith.addi %mul3A_0, %arg0 : i32
    %jit3A = arith.constant 8 : i32
    %eq3A = arith.constant 0 : i32
    %eq3A_1 = arith.cmpi eq, %jit3A, %eq3A : i32
    %jit3A_2 = arith.constant 1 : i32
    %select_n3A = arith.select %eq3A_1, %jit3A_2, %jit3A : i32
    %rem3A = arith.remsi %add3A, %select_n3A : i32
    %ne3A = arith.constant 0 : i32
    %ne3A_3 = arith.cmpi ne, %rem3A, %ne3A : i32
    %lt3A = arith.constant 0 : i32
    %lt3A_4 = arith.cmpi slt, %rem3A, %lt3A : i32
    %lt3A_5 = arith.constant 0 : i32
    %lt3A_6 = arith.cmpi slt, %select_n3A, %lt3A_5 : i32
    %ne3A_7 = arith.xori %lt3A_4, %lt3A_6 : i1
    %and3A = arith.andi %ne3A_7, %ne3A_3 : i1
    %add3A_8 = arith.addi %rem3A, %select_n3A : i32
    %select_n3A_9 = arith.select %and3A, %add3A_8, %rem3A : i32
    %jit3A_10 = arith.constant 8 : i32
    %div3A = arith.divsi %add3A, %jit3A_10 : i32
    %sign3A = arith.constant 0 : i32
    %sign3A_11 = arith.cmpi sgt, %add3A, %sign3A : i32
    %sign3A_12 = arith.extui %sign3A_11 : i1 to i32
    %sign3A_13 = arith.constant 0 : i32
    %sign3A_14 = arith.cmpi slt, %add3A, %sign3A_13 : i32
    %sign3A_15 = arith.extui %sign3A_14 : i1 to i32
    %sign3A_16 = arith.subi %sign3A_12, %sign3A_15 : i32
    %sign3A_17 = arith.constant 0 : i32
    %sign3A_18 = arith.cmpi sgt, %jit3A_10, %sign3A_17 : i32
    %sign3A_19 = arith.extui %sign3A_18 : i1 to i32
    %sign3A_20 = arith.constant 0 : i32
    %sign3A_21 = arith.cmpi slt, %jit3A_10, %sign3A_20 : i32
    %sign3A_22 = arith.extui %sign3A_21 : i1 to i32
    %sign3A_23 = arith.subi %sign3A_19, %sign3A_22 : i32
    %ne3A_24 = arith.cmpi ne, %sign3A_16, %sign3A_23 : i32
    %rem3A_25 = arith.remsi %add3A, %jit3A_10 : i32
    %ne3A_26 = arith.constant 0 : i32
    %ne3A_27 = arith.cmpi ne, %rem3A_25, %ne3A_26 : i32
    %and3A_28 = arith.andi %ne3A_24, %ne3A_27 : i1
    %sub3A = arith.constant 1 : i32
    %sub3A_29 = arith.subi %div3A, %sub3A : i32
    %select_n3A_30 = arith.select %and3A_28, %sub3A_29, %div3A : i32
    %jit3A_31 = arith.constant 2 : i32
    %eq3A_32 = arith.constant 0 : i32
    %eq3A_33 = arith.cmpi eq, %jit3A_31, %eq3A_32 : i32
    %jit3A_34 = arith.constant 1 : i32
    %select_n3A_35 = arith.select %eq3A_33, %jit3A_34, %jit3A_31 : i32
    %rem3A_36 = arith.remsi %select_n3A_30, %select_n3A_35 : i32
    %ne3A_37 = arith.constant 0 : i32
    %ne3A_38 = arith.cmpi ne, %rem3A_36, %ne3A_37 : i32
    %lt3A_39 = arith.constant 0 : i32
    %lt3A_40 = arith.cmpi slt, %rem3A_36, %lt3A_39 : i32
    %lt3A_41 = arith.constant 0 : i32
    %lt3A_42 = arith.cmpi slt, %select_n3A_35, %lt3A_41 : i32
    %ne3A_43 = arith.xori %lt3A_40, %lt3A_42 : i1
    %and3A_44 = arith.andi %ne3A_43, %ne3A_38 : i1
    %add3A_45 = arith.addi %rem3A_36, %select_n3A_35 : i32
    %select_n3A_46 = arith.select %and3A_44, %add3A_45, %rem3A_36 : i32
    %jit3A_47 = arith.constant 16 : i32
    %div3A_48 = arith.divsi %add3A, %jit3A_47 : i32
    %sign3A_49 = arith.constant 0 : i32
    %sign3A_50 = arith.cmpi sgt, %add3A, %sign3A_49 : i32
    %sign3A_51 = arith.extui %sign3A_50 : i1 to i32
    %sign3A_52 = arith.constant 0 : i32
    %sign3A_53 = arith.cmpi slt, %add3A, %sign3A_52 : i32
    %sign3A_54 = arith.extui %sign3A_53 : i1 to i32
    %sign3A_55 = arith.subi %sign3A_51, %sign3A_54 : i32
    %sign3A_56 = arith.constant 0 : i32
    %sign3A_57 = arith.cmpi sgt, %jit3A_47, %sign3A_56 : i32
    %sign3A_58 = arith.extui %sign3A_57 : i1 to i32
    %sign3A_59 = arith.constant 0 : i32
    %sign3A_60 = arith.cmpi slt, %jit3A_47, %sign3A_59 : i32
    %sign3A_61 = arith.extui %sign3A_60 : i1 to i32
    %sign3A_62 = arith.subi %sign3A_58, %sign3A_61 : i32
    %ne3A_63 = arith.cmpi ne, %sign3A_55, %sign3A_62 : i32
    %rem3A_64 = arith.remsi %add3A, %jit3A_47 : i32
    %ne3A_65 = arith.constant 0 : i32
    %ne3A_66 = arith.cmpi ne, %rem3A_64, %ne3A_65 : i32
    %and3A_67 = arith.andi %ne3A_63, %ne3A_66 : i1
    %sub3A_68 = arith.constant 1 : i32
    %sub3A_69 = arith.subi %div3A_48, %sub3A_68 : i32
    %select_n3A_70 = arith.select %and3A_67, %sub3A_69, %div3A_48 : i32
    %mul3A_71 = arith.constant 5000 : i32
    %mul3A_72 = arith.muli %select_n3A_46, %mul3A_71 : i32
    %mul3A_73 = arith.constant 160000 : i32
    %mul3A_74 = arith.muli %select_n3A_70, %mul3A_73 : i32
    %mul3A_75 = arith.constant 80000 : i32
    %mul3A_76 = arith.muli %select_n3A_9, %mul3A_75 : i32
    "tpu.region"() ({
      %run_scoped3A = tpu.sem_alloc : memref<!tpu.dma_semaphore, #tpu.memory_space<semaphore_mem>>
      %dma_start3A_109 = arith.constant 0 : i32
      %dma_start3A_110 = tpu.memref_slice %arg11[%dma_start3A_109] : memref<80016xi32, #tpu.memory_space<vmem>> -> memref<80000xi32, #tpu.memory_space<vmem>>
      %dma_start3A_111 = tpu.memref_slice %arg4[%mul3A_76] : memref<640000xi32, #tpu.memory_space<hbm>> -> memref<80000xi32, #tpu.memory_space<hbm>>
      %dma_start3A_112 = arith.constant 0 : i32
      %dma_start3A_113 = tpu.memref_slice %arg11[%dma_start3A_112] : memref<80016xi32, #tpu.memory_space<vmem>> -> memref<80000xi32, #tpu.memory_space<vmem>>
      %dma_start3A_114 = tpu.memref_slice %arg4[%mul3A_76] : memref<640000xi32, #tpu.memory_space<hbm>> -> memref<80000xi32, #tpu.memory_space<hbm>>
      tpu.enqueue_dma source(%dma_start3A_114 : memref<80000xi32, #tpu.memory_space<hbm>>) target(%dma_start3A_113 : memref<80000xi32, #tpu.memory_space<vmem>>) target_semaphore(%run_scoped3A : memref<!tpu.dma_semaphore, #tpu.memory_space<semaphore_mem>>)
      %dma_wait3A = arith.constant 0 : i32
      %dma_wait3A_115 = tpu.memref_slice %arg11[%dma_wait3A] : memref<80016xi32, #tpu.memory_space<vmem>> -> memref<80000xi32, #tpu.memory_space<vmem>>
      %dma_wait3A_116 = tpu.memref_slice %arg4[%mul3A_76] : memref<640000xi32, #tpu.memory_space<hbm>> -> memref<80000xi32, #tpu.memory_space<hbm>>
      %dma_wait3A_117 = arith.constant 0 : i32
      %dma_wait3A_118 = tpu.memref_slice %arg11[%dma_wait3A_117] : memref<80016xi32, #tpu.memory_space<vmem>> -> memref<80000xi32, #tpu.memory_space<vmem>>
      %dma_wait3A_119 = tpu.memref_slice %arg4[%mul3A_76] : memref<640000xi32, #tpu.memory_space<hbm>> -> memref<80000xi32, #tpu.memory_space<hbm>>
      tpu.wait_dma2 semaphore(%run_scoped3A : memref<!tpu.dma_semaphore, #tpu.memory_space<semaphore_mem>>) src(%dma_wait3A_119 : memref<80000xi32, #tpu.memory_space<hbm>>) dst(%dma_wait3A_118 : memref<80000xi32, #tpu.memory_space<vmem>>)
      tpu.yield
    }) : () -> ()
    %broadcast_in_dim3A = arith.constant 0 : i32
    %broadcast_in_dim3A_77 = vector.broadcast %broadcast_in_dim3A : i32 to vector<16xi32>
    %swap3A = arith.constant 80000 : index
    %swap3A_78 = tpu.vector_load %arg11[%swap3A] {strides = array<i32>} : memref<80016xi32, #tpu.memory_space<vmem>>, vector<16xi32>,
    %swap3A_79 = vector.shape_cast %swap3A_78 : vector<16xi32> to vector<16xi32>
    %swap3A_80 = vector.shape_cast %broadcast_in_dim3A_77 : vector<16xi32> to vector<16xi32>
    tpu.vector_store %arg11[%swap3A], %swap3A_80 {strides = array<i32>} : memref<80016xi32, #tpu.memory_space<vmem>>, vector<16xi32>,
    "tpu.region"() ({
      %run_scoped3A = tpu.sem_alloc : memref<!tpu.dma_semaphore, #tpu.memory_space<semaphore_mem>>
      tpu.enqueue_dma source(%arg5 : memref<16xi32, #tpu.memory_space<hbm>>) target(%arg13 : memref<16xi32, #tpu.memory_space<vmem>>) target_semaphore(%run_scoped3A : memref<!tpu.dma_semaphore, #tpu.memory_space<semaphore_mem>>)
      tpu.wait_dma2 semaphore(%run_scoped3A : memref<!tpu.dma_semaphore, #tpu.memory_space<semaphore_mem>>) src(%arg5 : memref<16xi32, #tpu.memory_space<hbm>>) dst(%arg13 : memref<16xi32, #tpu.memory_space<vmem>>)
      tpu.yield
    }) : () -> ()
    %get3A = arith.constant 0 : index
    %get3A_81 = tpu.vector_load %arg13[%get3A] {strides = array<i32>} : memref<16xi32, #tpu.memory_space<vmem>>, vector<16xi32>,
    %get3A_82 = vector.shape_cast %get3A_81 : vector<16xi32> to vector<16xi32>
    %scan3A = arith.constant 0 : i32
    %scan3A_83 = arith.constant 0 : i32
    %scan3A_84 = arith.constant 2502 : i32
    %scan3A_85 = arith.addi %scan3A_83, %scan3A_84 : i32
    %scan3A_86 = arith.constant 1 : i32
    %scan3A_87 = scf.for %scan3A_109 = %scan3A_83 to %scan3A_85 step %scan3A_86 iter_args(%scan3A_110 = %scan3A) -> (i32)  : i32 {
      %broadcast_in_dim3A_111 = arith.constant 0 : i32
      %broadcast_in_dim3A_112 = vector.broadcast %broadcast_in_dim3A_111 : i32 to vector<16xi32>
      %mul3A_113 = arith.constant 16 : i32
      %mul3A_114 = arith.muli %scan3A_109, %mul3A_113 : i32
      %swap3A_115 = arith.index_cast %mul3A_114 : i32 to index
      %swap3A_116 = tpu.vector_load %arg12[%swap3A_115] {strides = array<i32>} : memref<40032xi32, #tpu.memory_space<vmem>>, vector<16xi32>,
      %swap3A_117 = vector.shape_cast %swap3A_116 : vector<16xi32> to vector<16xi32>
      %swap3A_118 = vector.shape_cast %broadcast_in_dim3A_112 : vector<16xi32> to vector<16xi32>
      tpu.vector_store %arg12[%swap3A_115], %swap3A_118 {strides = array<i32>} : memref<40032xi32, #tpu.memory_space<vmem>>, vector<16xi32>,
      %scan3A_119 = arith.constant 0 : i32
      scf.yield %scan3A_119 : i32
    }
    %scan3A_88 = arith.constant 2502 : i32
    %add3A_89 = arith.constant 0 : i32
    %add3A_90 = arith.addi %mul3A_74, %add3A_89 : i32
    %dma_start3A = tpu.memref_slice %arg2[%add3A_90] : memref<320000xi32, #tpu.memory_space<hbm>> -> memref<2000xi32, #tpu.memory_space<hbm>>
    %dma_start3A_91 = tpu.memref_slice %arg2[%add3A_90] : memref<320000xi32, #tpu.memory_space<hbm>> -> memref<2000xi32, #tpu.memory_space<hbm>>
    tpu.enqueue_dma source(%dma_start3A_91 : memref<2000xi32, #tpu.memory_space<hbm>>) target(%arg7 : memref<2000xi32, #tpu.memory_space<vmem>>) target_semaphore(%arg14 : memref<!tpu.dma_semaphore, #tpu.memory_space<semaphore_mem>>)
    %dma_start3A_92 = tpu.memref_slice %arg3[%add3A_90] : memref<320000xi32, #tpu.memory_space<hbm>> -> memref<2000xi32, #tpu.memory_space<hbm>>
    %dma_start3A_93 = tpu.memref_slice %arg3[%add3A_90] : memref<320000xi32, #tpu.memory_space<hbm>> -> memref<2000xi32, #tpu.memory_space<hbm>>
    tpu.enqueue_dma source(%dma_start3A_93 : memref<2000xi32, #tpu.memory_space<hbm>>) target(%arg8 : memref<2000xi32, #tpu.memory_space<vmem>>) target_semaphore(%arg15 : memref<!tpu.dma_semaphore, #tpu.memory_space<semaphore_mem>>)
    %scan3A_94 = arith.constant 0 : i32
    %scan3A_95 = arith.constant 0 : i32
    %scan3A_96 = arith.constant 40 : i32
    %scan3A_97 = arith.addi %scan3A_95, %scan3A_96 : i32
    %scan3A_98 = arith.constant 1 : i32
    %scan3A_99 = scf.for %scan3A_109 = %scan3A_95 to %scan3A_97 step %scan3A_98 iter_args(%scan3A_110 = %scan3A_94) -> (i32)  : i32 {
      %mul3A_111 = arith.constant 2 : i32
      %mul3A_112 = arith.muli %mul3A_111, %scan3A_109 : i32
      %add3A_113 = arith.constant 1 : i32
      %add3A_114 = arith.addi %mul3A_112, %add3A_113 : i32
      %mul3A_115 = arith.constant 2000 : i32
      %mul3A_116 = arith.muli %add3A_114, %mul3A_115 : i32
      %add3A_117 = arith.addi %mul3A_74, %mul3A_116 : i32
      %dma_start3A_118 = tpu.memref_slice %arg2[%add3A_117] : memref<320000xi32, #tpu.memory_space<hbm>> -> memref<2000xi32, #tpu.memory_space<hbm>>
      %dma_start3A_119 = tpu.memref_slice %arg2[%add3A_117] : memref<320000xi32, #tpu.memory_space<hbm>> -> memref<2000xi32, #tpu.memory_space<hbm>>
      tpu.enqueue_dma source(%dma_start3A_119 : memref<2000xi32, #tpu.memory_space<hbm>>) target(%arg9 : memref<2000xi32, #tpu.memory_space<vmem>>) target_semaphore(%arg16 : memref<!tpu.dma_semaphore, #tpu.memory_space<semaphore_mem>>)
      %dma_start3A_120 = tpu.memref_slice %arg3[%add3A_117] : memref<320000xi32, #tpu.memory_space<hbm>> -> memref<2000xi32, #tpu.memory_space<hbm>>
      %dma_start3A_121 = tpu.memref_slice %arg3[%add3A_117] : memref<320000xi32, #tpu.memory_space<hbm>> -> memref<2000xi32, #tpu.memory_space<hbm>>
      tpu.enqueue_dma source(%dma_start3A_121 : memref<2000xi32, #tpu.memory_space<hbm>>) target(%arg10 : memref<2000xi32, #tpu.memory_space<vmem>>) target_semaphore(%arg17 : memref<!tpu.dma_semaphore, #tpu.memory_space<semaphore_mem>>)
      %dma_wait3A = arith.constant 0 : i32
      %dma_wait3A_122 = tpu.memref_slice %arg2[%dma_wait3A] : memref<320000xi32, #tpu.memory_space<hbm>> -> memref<2000xi32, #tpu.memory_space<hbm>>
      %dma_wait3A_123 = arith.constant 0 : i32
      %dma_wait3A_124 = tpu.memref_slice %arg2[%dma_wait3A_123] : memref<320000xi32, #tpu.memory_space<hbm>> -> memref<2000xi32, #tpu.memory_space<hbm>>
      tpu.wait_dma2 semaphore(%arg14 : memref<!tpu.dma_semaphore, #tpu.memory_space<semaphore_mem>>) src(%dma_wait3A_124 : memref<2000xi32, #tpu.memory_space<hbm>>) dst(%arg7 : memref<2000xi32, #tpu.memory_space<vmem>>)
      %dma_wait3A_125 = arith.constant 0 : i32
      %dma_wait3A_126 = tpu.memref_slice %arg3[%dma_wait3A_125] : memref<320000xi32, #tpu.memory_space<hbm>> -> memref<2000xi32, #tpu.memory_space<hbm>>
      %dma_wait3A_127 = arith.constant 0 : i32
      %dma_wait3A_128 = tpu.memref_slice %arg3[%dma_wait3A_127] : memref<320000xi32, #tpu.memory_space<hbm>> -> memref<2000xi32, #tpu.memory_space<hbm>>
      tpu.wait_dma2 semaphore(%arg15 : memref<!tpu.dma_semaphore, #tpu.memory_space<semaphore_mem>>) src(%dma_wait3A_128 : memref<2000xi32, #tpu.memory_space<hbm>>) dst(%arg8 : memref<2000xi32, #tpu.memory_space<vmem>>)
      %scan3A_129 = arith.constant 0 : i32
      %scan3A_130 = arith.constant 0 : i32
      %scan3A_131 = arith.constant 125 : i32
      %scan3A_132 = arith.addi %scan3A_130, %scan3A_131 : i32
      %scan3A_133 = arith.constant 1 : i32
      %scan3A_134 = scf.for %scan3A_155 = %scan3A_130 to %scan3A_132 step %scan3A_133 iter_args(%scan3A_156 = %scan3A_129) -> (i32)  : i32 {
        %mul3A_157 = arith.constant 16 : i32
        %mul3A_158 = arith.muli %scan3A_155, %mul3A_157 : i32
        %get3A_159 = arith.index_cast %mul3A_158 : i32 to index
        %get3A_160 = tpu.vector_load %arg7[%get3A_159] {strides = array<i32>} : memref<2000xi32, #tpu.memory_space<vmem>>, vector<16xi32>,
        %get3A_161 = vector.shape_cast %get3A_160 : vector<16xi32> to vector<16xi32>
        %ge3A = vector.broadcast %mul3A_72 : i32 to vector<16xi32>
        %ge3A_162 = arith.cmpi sge, %get3A_161, %ge3A : vector<16xi32>
        %add3A_163 = arith.constant 5000 : i32
        %add3A_164 = arith.addi %mul3A_72, %add3A_163 : i32
        %lt3A_165 = vector.broadcast %add3A_164 : i32 to vector<16xi32>
        %lt3A_166 = arith.cmpi slt, %get3A_161, %lt3A_165 : vector<16xi32>
        %and3A_167 = arith.andi %ge3A_162, %lt3A_166 : vector<16xi1>
        %sub3A_168 = vector.broadcast %mul3A_72 : i32 to vector<16xi32>
        %sub3A_169 = arith.subi %get3A_161, %sub3A_168 : vector<16xi32>
        %jit3A_170 = arith.constant 5000 : i32
        %broadcast_in_dim3A_171 = vector.broadcast %jit3A_170 : i32 to vector<16xi32>
        %select_n3A_172 = arith.select %and3A_167, %sub3A_169, %broadcast_in_dim3A_171 : vector<16xi1>, vector<16xi32>
        %mul3A_173 = arith.constant 8 : i32
        %mul3A_174 = vector.broadcast %mul3A_173 : i32 to vector<16xi32>
        %mul3A_175 = arith.muli %select_n3A_172, %mul3A_174 : vector<16xi32>
        %mul3A_176 = arith.constant 16 : i32
        %mul3A_177 = arith.muli %scan3A_155, %mul3A_176 : i32
        %get3A_178 = arith.index_cast %mul3A_177 : i32 to index
        %get3A_179 = tpu.vector_load %arg8[%get3A_178] {strides = array<i32>} : memref<2000xi32, #tpu.memory_space<vmem>>, vector<16xi32>,
        %get3A_180 = vector.shape_cast %get3A_179 : vector<16xi32> to vector<16xi32>
        %mul3A_181 = arith.constant 8 : i32
        %mul3A_182 = vector.broadcast %mul3A_181 : i32 to vector<16xi32>
        %mul3A_183 = arith.muli %get3A_180, %mul3A_182 : vector<16xi32>
        %slice3A = vector.extract_strided_slice %mul3A_175 {offsets = [0], sizes = [1], strides = [1]} : vector<16xi32> to vector<1xi32>
        %squeeze3A = vector.extract %slice3A[0] : i32 from vector<1xi32>
        %slice3A_184 = vector.extract_strided_slice %mul3A_183 {offsets = [0], sizes = [1], strides = [1]} : vector<16xi32> to vector<1xi32>
        %squeeze3A_185 = vector.extract %slice3A_184[0] : i32 from vector<1xi32>
        %get3A_186 = arith.index_cast %squeeze3A : i32 to index
        %get3A_187 = tpu.vector_load %arg12[%get3A_186] {strides = array<i32>} : memref<40032xi32, #tpu.memory_space<vmem>>, vector<16xi32>,
        %get3A_188 = vector.shape_cast %get3A_187 : vector<16xi32> to vector<16xi32>
        %get3A_189 = arith.index_cast %squeeze3A_185 : i32 to index
        %get3A_190 = tpu.vector_load %arg11[%get3A_189] {strides = array<i32>} : memref<80016xi32, #tpu.memory_space<vmem>>, vector<16xi32>,
        %get3A_191 = vector.shape_cast %get3A_190 : vector<16xi32> to vector<16xi32>
        %and3A_192 = arith.andi %get3A_191, %get3A_82 : vector<16xi32>
        %and3A_193 = arith.constant 65535 : i32
        %and3A_194 = vector.broadcast %and3A_193 : i32 to vector<16xi32>
        %and3A_195 = arith.andi %get3A_188, %and3A_194 : vector<16xi32>
        %and3A_196 = arith.constant 65535 : i32
        %and3A_197 = vector.broadcast %and3A_196 : i32 to vector<16xi32>
        %and3A_198 = arith.andi %and3A_192, %and3A_197 : vector<16xi32>
        %max3A = arith.maxsi %and3A_195, %and3A_198 : vector<16xi32>
        %shift_right_logical3A = arith.constant 16 : i32
        %shift_right_logical3A_199 = vector.broadcast %shift_right_logical3A : i32 to vector<16xi32>
        %shift_right_logical3A_200 = arith.shrui %get3A_188, %shift_right_logical3A_199 : vector<16xi32>
        %shift_right_logical3A_201 = arith.constant 16 : i32
        %shift_right_logical3A_202 = vector.broadcast %shift_right_logical3A_201 : i32 to vector<16xi32>
        %shift_right_logical3A_203 = arith.shrui %and3A_192, %shift_right_logical3A_202 : vector<16xi32>
        %max3A_204 = arith.maxsi %shift_right_logical3A_200, %shift_right_logical3A_203 : vector<16xi32>
        %shift_left3A = arith.constant 16 : i32
        %shift_left3A_205 = vector.broadcast %shift_left3A : i32 to vector<16xi32>
        %shift_left3A_206 = arith.shli %max3A_204, %shift_left3A_205 : vector<16xi32>
        %or3A = arith.ori %max3A, %shift_left3A_206 : vector<16xi32>
        %swap3A_207 = arith.index_cast %squeeze3A : i32 to index
        %swap3A_208 = tpu.vector_load %arg12[%swap3A_207] {strides = array<i32>} : memref<40032xi32, #tpu.memory_space<vmem>>, vector<16xi32>,
        %swap3A_209 = vector.shape_cast %swap3A_208 : vector<16xi32> to vector<16xi32>
        %swap3A_210 = vector.shape_cast %or3A : vector<16xi32> to vector<16xi32>
        tpu.vector_store %arg12[%swap3A_207], %swap3A_210 {strides = array<i32>} : memref<40032xi32, #tpu.memory_space<vmem>>, vector<16xi32>,
        %slice3A_211 = vector.extract_strided_slice %mul3A_175 {offsets = [1], sizes = [1], strides = [1]} : vector<16xi32> to vector<1xi32>
        %squeeze3A_212 = vector.extract %slice3A_211[0] : i32 from vector<1xi32>
        %slice3A_213 = vector.extract_strided_slice %mul3A_183 {offsets = [1], sizes = [1], strides = [1]} : vector<16xi32> to vector<1xi32>
        %squeeze3A_214 = vector.extract %slice3A_213[0] : i32 from vector<1xi32>
        %get3A_215 = arith.index_cast %squeeze3A_212 : i32 to index
        %get3A_216 = tpu.vector_load %arg12[%get3A_215] {strides = array<i32>} : memref<40032xi32, #tpu.memory_space<vmem>>, vector<16xi32>,
        %get3A_217 = vector.shape_cast %get3A_216 : vector<16xi32> to vector<16xi32>
        %get3A_218 = arith.index_cast %squeeze3A_214 : i32 to index
        %get3A_219 = tpu.vector_load %arg11[%get3A_218] {strides = array<i32>} : memref<80016xi32, #tpu.memory_space<vmem>>, vector<16xi32>,
        %get3A_220 = vector.shape_cast %get3A_219 : vector<16xi32> to vector<16xi32>
        %and3A_221 = arith.andi %get3A_220, %get3A_82 : vector<16xi32>
        %and3A_222 = arith.constant 65535 : i32
        %and3A_223 = vector.broadcast %and3A_222 : i32 to vector<16xi32>
        %and3A_224 = arith.andi %get3A_217, %and3A_223 : vector<16xi32>
        %and3A_225 = arith.constant 65535 : i32
        %and3A_226 = vector.broadcast %and3A_225 : i32 to vector<16xi32>
        %and3A_227 = arith.andi %and3A_221, %and3A_226 : vector<16xi32>
        %max3A_228 = arith.maxsi %and3A_224, %and3A_227 : vector<16xi32>
        %shift_right_logical3A_229 = arith.constant 16 : i32
        %shift_right_logical3A_230 = vector.broadcast %shift_right_logical3A_229 : i32 to vector<16xi32>
        %shift_right_logical3A_231 = arith.shrui %get3A_217, %shift_right_logical3A_230 : vector<16xi32>
        %shift_right_logical3A_232 = arith.constant 16 : i32
        %shift_right_logical3A_233 = vector.broadcast %shift_right_logical3A_232 : i32 to vector<16xi32>
        %shift_right_logical3A_234 = arith.shrui %and3A_221, %shift_right_logical3A_233 : vector<16xi32>
        %max3A_235 = arith.maxsi %shift_right_logical3A_231, %shift_right_logical3A_234 : vector<16xi32>
        %shift_left3A_236 = arith.constant 16 : i32
        %shift_left3A_237 = vector.broadcast %shift_left3A_236 : i32 to vector<16xi32>
        %shift_left3A_238 = arith.shli %max3A_235, %shift_left3A_237 : vector<16xi32>
        %or3A_239 = arith.ori %max3A_228, %shift_left3A_238 : vector<16xi32>
        %swap3A_240 = arith.index_cast %squeeze3A_212 : i32 to index
        %swap3A_241 = tpu.vector_load %arg12[%swap3A_240] {strides = array<i32>} : memref<40032xi32, #tpu.memory_space<vmem>>, vector<16xi32>,
        %swap3A_242 = vector.shape_cast %swap3A_241 : vector<16xi32> to vector<16xi32>
        %swap3A_243 = vector.shape_cast %or3A_239 : vector<16xi32> to vector<16xi32>
        tpu.vector_store %arg12[%swap3A_240], %swap3A_243 {strides = array<i32>} : memref<40032xi32, #tpu.memory_space<vmem>>, vector<16xi32>,
        %slice3A_244 = vector.extract_strided_slice %mul3A_175 {offsets = [2], sizes = [1], strides = [1]} : vector<16xi32> to vector<1xi32>
        %squeeze3A_245 = vector.extract %slice3A_244[0] : i32 from vector<1xi32>
        %slice3A_246 = vector.extract_strided_slice %mul3A_183 {offsets = [2], sizes = [1], strides = [1]} : vector<16xi32> to vector<1xi32>
        %squeeze3A_247 = vector.extract %slice3A_246[0] : i32 from vector<1xi32>
        %get3A_248 = arith.index_cast %squeeze3A_245 : i32 to index
        %get3A_249 = tpu.vector_load %arg12[%get3A_248] {strides = array<i32>} : memref<40032xi32, #tpu.memory_space<vmem>>, vector<16xi32>,
        %get3A_250 = vector.shape_cast %get3A_249 : vector<16xi32> to vector<16xi32>
        %get3A_251 = arith.index_cast %squeeze3A_247 : i32 to index
        %get3A_252 = tpu.vector_load %arg11[%get3A_251] {strides = array<i32>} : memref<80016xi32, #tpu.memory_space<vmem>>, vector<16xi32>,
        %get3A_253 = vector.shape_cast %get3A_252 : vector<16xi32> to vector<16xi32>
        %and3A_254 = arith.andi %get3A_253, %get3A_82 : vector<16xi32>
        %and3A_255 = arith.constant 65535 : i32
        %and3A_256 = vector.broadcast %and3A_255 : i32 to vector<16xi32>
        %and3A_257 = arith.andi %get3A_250, %and3A_256 : vector<16xi32>
        %and3A_258 = arith.constant 65535 : i32
        %and3A_259 = vector.broadcast %and3A_258 : i32 to vector<16xi32>
        %and3A_260 = arith.andi %and3A_254, %and3A_259 : vector<16xi32>
        %max3A_261 = arith.maxsi %and3A_257, %and3A_260 : vector<16xi32>
        %shift_right_logical3A_262 = arith.constant 16 : i32
        %shift_right_logical3A_263 = vector.broadcast %shift_right_logical3A_262 : i32 to vector<16xi32>
        %shift_right_logical3A_264 = arith.shrui %get3A_250, %shift_right_logical3A_263 : vector<16xi32>
        %shift_right_logical3A_265 = arith.constant 16 : i32
        %shift_right_logical3A_266 = vector.broadcast %shift_right_logical3A_265 : i32 to vector<16xi32>
        %shift_right_logical3A_267 = arith.shrui %and3A_254, %shift_right_logical3A_266 : vector<16xi32>
        %max3A_268 = arith.maxsi %shift_right_logical3A_264, %shift_right_logical3A_267 : vector<16xi32>
        %shift_left3A_269 = arith.constant 16 : i32
        %shift_left3A_270 = vector.broadcast %shift_left3A_269 : i32 to vector<16xi32>
        %shift_left3A_271 = arith.shli %max3A_268, %shift_left3A_270 : vector<16xi32>
        %or3A_272 = arith.ori %max3A_261, %shift_left3A_271 : vector<16xi32>
        %swap3A_273 = arith.index_cast %squeeze3A_245 : i32 to index
        %swap3A_274 = tpu.vector_load %arg12[%swap3A_273] {strides = array<i32>} : memref<40032xi32, #tpu.memory_space<vmem>>, vector<16xi32>,
        %swap3A_275 = vector.shape_cast %swap3A_274 : vector<16xi32> to vector<16xi32>
        %swap3A_276 = vector.shape_cast %or3A_272 : vector<16xi32> to vector<16xi32>
        tpu.vector_store %arg12[%swap3A_273], %swap3A_276 {strides = array<i32>} : memref<40032xi32, #tpu.memory_space<vmem>>, vector<16xi32>,
        %slice3A_277 = vector.extract_strided_slice %mul3A_175 {offsets = [3], sizes = [1], strides = [1]} : vector<16xi32> to vector<1xi32>
        %squeeze3A_278 = vector.extract %slice3A_277[0] : i32 from vector<1xi32>
        %slice3A_279 = vector.extract_strided_slice %mul3A_183 {offsets = [3], sizes = [1], strides = [1]} : vector<16xi32> to vector<1xi32>
        %squeeze3A_280 = vector.extract %slice3A_279[0] : i32 from vector<1xi32>
        %get3A_281 = arith.index_cast %squeeze3A_278 : i32 to index
        %get3A_282 = tpu.vector_load %arg12[%get3A_281] {strides = array<i32>} : memref<40032xi32, #tpu.memory_space<vmem>>, vector<16xi32>,
        %get3A_283 = vector.shape_cast %get3A_282 : vector<16xi32> to vector<16xi32>
        %get3A_284 = arith.index_cast %squeeze3A_280 : i32 to index
        %get3A_285 = tpu.vector_load %arg11[%get3A_284] {strides = array<i32>} : memref<80016xi32, #tpu.memory_space<vmem>>, vector<16xi32>,
        %get3A_286 = vector.shape_cast %get3A_285 : vector<16xi32> to vector<16xi32>
        %and3A_287 = arith.andi %get3A_286, %get3A_82 : vector<16xi32>
        %and3A_288 = arith.constant 65535 : i32
        %and3A_289 = vector.broadcast %and3A_288 : i32 to vector<16xi32>
        %and3A_290 = arith.andi %get3A_283, %and3A_289 : vector<16xi32>
        %and3A_291 = arith.constant 65535 : i32
        %and3A_292 = vector.broadcast %and3A_291 : i32 to vector<16xi32>
        %and3A_293 = arith.andi %and3A_287, %and3A_292 : vector<16xi32>
        %max3A_294 = arith.maxsi %and3A_290, %and3A_293 : vector<16xi32>
        %shift_right_logical3A_295 = arith.constant 16 : i32
        %shift_right_logical3A_296 = vector.broadcast %shift_right_logical3A_295 : i32 to vector<16xi32>
        %shift_right_logical3A_297 = arith.shrui %get3A_283, %shift_right_logical3A_296 : vector<16xi32>
        %shift_right_logical3A_298 = arith.constant 16 : i32
        %shift_right_logical3A_299 = vector.broadcast %shift_right_logical3A_298 : i32 to vector<16xi32>
        %shift_right_logical3A_300 = arith.shrui %and3A_287, %shift_right_logical3A_299 : vector<16xi32>
        %max3A_301 = arith.maxsi %shift_right_logical3A_297, %shift_right_logical3A_300 : vector<16xi32>
        %shift_left3A_302 = arith.constant 16 : i32
        %shift_left3A_303 = vector.broadcast %shift_left3A_302 : i32 to vector<16xi32>
        %shift_left3A_304 = arith.shli %max3A_301, %shift_left3A_303 : vector<16xi32>
        %or3A_305 = arith.ori %max3A_294, %shift_left3A_304 : vector<16xi32>
        %swap3A_306 = arith.index_cast %squeeze3A_278 : i32 to index
        %swap3A_307 = tpu.vector_load %arg12[%swap3A_306] {strides = array<i32>} : memref<40032xi32, #tpu.memory_space<vmem>>, vector<16xi32>,
        %swap3A_308 = vector.shape_cast %swap3A_307 : vector<16xi32> to vector<16xi32>
        %swap3A_309 = vector.shape_cast %or3A_305 : vector<16xi32> to vector<16xi32>
        tpu.vector_store %arg12[%swap3A_306], %swap3A_309 {strides = array<i32>} : memref<40032xi32, #tpu.memory_space<vmem>>, vector<16xi32>,
        %slice3A_310 = vector.extract_strided_slice %mul3A_175 {offsets = [4], sizes = [1], strides = [1]} : vector<16xi32> to vector<1xi32>
        %squeeze3A_311 = vector.extract %slice3A_310[0] : i32 from vector<1xi32>
        %slice3A_312 = vector.extract_strided_slice %mul3A_183 {offsets = [4], sizes = [1], strides = [1]} : vector<16xi32> to vector<1xi32>
        %squeeze3A_313 = vector.extract %slice3A_312[0] : i32 from vector<1xi32>
        %get3A_314 = arith.index_cast %squeeze3A_311 : i32 to index
        %get3A_315 = tpu.vector_load %arg12[%get3A_314] {strides = array<i32>} : memref<40032xi32, #tpu.memory_space<vmem>>, vector<16xi32>,
        %get3A_316 = vector.shape_cast %get3A_315 : vector<16xi32> to vector<16xi32>
        %get3A_317 = arith.index_cast %squeeze3A_313 : i32 to index
        %get3A_318 = tpu.vector_load %arg11[%get3A_317] {strides = array<i32>} : memref<80016xi32, #tpu.memory_space<vmem>>, vector<16xi32>,
        %get3A_319 = vector.shape_cast %get3A_318 : vector<16xi32> to vector<16xi32>
        %and3A_320 = arith.andi %get3A_319, %get3A_82 : vector<16xi32>
        %and3A_321 = arith.constant 65535 : i32
        %and3A_322 = vector.broadcast %and3A_321 : i32 to vector<16xi32>
        %and3A_323 = arith.andi %get3A_316, %and3A_322 : vector<16xi32>
        %and3A_324 = arith.constant 65535 : i32
        %and3A_325 = vector.broadcast %and3A_324 : i32 to vector<16xi32>
        %and3A_326 = arith.andi %and3A_320, %and3A_325 : vector<16xi32>
        %max3A_327 = arith.maxsi %and3A_323, %and3A_326 : vector<16xi32>
        %shift_right_logical3A_328 = arith.constant 16 : i32
        %shift_right_logical3A_329 = vector.broadcast %shift_right_logical3A_328 : i32 to vector<16xi32>
        %shift_right_logical3A_330 = arith.shrui %get3A_316, %shift_right_logical3A_329 : vector<16xi32>
        %shift_right_logical3A_331 = arith.constant 16 : i32
        %shift_right_logical3A_332 = vector.broadcast %shift_right_logical3A_331 : i32 to vector<16xi32>
        %shift_right_logical3A_333 = arith.shrui %and3A_320, %shift_right_logical3A_332 : vector<16xi32>
        %max3A_334 = arith.maxsi %shift_right_logical3A_330, %shift_right_logical3A_333 : vector<16xi32>
        %shift_left3A_335 = arith.constant 16 : i32
        %shift_left3A_336 = vector.broadcast %shift_left3A_335 : i32 to vector<16xi32>
        %shift_left3A_337 = arith.shli %max3A_334, %shift_left3A_336 : vector<16xi32>
        %or3A_338 = arith.ori %max3A_327, %shift_left3A_337 : vector<16xi32>
        %swap3A_339 = arith.index_cast %squeeze3A_311 : i32 to index
        %swap3A_340 = tpu.vector_load %arg12[%swap3A_339] {strides = array<i32>} : memref<40032xi32, #tpu.memory_space<vmem>>, vector<16xi32>,
        %swap3A_341 = vector.shape_cast %swap3A_340 : vector<16xi32> to vector<16xi32>
        %swap3A_342 = vector.shape_cast %or3A_338 : vector<16xi32> to vector<16xi32>
        tpu.vector_store %arg12[%swap3A_339], %swap3A_342 {strides = array<i32>} : memref<40032xi32, #tpu.memory_space<vmem>>, vector<16xi32>,
        %slice3A_343 = vector.extract_strided_slice %mul3A_175 {offsets = [5], sizes = [1], strides = [1]} : vector<16xi32> to vector<1xi32>
        %squeeze3A_344 = vector.extract %slice3A_343[0] : i32 from vector<1xi32>
        %slice3A_345 = vector.extract_strided_slice %mul3A_183 {offsets = [5], sizes = [1], strides = [1]} : vector<16xi32> to vector<1xi32>
        %squeeze3A_346 = vector.extract %slice3A_345[0] : i32 from vector<1xi32>
        %get3A_347 = arith.index_cast %squeeze3A_344 : i32 to index
        %get3A_348 = tpu.vector_load %arg12[%get3A_347] {strides = array<i32>} : memref<40032xi32, #tpu.memory_space<vmem>>, vector<16xi32>,
        %get3A_349 = vector.shape_cast %get3A_348 : vector<16xi32> to vector<16xi32>
        %get3A_350 = arith.index_cast %squeeze3A_346 : i32 to index
        %get3A_351 = tpu.vector_load %arg11[%get3A_350] {strides = array<i32>} : memref<80016xi32, #tpu.memory_space<vmem>>, vector<16xi32>,
        %get3A_352 = vector.shape_cast %get3A_351 : vector<16xi32> to vector<16xi32>
        %and3A_353 = arith.andi %get3A_352, %get3A_82 : vector<16xi32>
        %and3A_354 = arith.constant 65535 : i32
        %and3A_355 = vector.broadcast %and3A_354 : i32 to vector<16xi32>
        %and3A_356 = arith.andi %get3A_349, %and3A_355 : vector<16xi32>
        %and3A_357 = arith.constant 65535 : i32
        %and3A_358 = vector.broadcast %and3A_357 : i32 to vector<16xi32>
        %and3A_359 = arith.andi %and3A_353, %and3A_358 : vector<16xi32>
        %max3A_360 = arith.maxsi %and3A_356, %and3A_359 : vector<16xi32>
        %shift_right_logical3A_361 = arith.constant 16 : i32
        %shift_right_logical3A_362 = vector.broadcast %shift_right_logical3A_361 : i32 to vector<16xi32>
        %shift_right_logical3A_363 = arith.shrui %get3A_349, %shift_right_logical3A_362 : vector<16xi32>
        %shift_right_logical3A_364 = arith.constant 16 : i32
        %shift_right_logical3A_365 = vector.broadcast %shift_right_logical3A_364 : i32 to vector<16xi32>
        %shift_right_logical3A_366 = arith.shrui %and3A_353, %shift_right_logical3A_365 : vector<16xi32>
        %max3A_367 = arith.maxsi %shift_right_logical3A_363, %shift_right_logical3A_366 : vector<16xi32>
        %shift_left3A_368 = arith.constant 16 : i32
        %shift_left3A_369 = vector.broadcast %shift_left3A_368 : i32 to vector<16xi32>
        %shift_left3A_370 = arith.shli %max3A_367, %shift_left3A_369 : vector<16xi32>
        %or3A_371 = arith.ori %max3A_360, %shift_left3A_370 : vector<16xi32>
        %swap3A_372 = arith.index_cast %squeeze3A_344 : i32 to index
        %swap3A_373 = tpu.vector_load %arg12[%swap3A_372] {strides = array<i32>} : memref<40032xi32, #tpu.memory_space<vmem>>, vector<16xi32>,
        %swap3A_374 = vector.shape_cast %swap3A_373 : vector<16xi32> to vector<16xi32>
        %swap3A_375 = vector.shape_cast %or3A_371 : vector<16xi32> to vector<16xi32>
        tpu.vector_store %arg12[%swap3A_372], %swap3A_375 {strides = array<i32>} : memref<40032xi32, #tpu.memory_space<vmem>>, vector<16xi32>,
        %slice3A_376 = vector.extract_strided_slice %mul3A_175 {offsets = [6], sizes = [1], strides = [1]} : vector<16xi32> to vector<1xi32>
        %squeeze3A_377 = vector.extract %slice3A_376[0] : i32 from vector<1xi32>
        %slice3A_378 = vector.extract_strided_slice %mul3A_183 {offsets = [6], sizes = [1], strides = [1]} : vector<16xi32> to vector<1xi32>
        %squeeze3A_379 = vector.extract %slice3A_378[0] : i32 from vector<1xi32>
        %get3A_380 = arith.index_cast %squeeze3A_377 : i32 to index
        %get3A_381 = tpu.vector_load %arg12[%get3A_380] {strides = array<i32>} : memref<40032xi32, #tpu.memory_space<vmem>>, vector<16xi32>,
        %get3A_382 = vector.shape_cast %get3A_381 : vector<16xi32> to vector<16xi32>
        %get3A_383 = arith.index_cast %squeeze3A_379 : i32 to index
        %get3A_384 = tpu.vector_load %arg11[%get3A_383] {strides = array<i32>} : memref<80016xi32, #tpu.memory_space<vmem>>, vector<16xi32>,
        %get3A_385 = vector.shape_cast %get3A_384 : vector<16xi32> to vector<16xi32>
        %and3A_386 = arith.andi %get3A_385, %get3A_82 : vector<16xi32>
        %and3A_387 = arith.constant 65535 : i32
        %and3A_388 = vector.broadcast %and3A_387 : i32 to vector<16xi32>
        %and3A_389 = arith.andi %get3A_382, %and3A_388 : vector<16xi32>
        %and3A_390 = arith.constant 65535 : i32
        %and3A_391 = vector.broadcast %and3A_390 : i32 to vector<16xi32>
        %and3A_392 = arith.andi %and3A_386, %and3A_391 : vector<16xi32>
        %max3A_393 = arith.maxsi %and3A_389, %and3A_392 : vector<16xi32>
        %shift_right_logical3A_394 = arith.constant 16 : i32
        %shift_right_logical3A_395 = vector.broadcast %shift_right_logical3A_394 : i32 to vector<16xi32>
        %shift_right_logical3A_396 = arith.shrui %get3A_382, %shift_right_logical3A_395 : vector<16xi32>
        %shift_right_logical3A_397 = arith.constant 16 : i32
        %shift_right_logical3A_398 = vector.broadcast %shift_right_logical3A_397 : i32 to vector<16xi32>
        %shift_right_logical3A_399 = arith.shrui %and3A_386, %shift_right_logical3A_398 : vector<16xi32>
        %max3A_400 = arith.maxsi %shift_right_logical3A_396, %shift_right_logical3A_399 : vector<16xi32>
        %shift_left3A_401 = arith.constant 16 : i32
        %shift_left3A_402 = vector.broadcast %shift_left3A_401 : i32 to vector<16xi32>
        %shift_left3A_403 = arith.shli %max3A_400, %shift_left3A_402 : vector<16xi32>
        %or3A_404 = arith.ori %max3A_393, %shift_left3A_403 : vector<16xi32>
        %swap3A_405 = arith.index_cast %squeeze3A_377 : i32 to index
        %swap3A_406 = tpu.vector_load %arg12[%swap3A_405] {strides = array<i32>} : memref<40032xi32, #tpu.memory_space<vmem>>, vector<16xi32>,
        %swap3A_407 = vector.shape_cast %swap3A_406 : vector<16xi32> to vector<16xi32>
        %swap3A_408 = vector.shape_cast %or3A_404 : vector<16xi32> to vector<16xi32>
        tpu.vector_store %arg12[%swap3A_405], %swap3A_408 {strides = array<i32>} : memref<40032xi32, #tpu.memory_space<vmem>>, vector<16xi32>,
        %slice3A_409 = vector.extract_strided_slice %mul3A_175 {offsets = [7], sizes = [1], strides = [1]} : vector<16xi32> to vector<1xi32>
        %squeeze3A_410 = vector.extract %slice3A_409[0] : i32 from vector<1xi32>
        %slice3A_411 = vector.extract_strided_slice %mul3A_183 {offsets = [7], sizes = [1], strides = [1]} : vector<16xi32> to vector<1xi32>
        %squeeze3A_412 = vector.extract %slice3A_411[0] : i32 from vector<1xi32>
        %get3A_413 = arith.index_cast %squeeze3A_410 : i32 to index
        %get3A_414 = tpu.vector_load %arg12[%get3A_413] {strides = array<i32>} : memref<40032xi32, #tpu.memory_space<vmem>>, vector<16xi32>,
        %get3A_415 = vector.shape_cast %get3A_414 : vector<16xi32> to vector<16xi32>
        %get3A_416 = arith.index_cast %squeeze3A_412 : i32 to index
        %get3A_417 = tpu.vector_load %arg11[%get3A_416] {strides = array<i32>} : memref<80016xi32, #tpu.memory_space<vmem>>, vector<16xi32>,
        %get3A_418 = vector.shape_cast %get3A_417 : vector<16xi32> to vector<16xi32>
        %and3A_419 = arith.andi %get3A_418, %get3A_82 : vector<16xi32>
        %and3A_420 = arith.constant 65535 : i32
        %and3A_421 = vector.broadcast %and3A_420 : i32 to vector<16xi32>
        %and3A_422 = arith.andi %get3A_415, %and3A_421 : vector<16xi32>
        %and3A_423 = arith.constant 65535 : i32
        %and3A_424 = vector.broadcast %and3A_423 : i32 to vector<16xi32>
        %and3A_425 = arith.andi %and3A_419, %and3A_424 : vector<16xi32>
        %max3A_426 = arith.maxsi %and3A_422, %and3A_425 : vector<16xi32>
        %shift_right_logical3A_427 = arith.constant 16 : i32
        %shift_right_logical3A_428 = vector.broadcast %shift_right_logical3A_427 : i32 to vector<16xi32>
        %shift_right_logical3A_429 = arith.shrui %get3A_415, %shift_right_logical3A_428 : vector<16xi32>
        %shift_right_logical3A_430 = arith.constant 16 : i32
        %shift_right_logical3A_431 = vector.broadcast %shift_right_logical3A_430 : i32 to vector<16xi32>
        %shift_right_logical3A_432 = arith.shrui %and3A_419, %shift_right_logical3A_431 : vector<16xi32>
        %max3A_433 = arith.maxsi %shift_right_logical3A_429, %shift_right_logical3A_432 : vector<16xi32>
        %shift_left3A_434 = arith.constant 16 : i32
        %shift_left3A_435 = vector.broadcast %shift_left3A_434 : i32 to vector<16xi32>
        %shift_left3A_436 = arith.shli %max3A_433, %shift_left3A_435 : vector<16xi32>
        %or3A_437 = arith.ori %max3A_426, %shift_left3A_436 : vector<16xi32>
        %swap3A_438 = arith.index_cast %squeeze3A_410 : i32 to index
        %swap3A_439 = tpu.vector_load %arg12[%swap3A_438] {strides = array<i32>} : memref<40032xi32, #tpu.memory_space<vmem>>, vector<16xi32>,
        %swap3A_440 = vector.shape_cast %swap3A_439 : vector<16xi32> to vector<16xi32>
        %swap3A_441 = vector.shape_cast %or3A_437 : vector<16xi32> to vector<16xi32>
        tpu.vector_store %arg12[%swap3A_438], %swap3A_441 {strides = array<i32>} : memref<40032xi32, #tpu.memory_space<vmem>>, vector<16xi32>,
        %slice3A_442 = vector.extract_strided_slice %mul3A_175 {offsets = [8], sizes = [1], strides = [1]} : vector<16xi32> to vector<1xi32>
        %squeeze3A_443 = vector.extract %slice3A_442[0] : i32 from vector<1xi32>
        %slice3A_444 = vector.extract_strided_slice %mul3A_183 {offsets = [8], sizes = [1], strides = [1]} : vector<16xi32> to vector<1xi32>
        %squeeze3A_445 = vector.extract %slice3A_444[0] : i32 from vector<1xi32>
        %get3A_446 = arith.index_cast %squeeze3A_443 : i32 to index
        %get3A_447 = tpu.vector_load %arg12[%get3A_446] {strides = array<i32>} : memref<40032xi32, #tpu.memory_space<vmem>>, vector<16xi32>,
        %get3A_448 = vector.shape_cast %get3A_447 : vector<16xi32> to vector<16xi32>
        %get3A_449 = arith.index_cast %squeeze3A_445 : i32 to index
        %get3A_450 = tpu.vector_load %arg11[%get3A_449] {strides = array<i32>} : memref<80016xi32, #tpu.memory_space<vmem>>, vector<16xi32>,
        %get3A_451 = vector.shape_cast %get3A_450 : vector<16xi32> to vector<16xi32>
        %and3A_452 = arith.andi %get3A_451, %get3A_82 : vector<16xi32>
        %and3A_453 = arith.constant 65535 : i32
        %and3A_454 = vector.broadcast %and3A_453 : i32 to vector<16xi32>
        %and3A_455 = arith.andi %get3A_448, %and3A_454 : vector<16xi32>
        %and3A_456 = arith.constant 65535 : i32
        %and3A_457 = vector.broadcast %and3A_456 : i32 to vector<16xi32>
        %and3A_458 = arith.andi %and3A_452, %and3A_457 : vector<16xi32>
        %max3A_459 = arith.maxsi %and3A_455, %and3A_458 : vector<16xi32>
        %shift_right_logical3A_460 = arith.constant 16 : i32
        %shift_right_logical3A_461 = vector.broadcast %shift_right_logical3A_460 : i32 to vector<16xi32>
        %shift_right_logical3A_462 = arith.shrui %get3A_448, %shift_right_logical3A_461 : vector<16xi32>
        %shift_right_logical3A_463 = arith.constant 16 : i32
        %shift_right_logical3A_464 = vector.broadcast %shift_right_logical3A_463 : i32 to vector<16xi32>
        %shift_right_logical3A_465 = arith.shrui %and3A_452, %shift_right_logical3A_464 : vector<16xi32>
        %max3A_466 = arith.maxsi %shift_right_logical3A_462, %shift_right_logical3A_465 : vector<16xi32>
        %shift_left3A_467 = arith.constant 16 : i32
        %shift_left3A_468 = vector.broadcast %shift_left3A_467 : i32 to vector<16xi32>
        %shift_left3A_469 = arith.shli %max3A_466, %shift_left3A_468 : vector<16xi32>
        %or3A_470 = arith.ori %max3A_459, %shift_left3A_469 : vector<16xi32>
        %swap3A_471 = arith.index_cast %squeeze3A_443 : i32 to index
        %swap3A_472 = tpu.vector_load %arg12[%swap3A_471] {strides = array<i32>} : memref<40032xi32, #tpu.memory_space<vmem>>, vector<16xi32>,
        %swap3A_473 = vector.shape_cast %swap3A_472 : vector<16xi32> to vector<16xi32>
        %swap3A_474 = vector.shape_cast %or3A_470 : vector<16xi32> to vector<16xi32>
        tpu.vector_store %arg12[%swap3A_471], %swap3A_474 {strides = array<i32>} : memref<40032xi32, #tpu.memory_space<vmem>>, vector<16xi32>,
        %slice3A_475 = vector.extract_strided_slice %mul3A_175 {offsets = [9], sizes = [1], strides = [1]} : vector<16xi32> to vector<1xi32>
        %squeeze3A_476 = vector.extract %slice3A_475[0] : i32 from vector<1xi32>
        %slice3A_477 = vector.extract_strided_slice %mul3A_183 {offsets = [9], sizes = [1], strides = [1]} : vector<16xi32> to vector<1xi32>
        %squeeze3A_478 = vector.extract %slice3A_477[0] : i32 from vector<1xi32>
        %get3A_479 = arith.index_cast %squeeze3A_476 : i32 to index
        %get3A_480 = tpu.vector_load %arg12[%get3A_479] {strides = array<i32>} : memref<40032xi32, #tpu.memory_space<vmem>>, vector<16xi32>,
        %get3A_481 = vector.shape_cast %get3A_480 : vector<16xi32> to vector<16xi32>
        %get3A_482 = arith.index_cast %squeeze3A_478 : i32 to index
        %get3A_483 = tpu.vector_load %arg11[%get3A_482] {strides = array<i32>} : memref<80016xi32, #tpu.memory_space<vmem>>, vector<16xi32>,
        %get3A_484 = vector.shape_cast %get3A_483 : vector<16xi32> to vector<16xi32>
        %and3A_485 = arith.andi %get3A_484, %get3A_82 : vector<16xi32>
        %and3A_486 = arith.constant 65535 : i32
        %and3A_487 = vector.broadcast %and3A_486 : i32 to vector<16xi32>
        %and3A_488 = arith.andi %get3A_481, %and3A_487 : vector<16xi32>
        %and3A_489 = arith.constant 65535 : i32
        %and3A_490 = vector.broadcast %and3A_489 : i32 to vector<16xi32>
        %and3A_491 = arith.andi %and3A_485, %and3A_490 : vector<16xi32>
        %max3A_492 = arith.maxsi %and3A_488, %and3A_491 : vector<16xi32>
        %shift_right_logical3A_493 = arith.constant 16 : i32
        %shift_right_logical3A_494 = vector.broadcast %shift_right_logical3A_493 : i32 to vector<16xi32>
        %shift_right_logical3A_495 = arith.shrui %get3A_481, %shift_right_logical3A_494 : vector<16xi32>
        %shift_right_logical3A_496 = arith.constant 16 : i32
        %shift_right_logical3A_497 = vector.broadcast %shift_right_logical3A_496 : i32 to vector<16xi32>
        %shift_right_logical3A_498 = arith.shrui %and3A_485, %shift_right_logical3A_497 : vector<16xi32>
        %max3A_499 = arith.maxsi %shift_right_logical3A_495, %shift_right_logical3A_498 : vector<16xi32>
        %shift_left3A_500 = arith.constant 16 : i32
        %shift_left3A_501 = vector.broadcast %shift_left3A_500 : i32 to vector<16xi32>
        %shift_left3A_502 = arith.shli %max3A_499, %shift_left3A_501 : vector<16xi32>
        %or3A_503 = arith.ori %max3A_492, %shift_left3A_502 : vector<16xi32>
        %swap3A_504 = arith.index_cast %squeeze3A_476 : i32 to index
        %swap3A_505 = tpu.vector_load %arg12[%swap3A_504] {strides = array<i32>} : memref<40032xi32, #tpu.memory_space<vmem>>, vector<16xi32>,
        %swap3A_506 = vector.shape_cast %swap3A_505 : vector<16xi32> to vector<16xi32>
        %swap3A_507 = vector.shape_cast %or3A_503 : vector<16xi32> to vector<16xi32>
        tpu.vector_store %arg12[%swap3A_504], %swap3A_507 {strides = array<i32>} : memref<40032xi32, #tpu.memory_space<vmem>>, vector<16xi32>,
        %slice3A_508 = vector.extract_strided_slice %mul3A_175 {offsets = [10], sizes = [1], strides = [1]} : vector<16xi32> to vector<1xi32>
        %squeeze3A_509 = vector.extract %slice3A_508[0] : i32 from vector<1xi32>
        %slice3A_510 = vector.extract_strided_slice %mul3A_183 {offsets = [10], sizes = [1], strides = [1]} : vector<16xi32> to vector<1xi32>
        %squeeze3A_511 = vector.extract %slice3A_510[0] : i32 from vector<1xi32>
        %get3A_512 = arith.index_cast %squeeze3A_509 : i32 to index
        %get3A_513 = tpu.vector_load %arg12[%get3A_512] {strides = array<i32>} : memref<40032xi32, #tpu.memory_space<vmem>>, vector<16xi32>,
        %get3A_514 = vector.shape_cast %get3A_513 : vector<16xi32> to vector<16xi32>
        %get3A_515 = arith.index_cast %squeeze3A_511 : i32 to index
        %get3A_516 = tpu.vector_load %arg11[%get3A_515] {strides = array<i32>} : memref<80016xi32, #tpu.memory_space<vmem>>, vector<16xi32>,
        %get3A_517 = vector.shape_cast %get3A_516 : vector<16xi32> to vector<16xi32>
        %and3A_518 = arith.andi %get3A_517, %get3A_82 : vector<16xi32>
        %and3A_519 = arith.constant 65535 : i32
        %and3A_520 = vector.broadcast %and3A_519 : i32 to vector<16xi32>
        %and3A_521 = arith.andi %get3A_514, %and3A_520 : vector<16xi32>
        %and3A_522 = arith.constant 65535 : i32
        %and3A_523 = vector.broadcast %and3A_522 : i32 to vector<16xi32>
        %and3A_524 = arith.andi %and3A_518, %and3A_523 : vector<16xi32>
        %max3A_525 = arith.maxsi %and3A_521, %and3A_524 : vector<16xi32>
        %shift_right_logical3A_526 = arith.constant 16 : i32
        %shift_right_logical3A_527 = vector.broadcast %shift_right_logical3A_526 : i32 to vector<16xi32>
        %shift_right_logical3A_528 = arith.shrui %get3A_514, %shift_right_logical3A_527 : vector<16xi32>
        %shift_right_logical3A_529 = arith.constant 16 : i32
        %shift_right_logical3A_530 = vector.broadcast %shift_right_logical3A_529 : i32 to vector<16xi32>
        %shift_right_logical3A_531 = arith.shrui %and3A_518, %shift_right_logical3A_530 : vector<16xi32>
        %max3A_532 = arith.maxsi %shift_right_logical3A_528, %shift_right_logical3A_531 : vector<16xi32>
        %shift_left3A_533 = arith.constant 16 : i32
        %shift_left3A_534 = vector.broadcast %shift_left3A_533 : i32 to vector<16xi32>
        %shift_left3A_535 = arith.shli %max3A_532, %shift_left3A_534 : vector<16xi32>
        %or3A_536 = arith.ori %max3A_525, %shift_left3A_535 : vector<16xi32>
        %swap3A_537 = arith.index_cast %squeeze3A_509 : i32 to index
        %swap3A_538 = tpu.vector_load %arg12[%swap3A_537] {strides = array<i32>} : memref<40032xi32, #tpu.memory_space<vmem>>, vector<16xi32>,
        %swap3A_539 = vector.shape_cast %swap3A_538 : vector<16xi32> to vector<16xi32>
        %swap3A_540 = vector.shape_cast %or3A_536 : vector<16xi32> to vector<16xi32>
        tpu.vector_store %arg12[%swap3A_537], %swap3A_540 {strides = array<i32>} : memref<40032xi32, #tpu.memory_space<vmem>>, vector<16xi32>,
        %slice3A_541 = vector.extract_strided_slice %mul3A_175 {offsets = [11], sizes = [1], strides = [1]} : vector<16xi32> to vector<1xi32>
        %squeeze3A_542 = vector.extract %slice3A_541[0] : i32 from vector<1xi32>
        %slice3A_543 = vector.extract_strided_slice %mul3A_183 {offsets = [11], sizes = [1], strides = [1]} : vector<16xi32> to vector<1xi32>
        %squeeze3A_544 = vector.extract %slice3A_543[0] : i32 from vector<1xi32>
        %get3A_545 = arith.index_cast %squeeze3A_542 : i32 to index
        %get3A_546 = tpu.vector_load %arg12[%get3A_545] {strides = array<i32>} : memref<40032xi32, #tpu.memory_space<vmem>>, vector<16xi32>,
        %get3A_547 = vector.shape_cast %get3A_546 : vector<16xi32> to vector<16xi32>
        %get3A_548 = arith.index_cast %squeeze3A_544 : i32 to index
        %get3A_549 = tpu.vector_load %arg11[%get3A_548] {strides = array<i32>} : memref<80016xi32, #tpu.memory_space<vmem>>, vector<16xi32>,
        %get3A_550 = vector.shape_cast %get3A_549 : vector<16xi32> to vector<16xi32>
        %and3A_551 = arith.andi %get3A_550, %get3A_82 : vector<16xi32>
        %and3A_552 = arith.constant 65535 : i32
        %and3A_553 = vector.broadcast %and3A_552 : i32 to vector<16xi32>
        %and3A_554 = arith.andi %get3A_547, %and3A_553 : vector<16xi32>
        %and3A_555 = arith.constant 65535 : i32
        %and3A_556 = vector.broadcast %and3A_555 : i32 to vector<16xi32>
        %and3A_557 = arith.andi %and3A_551, %and3A_556 : vector<16xi32>
        %max3A_558 = arith.maxsi %and3A_554, %and3A_557 : vector<16xi32>
        %shift_right_logical3A_559 = arith.constant 16 : i32
        %shift_right_logical3A_560 = vector.broadcast %shift_right_logical3A_559 : i32 to vector<16xi32>
        %shift_right_logical3A_561 = arith.shrui %get3A_547, %shift_right_logical3A_560 : vector<16xi32>
        %shift_right_logical3A_562 = arith.constant 16 : i32
        %shift_right_logical3A_563 = vector.broadcast %shift_right_logical3A_562 : i32 to vector<16xi32>
        %shift_right_logical3A_564 = arith.shrui %and3A_551, %shift_right_logical3A_563 : vector<16xi32>
        %max3A_565 = arith.maxsi %shift_right_logical3A_561, %shift_right_logical3A_564 : vector<16xi32>
        %shift_left3A_566 = arith.constant 16 : i32
        %shift_left3A_567 = vector.broadcast %shift_left3A_566 : i32 to vector<16xi32>
        %shift_left3A_568 = arith.shli %max3A_565, %shift_left3A_567 : vector<16xi32>
        %or3A_569 = arith.ori %max3A_558, %shift_left3A_568 : vector<16xi32>
        %swap3A_570 = arith.index_cast %squeeze3A_542 : i32 to index
        %swap3A_571 = tpu.vector_load %arg12[%swap3A_570] {strides = array<i32>} : memref<40032xi32, #tpu.memory_space<vmem>>, vector<16xi32>,
        %swap3A_572 = vector.shape_cast %swap3A_571 : vector<16xi32> to vector<16xi32>
        %swap3A_573 = vector.shape_cast %or3A_569 : vector<16xi32> to vector<16xi32>
        tpu.vector_store %arg12[%swap3A_570], %swap3A_573 {strides = array<i32>} : memref<40032xi32, #tpu.memory_space<vmem>>, vector<16xi32>,
        %slice3A_574 = vector.extract_strided_slice %mul3A_175 {offsets = [12], sizes = [1], strides = [1]} : vector<16xi32> to vector<1xi32>
        %squeeze3A_575 = vector.extract %slice3A_574[0] : i32 from vector<1xi32>
        %slice3A_576 = vector.extract_strided_slice %mul3A_183 {offsets = [12], sizes = [1], strides = [1]} : vector<16xi32> to vector<1xi32>
        %squeeze3A_577 = vector.extract %slice3A_576[0] : i32 from vector<1xi32>
        %get3A_578 = arith.index_cast %squeeze3A_575 : i32 to index
        %get3A_579 = tpu.vector_load %arg12[%get3A_578] {strides = array<i32>} : memref<40032xi32, #tpu.memory_space<vmem>>, vector<16xi32>,
        %get3A_580 = vector.shape_cast %get3A_579 : vector<16xi32> to vector<16xi32>
        %get3A_581 = arith.index_cast %squeeze3A_577 : i32 to index
        %get3A_582 = tpu.vector_load %arg11[%get3A_581] {strides = array<i32>} : memref<80016xi32, #tpu.memory_space<vmem>>, vector<16xi32>,
        %get3A_583 = vector.shape_cast %get3A_582 : vector<16xi32> to vector<16xi32>
        %and3A_584 = arith.andi %get3A_583, %get3A_82 : vector<16xi32>
        %and3A_585 = arith.constant 65535 : i32
        %and3A_586 = vector.broadcast %and3A_585 : i32 to vector<16xi32>
        %and3A_587 = arith.andi %get3A_580, %and3A_586 : vector<16xi32>
        %and3A_588 = arith.constant 65535 : i32
        %and3A_589 = vector.broadcast %and3A_588 : i32 to vector<16xi32>
        %and3A_590 = arith.andi %and3A_584, %and3A_589 : vector<16xi32>
        %max3A_591 = arith.maxsi %and3A_587, %and3A_590 : vector<16xi32>
        %shift_right_logical3A_592 = arith.constant 16 : i32
        %shift_right_logical3A_593 = vector.broadcast %shift_right_logical3A_592 : i32 to vector<16xi32>
        %shift_right_logical3A_594 = arith.shrui %get3A_580, %shift_right_logical3A_593 : vector<16xi32>
        %shift_right_logical3A_595 = arith.constant 16 : i32
        %shift_right_logical3A_596 = vector.broadcast %shift_right_logical3A_595 : i32 to vector<16xi32>
        %shift_right_logical3A_597 = arith.shrui %and3A_584, %shift_right_logical3A_596 : vector<16xi32>
        %max3A_598 = arith.maxsi %shift_right_logical3A_594, %shift_right_logical3A_597 : vector<16xi32>
        %shift_left3A_599 = arith.constant 16 : i32
        %shift_left3A_600 = vector.broadcast %shift_left3A_599 : i32 to vector<16xi32>
        %shift_left3A_601 = arith.shli %max3A_598, %shift_left3A_600 : vector<16xi32>
        %or3A_602 = arith.ori %max3A_591, %shift_left3A_601 : vector<16xi32>
        %swap3A_603 = arith.index_cast %squeeze3A_575 : i32 to index
        %swap3A_604 = tpu.vector_load %arg12[%swap3A_603] {strides = array<i32>} : memref<40032xi32, #tpu.memory_space<vmem>>, vector<16xi32>,
        %swap3A_605 = vector.shape_cast %swap3A_604 : vector<16xi32> to vector<16xi32>
        %swap3A_606 = vector.shape_cast %or3A_602 : vector<16xi32> to vector<16xi32>
        tpu.vector_store %arg12[%swap3A_603], %swap3A_606 {strides = array<i32>} : memref<40032xi32, #tpu.memory_space<vmem>>, vector<16xi32>,
        %slice3A_607 = vector.extract_strided_slice %mul3A_175 {offsets = [13], sizes = [1], strides = [1]} : vector<16xi32> to vector<1xi32>
        %squeeze3A_608 = vector.extract %slice3A_607[0] : i32 from vector<1xi32>
        %slice3A_609 = vector.extract_strided_slice %mul3A_183 {offsets = [13], sizes = [1], strides = [1]} : vector<16xi32> to vector<1xi32>
        %squeeze3A_610 = vector.extract %slice3A_609[0] : i32 from vector<1xi32>
        %get3A_611 = arith.index_cast %squeeze3A_608 : i32 to index
        %get3A_612 = tpu.vector_load %arg12[%get3A_611] {strides = array<i32>} : memref<40032xi32, #tpu.memory_space<vmem>>, vector<16xi32>,
        %get3A_613 = vector.shape_cast %get3A_612 : vector<16xi32> to vector<16xi32>
        %get3A_614 = arith.index_cast %squeeze3A_610 : i32 to index
        %get3A_615 = tpu.vector_load %arg11[%get3A_614] {strides = array<i32>} : memref<80016xi32, #tpu.memory_space<vmem>>, vector<16xi32>,
        %get3A_616 = vector.shape_cast %get3A_615 : vector<16xi32> to vector<16xi32>
        %and3A_617 = arith.andi %get3A_616, %get3A_82 : vector<16xi32>
        %and3A_618 = arith.constant 65535 : i32
        %and3A_619 = vector.broadcast %and3A_618 : i32 to vector<16xi32>
        %and3A_620 = arith.andi %get3A_613, %and3A_619 : vector<16xi32>
        %and3A_621 = arith.constant 65535 : i32
        %and3A_622 = vector.broadcast %and3A_621 : i32 to vector<16xi32>
        %and3A_623 = arith.andi %and3A_617, %and3A_622 : vector<16xi32>
        %max3A_624 = arith.maxsi %and3A_620, %and3A_623 : vector<16xi32>
        %shift_right_logical3A_625 = arith.constant 16 : i32
        %shift_right_logical3A_626 = vector.broadcast %shift_right_logical3A_625 : i32 to vector<16xi32>
        %shift_right_logical3A_627 = arith.shrui %get3A_613, %shift_right_logical3A_626 : vector<16xi32>
        %shift_right_logical3A_628 = arith.constant 16 : i32
        %shift_right_logical3A_629 = vector.broadcast %shift_right_logical3A_628 : i32 to vector<16xi32>
        %shift_right_logical3A_630 = arith.shrui %and3A_617, %shift_right_logical3A_629 : vector<16xi32>
        %max3A_631 = arith.maxsi %shift_right_logical3A_627, %shift_right_logical3A_630 : vector<16xi32>
        %shift_left3A_632 = arith.constant 16 : i32
        %shift_left3A_633 = vector.broadcast %shift_left3A_632 : i32 to vector<16xi32>
        %shift_left3A_634 = arith.shli %max3A_631, %shift_left3A_633 : vector<16xi32>
        %or3A_635 = arith.ori %max3A_624, %shift_left3A_634 : vector<16xi32>
        %swap3A_636 = arith.index_cast %squeeze3A_608 : i32 to index
        %swap3A_637 = tpu.vector_load %arg12[%swap3A_636] {strides = array<i32>} : memref<40032xi32, #tpu.memory_space<vmem>>, vector<16xi32>,
        %swap3A_638 = vector.shape_cast %swap3A_637 : vector<16xi32> to vector<16xi32>
        %swap3A_639 = vector.shape_cast %or3A_635 : vector<16xi32> to vector<16xi32>
        tpu.vector_store %arg12[%swap3A_636], %swap3A_639 {strides = array<i32>} : memref<40032xi32, #tpu.memory_space<vmem>>, vector<16xi32>,
        %slice3A_640 = vector.extract_strided_slice %mul3A_175 {offsets = [14], sizes = [1], strides = [1]} : vector<16xi32> to vector<1xi32>
        %squeeze3A_641 = vector.extract %slice3A_640[0] : i32 from vector<1xi32>
        %slice3A_642 = vector.extract_strided_slice %mul3A_183 {offsets = [14], sizes = [1], strides = [1]} : vector<16xi32> to vector<1xi32>
        %squeeze3A_643 = vector.extract %slice3A_642[0] : i32 from vector<1xi32>
        %get3A_644 = arith.index_cast %squeeze3A_641 : i32 to index
        %get3A_645 = tpu.vector_load %arg12[%get3A_644] {strides = array<i32>} : memref<40032xi32, #tpu.memory_space<vmem>>, vector<16xi32>,
        %get3A_646 = vector.shape_cast %get3A_645 : vector<16xi32> to vector<16xi32>
        %get3A_647 = arith.index_cast %squeeze3A_643 : i32 to index
        %get3A_648 = tpu.vector_load %arg11[%get3A_647] {strides = array<i32>} : memref<80016xi32, #tpu.memory_space<vmem>>, vector<16xi32>,
        %get3A_649 = vector.shape_cast %get3A_648 : vector<16xi32> to vector<16xi32>
        %and3A_650 = arith.andi %get3A_649, %get3A_82 : vector<16xi32>
        %and3A_651 = arith.constant 65535 : i32
        %and3A_652 = vector.broadcast %and3A_651 : i32 to vector<16xi32>
        %and3A_653 = arith.andi %get3A_646, %and3A_652 : vector<16xi32>
        %and3A_654 = arith.constant 65535 : i32
        %and3A_655 = vector.broadcast %and3A_654 : i32 to vector<16xi32>
        %and3A_656 = arith.andi %and3A_650, %and3A_655 : vector<16xi32>
        %max3A_657 = arith.maxsi %and3A_653, %and3A_656 : vector<16xi32>
        %shift_right_logical3A_658 = arith.constant 16 : i32
        %shift_right_logical3A_659 = vector.broadcast %shift_right_logical3A_658 : i32 to vector<16xi32>
        %shift_right_logical3A_660 = arith.shrui %get3A_646, %shift_right_logical3A_659 : vector<16xi32>
        %shift_right_logical3A_661 = arith.constant 16 : i32
        %shift_right_logical3A_662 = vector.broadcast %shift_right_logical3A_661 : i32 to vector<16xi32>
        %shift_right_logical3A_663 = arith.shrui %and3A_650, %shift_right_logical3A_662 : vector<16xi32>
        %max3A_664 = arith.maxsi %shift_right_logical3A_660, %shift_right_logical3A_663 : vector<16xi32>
        %shift_left3A_665 = arith.constant 16 : i32
        %shift_left3A_666 = vector.broadcast %shift_left3A_665 : i32 to vector<16xi32>
        %shift_left3A_667 = arith.shli %max3A_664, %shift_left3A_666 : vector<16xi32>
        %or3A_668 = arith.ori %max3A_657, %shift_left3A_667 : vector<16xi32>
        %swap3A_669 = arith.index_cast %squeeze3A_641 : i32 to index
        %swap3A_670 = tpu.vector_load %arg12[%swap3A_669] {strides = array<i32>} : memref<40032xi32, #tpu.memory_space<vmem>>, vector<16xi32>,
        %swap3A_671 = vector.shape_cast %swap3A_670 : vector<16xi32> to vector<16xi32>
        %swap3A_672 = vector.shape_cast %or3A_668 : vector<16xi32> to vector<16xi32>
        tpu.vector_store %arg12[%swap3A_669], %swap3A_672 {strides = array<i32>} : memref<40032xi32, #tpu.memory_space<vmem>>, vector<16xi32>,
        %slice3A_673 = vector.extract_strided_slice %mul3A_175 {offsets = [15], sizes = [1], strides = [1]} : vector<16xi32> to vector<1xi32>
        %squeeze3A_674 = vector.extract %slice3A_673[0] : i32 from vector<1xi32>
        %slice3A_675 = vector.extract_strided_slice %mul3A_183 {offsets = [15], sizes = [1], strides = [1]} : vector<16xi32> to vector<1xi32>
        %squeeze3A_676 = vector.extract %slice3A_675[0] : i32 from vector<1xi32>
        %get3A_677 = arith.index_cast %squeeze3A_674 : i32 to index
        %get3A_678 = tpu.vector_load %arg12[%get3A_677] {strides = array<i32>} : memref<40032xi32, #tpu.memory_space<vmem>>, vector<16xi32>,
        %get3A_679 = vector.shape_cast %get3A_678 : vector<16xi32> to vector<16xi32>
        %get3A_680 = arith.index_cast %squeeze3A_676 : i32 to index
        %get3A_681 = tpu.vector_load %arg11[%get3A_680] {strides = array<i32>} : memref<80016xi32, #tpu.memory_space<vmem>>, vector<16xi32>,
        %get3A_682 = vector.shape_cast %get3A_681 : vector<16xi32> to vector<16xi32>
        %and3A_683 = arith.andi %get3A_682, %get3A_82 : vector<16xi32>
        %and3A_684 = arith.constant 65535 : i32
        %and3A_685 = vector.broadcast %and3A_684 : i32 to vector<16xi32>
        %and3A_686 = arith.andi %get3A_679, %and3A_685 : vector<16xi32>
        %and3A_687 = arith.constant 65535 : i32
        %and3A_688 = vector.broadcast %and3A_687 : i32 to vector<16xi32>
        %and3A_689 = arith.andi %and3A_683, %and3A_688 : vector<16xi32>
        %max3A_690 = arith.maxsi %and3A_686, %and3A_689 : vector<16xi32>
        %shift_right_logical3A_691 = arith.constant 16 : i32
        %shift_right_logical3A_692 = vector.broadcast %shift_right_logical3A_691 : i32 to vector<16xi32>
        %shift_right_logical3A_693 = arith.shrui %get3A_679, %shift_right_logical3A_692 : vector<16xi32>
        %shift_right_logical3A_694 = arith.constant 16 : i32
        %shift_right_logical3A_695 = vector.broadcast %shift_right_logical3A_694 : i32 to vector<16xi32>
        %shift_right_logical3A_696 = arith.shrui %and3A_683, %shift_right_logical3A_695 : vector<16xi32>
        %max3A_697 = arith.maxsi %shift_right_logical3A_693, %shift_right_logical3A_696 : vector<16xi32>
        %shift_left3A_698 = arith.constant 16 : i32
        %shift_left3A_699 = vector.broadcast %shift_left3A_698 : i32 to vector<16xi32>
        %shift_left3A_700 = arith.shli %max3A_697, %shift_left3A_699 : vector<16xi32>
        %or3A_701 = arith.ori %max3A_690, %shift_left3A_700 : vector<16xi32>
        %swap3A_702 = arith.index_cast %squeeze3A_674 : i32 to index
        %swap3A_703 = tpu.vector_load %arg12[%swap3A_702] {strides = array<i32>} : memref<40032xi32, #tpu.memory_space<vmem>>, vector<16xi32>,
        %swap3A_704 = vector.shape_cast %swap3A_703 : vector<16xi32> to vector<16xi32>
        %swap3A_705 = vector.shape_cast %or3A_701 : vector<16xi32> to vector<16xi32>
        tpu.vector_store %arg12[%swap3A_702], %swap3A_705 {strides = array<i32>} : memref<40032xi32, #tpu.memory_space<vmem>>, vector<16xi32>,
        %scan3A_706 = arith.constant 0 : i32
        scf.yield %scan3A_706 : i32
      }
      %scan3A_135 = arith.constant 125 : i32
      %lt3A_136 = arith.constant 39 : i32
      %lt3A_137 = arith.cmpi slt, %scan3A_109, %lt3A_136 : i32
      %convert_element_type3A = arith.extui %lt3A_137 : i1 to i32
      %cond3A = arith.constant 0 : i32
      %cond3A_138 = arith.cmpi ne, %convert_element_type3A, %cond3A : i32
      scf.if %cond3A_138 {
        %mul3A_155 = arith.constant 2 : i32
        %mul3A_156 = arith.muli %mul3A_155, %scan3A_109 : i32
        %add3A_157 = arith.constant 2 : i32
        %add3A_158 = arith.addi %mul3A_156, %add3A_157 : i32
        %mul3A_159 = arith.constant 2000 : i32
        %mul3A_160 = arith.muli %add3A_158, %mul3A_159 : i32
        %add3A_161 = arith.addi %mul3A_74, %mul3A_160 : i32
        %dma_start3A_162 = tpu.memref_slice %arg2[%add3A_161] : memref<320000xi32, #tpu.memory_space<hbm>> -> memref<2000xi32, #tpu.memory_space<hbm>>
        %dma_start3A_163 = tpu.memref_slice %arg2[%add3A_161] : memref<320000xi32, #tpu.memory_space<hbm>> -> memref<2000xi32, #tpu.memory_space<hbm>>
        tpu.enqueue_dma source(%dma_start3A_163 : memref<2000xi32, #tpu.memory_space<hbm>>) target(%arg7 : memref<2000xi32, #tpu.memory_space<vmem>>) target_semaphore(%arg14 : memref<!tpu.dma_semaphore, #tpu.memory_space<semaphore_mem>>)
        %dma_start3A_164 = tpu.memref_slice %arg3[%add3A_161] : memref<320000xi32, #tpu.memory_space<hbm>> -> memref<2000xi32, #tpu.memory_space<hbm>>
        %dma_start3A_165 = tpu.memref_slice %arg3[%add3A_161] : memref<320000xi32, #tpu.memory_space<hbm>> -> memref<2000xi32, #tpu.memory_space<hbm>>
        tpu.enqueue_dma source(%dma_start3A_165 : memref<2000xi32, #tpu.memory_space<hbm>>) target(%arg8 : memref<2000xi32, #tpu.memory_space<vmem>>) target_semaphore(%arg15 : memref<!tpu.dma_semaphore, #tpu.memory_space<semaphore_mem>>)
      } else {
      }
      %dma_wait3A_139 = arith.constant 0 : i32
      %dma_wait3A_140 = tpu.memref_slice %arg2[%dma_wait3A_139] : memref<320000xi32, #tpu.memory_space<hbm>> -> memref<2000xi32, #tpu.memory_space<hbm>>
      %dma_wait3A_141 = arith.constant 0 : i32
      %dma_wait3A_142 = tpu.memref_slice %arg2[%dma_wait3A_141] : memref<320000xi32, #tpu.memory_space<hbm>> -> memref<2000xi32, #tpu.memory_space<hbm>>
      tpu.wait_dma2 semaphore(%arg16 : memref<!tpu.dma_semaphore, #tpu.memory_space<semaphore_mem>>) src(%dma_wait3A_142 : memref<2000xi32, #tpu.memory_space<hbm>>) dst(%arg9 : memref<2000xi32, #tpu.memory_space<vmem>>)
      %dma_wait3A_143 = arith.constant 0 : i32
      %dma_wait3A_144 = tpu.memref_slice %arg3[%dma_wait3A_143] : memref<320000xi32, #tpu.memory_space<hbm>> -> memref<2000xi32, #tpu.memory_space<hbm>>
      %dma_wait3A_145 = arith.constant 0 : i32
      %dma_wait3A_146 = tpu.memref_slice %arg3[%dma_wait3A_145] : memref<320000xi32, #tpu.memory_space<hbm>> -> memref<2000xi32, #tpu.memory_space<hbm>>
      tpu.wait_dma2 semaphore(%arg17 : memref<!tpu.dma_semaphore, #tpu.memory_space<semaphore_mem>>) src(%dma_wait3A_146 : memref<2000xi32, #tpu.memory_space<hbm>>) dst(%arg10 : memref<2000xi32, #tpu.memory_space<vmem>>)
      %scan3A_147 = arith.constant 0 : i32
      %scan3A_148 = arith.constant 0 : i32
      %scan3A_149 = arith.constant 125 : i32
      %scan3A_150 = arith.addi %scan3A_148, %scan3A_149 : i32
      %scan3A_151 = arith.constant 1 : i32
      %scan3A_152 = scf.for %scan3A_155 = %scan3A_148 to %scan3A_150 step %scan3A_151 iter_args(%scan3A_156 = %scan3A_147) -> (i32)  : i32 {
        %mul3A_157 = arith.constant 16 : i32
        %mul3A_158 = arith.muli %scan3A_155, %mul3A_157 : i32
        %get3A_159 = arith.index_cast %mul3A_158 : i32 to index
        %get3A_160 = tpu.vector_load %arg9[%get3A_159] {strides = array<i32>} : memref<2000xi32, #tpu.memory_space<vmem>>, vector<16xi32>,
        %get3A_161 = vector.shape_cast %get3A_160 : vector<16xi32> to vector<16xi32>
        %ge3A = vector.broadcast %mul3A_72 : i32 to vector<16xi32>
        %ge3A_162 = arith.cmpi sge, %get3A_161, %ge3A : vector<16xi32>
        %add3A_163 = arith.constant 5000 : i32
        %add3A_164 = arith.addi %mul3A_72, %add3A_163 : i32
        %lt3A_165 = vector.broadcast %add3A_164 : i32 to vector<16xi32>
        %lt3A_166 = arith.cmpi slt, %get3A_161, %lt3A_165 : vector<16xi32>
        %and3A_167 = arith.andi %ge3A_162, %lt3A_166 : vector<16xi1>
        %sub3A_168 = vector.broadcast %mul3A_72 : i32 to vector<16xi32>
        %sub3A_169 = arith.subi %get3A_161, %sub3A_168 : vector<16xi32>
        %jit3A_170 = arith.constant 5000 : i32
        %broadcast_in_dim3A_171 = vector.broadcast %jit3A_170 : i32 to vector<16xi32>
        %select_n3A_172 = arith.select %and3A_167, %sub3A_169, %broadcast_in_dim3A_171 : vector<16xi1>, vector<16xi32>
        %mul3A_173 = arith.constant 8 : i32
        %mul3A_174 = vector.broadcast %mul3A_173 : i32 to vector<16xi32>
        %mul3A_175 = arith.muli %select_n3A_172, %mul3A_174 : vector<16xi32>
        %mul3A_176 = arith.constant 16 : i32
        %mul3A_177 = arith.muli %scan3A_155, %mul3A_176 : i32
        %get3A_178 = arith.index_cast %mul3A_177 : i32 to index
        %get3A_179 = tpu.vector_load %arg10[%get3A_178] {strides = array<i32>} : memref<2000xi32, #tpu.memory_space<vmem>>, vector<16xi32>,
        %get3A_180 = vector.shape_cast %get3A_179 : vector<16xi32> to vector<16xi32>
        %mul3A_181 = arith.constant 8 : i32
        %mul3A_182 = vector.broadcast %mul3A_181 : i32 to vector<16xi32>
        %mul3A_183 = arith.muli %get3A_180, %mul3A_182 : vector<16xi32>
        %slice3A = vector.extract_strided_slice %mul3A_175 {offsets = [0], sizes = [1], strides = [1]} : vector<16xi32> to vector<1xi32>
        %squeeze3A = vector.extract %slice3A[0] : i32 from vector<1xi32>
        %slice3A_184 = vector.extract_strided_slice %mul3A_183 {offsets = [0], sizes = [1], strides = [1]} : vector<16xi32> to vector<1xi32>
        %squeeze3A_185 = vector.extract %slice3A_184[0] : i32 from vector<1xi32>
        %get3A_186 = arith.index_cast %squeeze3A : i32 to index
        %get3A_187 = tpu.vector_load %arg12[%get3A_186] {strides = array<i32>} : memref<40032xi32, #tpu.memory_space<vmem>>, vector<16xi32>,
        %get3A_188 = vector.shape_cast %get3A_187 : vector<16xi32> to vector<16xi32>
        %get3A_189 = arith.index_cast %squeeze3A_185 : i32 to index
        %get3A_190 = tpu.vector_load %arg11[%get3A_189] {strides = array<i32>} : memref<80016xi32, #tpu.memory_space<vmem>>, vector<16xi32>,
        %get3A_191 = vector.shape_cast %get3A_190 : vector<16xi32> to vector<16xi32>
        %and3A_192 = arith.andi %get3A_191, %get3A_82 : vector<16xi32>
        %and3A_193 = arith.constant 65535 : i32
        %and3A_194 = vector.broadcast %and3A_193 : i32 to vector<16xi32>
        %and3A_195 = arith.andi %get3A_188, %and3A_194 : vector<16xi32>
        %and3A_196 = arith.constant 65535 : i32
        %and3A_197 = vector.broadcast %and3A_196 : i32 to vector<16xi32>
        %and3A_198 = arith.andi %and3A_192, %and3A_197 : vector<16xi32>
        %max3A = arith.maxsi %and3A_195, %and3A_198 : vector<16xi32>
        %shift_right_logical3A = arith.constant 16 : i32
        %shift_right_logical3A_199 = vector.broadcast %shift_right_logical3A : i32 to vector<16xi32>
        %shift_right_logical3A_200 = arith.shrui %get3A_188, %shift_right_logical3A_199 : vector<16xi32>
        %shift_right_logical3A_201 = arith.constant 16 : i32
        %shift_right_logical3A_202 = vector.broadcast %shift_right_logical3A_201 : i32 to vector<16xi32>
        %shift_right_logical3A_203 = arith.shrui %and3A_192, %shift_right_logical3A_202 : vector<16xi32>
        %max3A_204 = arith.maxsi %shift_right_logical3A_200, %shift_right_logical3A_203 : vector<16xi32>
        %shift_left3A = arith.constant 16 : i32
        %shift_left3A_205 = vector.broadcast %shift_left3A : i32 to vector<16xi32>
        %shift_left3A_206 = arith.shli %max3A_204, %shift_left3A_205 : vector<16xi32>
        %or3A = arith.ori %max3A, %shift_left3A_206 : vector<16xi32>
        %swap3A_207 = arith.index_cast %squeeze3A : i32 to index
        %swap3A_208 = tpu.vector_load %arg12[%swap3A_207] {strides = array<i32>} : memref<40032xi32, #tpu.memory_space<vmem>>, vector<16xi32>,
        %swap3A_209 = vector.shape_cast %swap3A_208 : vector<16xi32> to vector<16xi32>
        %swap3A_210 = vector.shape_cast %or3A : vector<16xi32> to vector<16xi32>
        tpu.vector_store %arg12[%swap3A_207], %swap3A_210 {strides = array<i32>} : memref<40032xi32, #tpu.memory_space<vmem>>, vector<16xi32>,
        %slice3A_211 = vector.extract_strided_slice %mul3A_175 {offsets = [1], sizes = [1], strides = [1]} : vector<16xi32> to vector<1xi32>
        %squeeze3A_212 = vector.extract %slice3A_211[0] : i32 from vector<1xi32>
        %slice3A_213 = vector.extract_strided_slice %mul3A_183 {offsets = [1], sizes = [1], strides = [1]} : vector<16xi32> to vector<1xi32>
        %squeeze3A_214 = vector.extract %slice3A_213[0] : i32 from vector<1xi32>
        %get3A_215 = arith.index_cast %squeeze3A_212 : i32 to index
        %get3A_216 = tpu.vector_load %arg12[%get3A_215] {strides = array<i32>} : memref<40032xi32, #tpu.memory_space<vmem>>, vector<16xi32>,
        %get3A_217 = vector.shape_cast %get3A_216 : vector<16xi32> to vector<16xi32>
        %get3A_218 = arith.index_cast %squeeze3A_214 : i32 to index
        %get3A_219 = tpu.vector_load %arg11[%get3A_218] {strides = array<i32>} : memref<80016xi32, #tpu.memory_space<vmem>>, vector<16xi32>,
        %get3A_220 = vector.shape_cast %get3A_219 : vector<16xi32> to vector<16xi32>
        %and3A_221 = arith.andi %get3A_220, %get3A_82 : vector<16xi32>
        %and3A_222 = arith.constant 65535 : i32
        %and3A_223 = vector.broadcast %and3A_222 : i32 to vector<16xi32>
        %and3A_224 = arith.andi %get3A_217, %and3A_223 : vector<16xi32>
        %and3A_225 = arith.constant 65535 : i32
        %and3A_226 = vector.broadcast %and3A_225 : i32 to vector<16xi32>
        %and3A_227 = arith.andi %and3A_221, %and3A_226 : vector<16xi32>
        %max3A_228 = arith.maxsi %and3A_224, %and3A_227 : vector<16xi32>
        %shift_right_logical3A_229 = arith.constant 16 : i32
        %shift_right_logical3A_230 = vector.broadcast %shift_right_logical3A_229 : i32 to vector<16xi32>
        %shift_right_logical3A_231 = arith.shrui %get3A_217, %shift_right_logical3A_230 : vector<16xi32>
        %shift_right_logical3A_232 = arith.constant 16 : i32
        %shift_right_logical3A_233 = vector.broadcast %shift_right_logical3A_232 : i32 to vector<16xi32>
        %shift_right_logical3A_234 = arith.shrui %and3A_221, %shift_right_logical3A_233 : vector<16xi32>
        %max3A_235 = arith.maxsi %shift_right_logical3A_231, %shift_right_logical3A_234 : vector<16xi32>
        %shift_left3A_236 = arith.constant 16 : i32
        %shift_left3A_237 = vector.broadcast %shift_left3A_236 : i32 to vector<16xi32>
        %shift_left3A_238 = arith.shli %max3A_235, %shift_left3A_237 : vector<16xi32>
        %or3A_239 = arith.ori %max3A_228, %shift_left3A_238 : vector<16xi32>
        %swap3A_240 = arith.index_cast %squeeze3A_212 : i32 to index
        %swap3A_241 = tpu.vector_load %arg12[%swap3A_240] {strides = array<i32>} : memref<40032xi32, #tpu.memory_space<vmem>>, vector<16xi32>,
        %swap3A_242 = vector.shape_cast %swap3A_241 : vector<16xi32> to vector<16xi32>
        %swap3A_243 = vector.shape_cast %or3A_239 : vector<16xi32> to vector<16xi32>
        tpu.vector_store %arg12[%swap3A_240], %swap3A_243 {strides = array<i32>} : memref<40032xi32, #tpu.memory_space<vmem>>, vector<16xi32>,
        %slice3A_244 = vector.extract_strided_slice %mul3A_175 {offsets = [2], sizes = [1], strides = [1]} : vector<16xi32> to vector<1xi32>
        %squeeze3A_245 = vector.extract %slice3A_244[0] : i32 from vector<1xi32>
        %slice3A_246 = vector.extract_strided_slice %mul3A_183 {offsets = [2], sizes = [1], strides = [1]} : vector<16xi32> to vector<1xi32>
        %squeeze3A_247 = vector.extract %slice3A_246[0] : i32 from vector<1xi32>
        %get3A_248 = arith.index_cast %squeeze3A_245 : i32 to index
        %get3A_249 = tpu.vector_load %arg12[%get3A_248] {strides = array<i32>} : memref<40032xi32, #tpu.memory_space<vmem>>, vector<16xi32>,
        %get3A_250 = vector.shape_cast %get3A_249 : vector<16xi32> to vector<16xi32>
        %get3A_251 = arith.index_cast %squeeze3A_247 : i32 to index
        %get3A_252 = tpu.vector_load %arg11[%get3A_251] {strides = array<i32>} : memref<80016xi32, #tpu.memory_space<vmem>>, vector<16xi32>,
        %get3A_253 = vector.shape_cast %get3A_252 : vector<16xi32> to vector<16xi32>
        %and3A_254 = arith.andi %get3A_253, %get3A_82 : vector<16xi32>
        %and3A_255 = arith.constant 65535 : i32
        %and3A_256 = vector.broadcast %and3A_255 : i32 to vector<16xi32>
        %and3A_257 = arith.andi %get3A_250, %and3A_256 : vector<16xi32>
        %and3A_258 = arith.constant 65535 : i32
        %and3A_259 = vector.broadcast %and3A_258 : i32 to vector<16xi32>
        %and3A_260 = arith.andi %and3A_254, %and3A_259 : vector<16xi32>
        %max3A_261 = arith.maxsi %and3A_257, %and3A_260 : vector<16xi32>
        %shift_right_logical3A_262 = arith.constant 16 : i32
        %shift_right_logical3A_263 = vector.broadcast %shift_right_logical3A_262 : i32 to vector<16xi32>
        %shift_right_logical3A_264 = arith.shrui %get3A_250, %shift_right_logical3A_263 : vector<16xi32>
        %shift_right_logical3A_265 = arith.constant 16 : i32
        %shift_right_logical3A_266 = vector.broadcast %shift_right_logical3A_265 : i32 to vector<16xi32>
        %shift_right_logical3A_267 = arith.shrui %and3A_254, %shift_right_logical3A_266 : vector<16xi32>
        %max3A_268 = arith.maxsi %shift_right_logical3A_264, %shift_right_logical3A_267 : vector<16xi32>
        %shift_left3A_269 = arith.constant 16 : i32
        %shift_left3A_270 = vector.broadcast %shift_left3A_269 : i32 to vector<16xi32>
        %shift_left3A_271 = arith.shli %max3A_268, %shift_left3A_270 : vector<16xi32>
        %or3A_272 = arith.ori %max3A_261, %shift_left3A_271 : vector<16xi32>
        %swap3A_273 = arith.index_cast %squeeze3A_245 : i32 to index
        %swap3A_274 = tpu.vector_load %arg12[%swap3A_273] {strides = array<i32>} : memref<40032xi32, #tpu.memory_space<vmem>>, vector<16xi32>,
        %swap3A_275 = vector.shape_cast %swap3A_274 : vector<16xi32> to vector<16xi32>
        %swap3A_276 = vector.shape_cast %or3A_272 : vector<16xi32> to vector<16xi32>
        tpu.vector_store %arg12[%swap3A_273], %swap3A_276 {strides = array<i32>} : memref<40032xi32, #tpu.memory_space<vmem>>, vector<16xi32>,
        %slice3A_277 = vector.extract_strided_slice %mul3A_175 {offsets = [3], sizes = [1], strides = [1]} : vector<16xi32> to vector<1xi32>
        %squeeze3A_278 = vector.extract %slice3A_277[0] : i32 from vector<1xi32>
        %slice3A_279 = vector.extract_strided_slice %mul3A_183 {offsets = [3], sizes = [1], strides = [1]} : vector<16xi32> to vector<1xi32>
        %squeeze3A_280 = vector.extract %slice3A_279[0] : i32 from vector<1xi32>
        %get3A_281 = arith.index_cast %squeeze3A_278 : i32 to index
        %get3A_282 = tpu.vector_load %arg12[%get3A_281] {strides = array<i32>} : memref<40032xi32, #tpu.memory_space<vmem>>, vector<16xi32>,
        %get3A_283 = vector.shape_cast %get3A_282 : vector<16xi32> to vector<16xi32>
        %get3A_284 = arith.index_cast %squeeze3A_280 : i32 to index
        %get3A_285 = tpu.vector_load %arg11[%get3A_284] {strides = array<i32>} : memref<80016xi32, #tpu.memory_space<vmem>>, vector<16xi32>,
        %get3A_286 = vector.shape_cast %get3A_285 : vector<16xi32> to vector<16xi32>
        %and3A_287 = arith.andi %get3A_286, %get3A_82 : vector<16xi32>
        %and3A_288 = arith.constant 65535 : i32
        %and3A_289 = vector.broadcast %and3A_288 : i32 to vector<16xi32>
        %and3A_290 = arith.andi %get3A_283, %and3A_289 : vector<16xi32>
        %and3A_291 = arith.constant 65535 : i32
        %and3A_292 = vector.broadcast %and3A_291 : i32 to vector<16xi32>
        %and3A_293 = arith.andi %and3A_287, %and3A_292 : vector<16xi32>
        %max3A_294 = arith.maxsi %and3A_290, %and3A_293 : vector<16xi32>
        %shift_right_logical3A_295 = arith.constant 16 : i32
        %shift_right_logical3A_296 = vector.broadcast %shift_right_logical3A_295 : i32 to vector<16xi32>
        %shift_right_logical3A_297 = arith.shrui %get3A_283, %shift_right_logical3A_296 : vector<16xi32>
        %shift_right_logical3A_298 = arith.constant 16 : i32
        %shift_right_logical3A_299 = vector.broadcast %shift_right_logical3A_298 : i32 to vector<16xi32>
        %shift_right_logical3A_300 = arith.shrui %and3A_287, %shift_right_logical3A_299 : vector<16xi32>
        %max3A_301 = arith.maxsi %shift_right_logical3A_297, %shift_right_logical3A_300 : vector<16xi32>
        %shift_left3A_302 = arith.constant 16 : i32
        %shift_left3A_303 = vector.broadcast %shift_left3A_302 : i32 to vector<16xi32>
        %shift_left3A_304 = arith.shli %max3A_301, %shift_left3A_303 : vector<16xi32>
        %or3A_305 = arith.ori %max3A_294, %shift_left3A_304 : vector<16xi32>
        %swap3A_306 = arith.index_cast %squeeze3A_278 : i32 to index
        %swap3A_307 = tpu.vector_load %arg12[%swap3A_306] {strides = array<i32>} : memref<40032xi32, #tpu.memory_space<vmem>>, vector<16xi32>,
        %swap3A_308 = vector.shape_cast %swap3A_307 : vector<16xi32> to vector<16xi32>
        %swap3A_309 = vector.shape_cast %or3A_305 : vector<16xi32> to vector<16xi32>
        tpu.vector_store %arg12[%swap3A_306], %swap3A_309 {strides = array<i32>} : memref<40032xi32, #tpu.memory_space<vmem>>, vector<16xi32>,
        %slice3A_310 = vector.extract_strided_slice %mul3A_175 {offsets = [4], sizes = [1], strides = [1]} : vector<16xi32> to vector<1xi32>
        %squeeze3A_311 = vector.extract %slice3A_310[0] : i32 from vector<1xi32>
        %slice3A_312 = vector.extract_strided_slice %mul3A_183 {offsets = [4], sizes = [1], strides = [1]} : vector<16xi32> to vector<1xi32>
        %squeeze3A_313 = vector.extract %slice3A_312[0] : i32 from vector<1xi32>
        %get3A_314 = arith.index_cast %squeeze3A_311 : i32 to index
        %get3A_315 = tpu.vector_load %arg12[%get3A_314] {strides = array<i32>} : memref<40032xi32, #tpu.memory_space<vmem>>, vector<16xi32>,
        %get3A_316 = vector.shape_cast %get3A_315 : vector<16xi32> to vector<16xi32>
        %get3A_317 = arith.index_cast %squeeze3A_313 : i32 to index
        %get3A_318 = tpu.vector_load %arg11[%get3A_317] {strides = array<i32>} : memref<80016xi32, #tpu.memory_space<vmem>>, vector<16xi32>,
        %get3A_319 = vector.shape_cast %get3A_318 : vector<16xi32> to vector<16xi32>
        %and3A_320 = arith.andi %get3A_319, %get3A_82 : vector<16xi32>
        %and3A_321 = arith.constant 65535 : i32
        %and3A_322 = vector.broadcast %and3A_321 : i32 to vector<16xi32>
        %and3A_323 = arith.andi %get3A_316, %and3A_322 : vector<16xi32>
        %and3A_324 = arith.constant 65535 : i32
        %and3A_325 = vector.broadcast %and3A_324 : i32 to vector<16xi32>
        %and3A_326 = arith.andi %and3A_320, %and3A_325 : vector<16xi32>
        %max3A_327 = arith.maxsi %and3A_323, %and3A_326 : vector<16xi32>
        %shift_right_logical3A_328 = arith.constant 16 : i32
        %shift_right_logical3A_329 = vector.broadcast %shift_right_logical3A_328 : i32 to vector<16xi32>
        %shift_right_logical3A_330 = arith.shrui %get3A_316, %shift_right_logical3A_329 : vector<16xi32>
        %shift_right_logical3A_331 = arith.constant 16 : i32
        %shift_right_logical3A_332 = vector.broadcast %shift_right_logical3A_331 : i32 to vector<16xi32>
        %shift_right_logical3A_333 = arith.shrui %and3A_320, %shift_right_logical3A_332 : vector<16xi32>
        %max3A_334 = arith.maxsi %shift_right_logical3A_330, %shift_right_logical3A_333 : vector<16xi32>
        %shift_left3A_335 = arith.constant 16 : i32
        %shift_left3A_336 = vector.broadcast %shift_left3A_335 : i32 to vector<16xi32>
        %shift_left3A_337 = arith.shli %max3A_334, %shift_left3A_336 : vector<16xi32>
        %or3A_338 = arith.ori %max3A_327, %shift_left3A_337 : vector<16xi32>
        %swap3A_339 = arith.index_cast %squeeze3A_311 : i32 to index
        %swap3A_340 = tpu.vector_load %arg12[%swap3A_339] {strides = array<i32>} : memref<40032xi32, #tpu.memory_space<vmem>>, vector<16xi32>,
        %swap3A_341 = vector.shape_cast %swap3A_340 : vector<16xi32> to vector<16xi32>
        %swap3A_342 = vector.shape_cast %or3A_338 : vector<16xi32> to vector<16xi32>
        tpu.vector_store %arg12[%swap3A_339], %swap3A_342 {strides = array<i32>} : memref<40032xi32, #tpu.memory_space<vmem>>, vector<16xi32>,
        %slice3A_343 = vector.extract_strided_slice %mul3A_175 {offsets = [5], sizes = [1], strides = [1]} : vector<16xi32> to vector<1xi32>
        %squeeze3A_344 = vector.extract %slice3A_343[0] : i32 from vector<1xi32>
        %slice3A_345 = vector.extract_strided_slice %mul3A_183 {offsets = [5], sizes = [1], strides = [1]} : vector<16xi32> to vector<1xi32>
        %squeeze3A_346 = vector.extract %slice3A_345[0] : i32 from vector<1xi32>
        %get3A_347 = arith.index_cast %squeeze3A_344 : i32 to index
        %get3A_348 = tpu.vector_load %arg12[%get3A_347] {strides = array<i32>} : memref<40032xi32, #tpu.memory_space<vmem>>, vector<16xi32>,
        %get3A_349 = vector.shape_cast %get3A_348 : vector<16xi32> to vector<16xi32>
        %get3A_350 = arith.index_cast %squeeze3A_346 : i32 to index
        %get3A_351 = tpu.vector_load %arg11[%get3A_350] {strides = array<i32>} : memref<80016xi32, #tpu.memory_space<vmem>>, vector<16xi32>,
        %get3A_352 = vector.shape_cast %get3A_351 : vector<16xi32> to vector<16xi32>
        %and3A_353 = arith.andi %get3A_352, %get3A_82 : vector<16xi32>
        %and3A_354 = arith.constant 65535 : i32
        %and3A_355 = vector.broadcast %and3A_354 : i32 to vector<16xi32>
        %and3A_356 = arith.andi %get3A_349, %and3A_355 : vector<16xi32>
        %and3A_357 = arith.constant 65535 : i32
        %and3A_358 = vector.broadcast %and3A_357 : i32 to vector<16xi32>
        %and3A_359 = arith.andi %and3A_353, %and3A_358 : vector<16xi32>
        %max3A_360 = arith.maxsi %and3A_356, %and3A_359 : vector<16xi32>
        %shift_right_logical3A_361 = arith.constant 16 : i32
        %shift_right_logical3A_362 = vector.broadcast %shift_right_logical3A_361 : i32 to vector<16xi32>
        %shift_right_logical3A_363 = arith.shrui %get3A_349, %shift_right_logical3A_362 : vector<16xi32>
        %shift_right_logical3A_364 = arith.constant 16 : i32
        %shift_right_logical3A_365 = vector.broadcast %shift_right_logical3A_364 : i32 to vector<16xi32>
        %shift_right_logical3A_366 = arith.shrui %and3A_353, %shift_right_logical3A_365 : vector<16xi32>
        %max3A_367 = arith.maxsi %shift_right_logical3A_363, %shift_right_logical3A_366 : vector<16xi32>
        %shift_left3A_368 = arith.constant 16 : i32
        %shift_left3A_369 = vector.broadcast %shift_left3A_368 : i32 to vector<16xi32>
        %shift_left3A_370 = arith.shli %max3A_367, %shift_left3A_369 : vector<16xi32>
        %or3A_371 = arith.ori %max3A_360, %shift_left3A_370 : vector<16xi32>
        %swap3A_372 = arith.index_cast %squeeze3A_344 : i32 to index
        %swap3A_373 = tpu.vector_load %arg12[%swap3A_372] {strides = array<i32>} : memref<40032xi32, #tpu.memory_space<vmem>>, vector<16xi32>,
        %swap3A_374 = vector.shape_cast %swap3A_373 : vector<16xi32> to vector<16xi32>
        %swap3A_375 = vector.shape_cast %or3A_371 : vector<16xi32> to vector<16xi32>
        tpu.vector_store %arg12[%swap3A_372], %swap3A_375 {strides = array<i32>} : memref<40032xi32, #tpu.memory_space<vmem>>, vector<16xi32>,
        %slice3A_376 = vector.extract_strided_slice %mul3A_175 {offsets = [6], sizes = [1], strides = [1]} : vector<16xi32> to vector<1xi32>
        %squeeze3A_377 = vector.extract %slice3A_376[0] : i32 from vector<1xi32>
        %slice3A_378 = vector.extract_strided_slice %mul3A_183 {offsets = [6], sizes = [1], strides = [1]} : vector<16xi32> to vector<1xi32>
        %squeeze3A_379 = vector.extract %slice3A_378[0] : i32 from vector<1xi32>
        %get3A_380 = arith.index_cast %squeeze3A_377 : i32 to index
        %get3A_381 = tpu.vector_load %arg12[%get3A_380] {strides = array<i32>} : memref<40032xi32, #tpu.memory_space<vmem>>, vector<16xi32>,
        %get3A_382 = vector.shape_cast %get3A_381 : vector<16xi32> to vector<16xi32>
        %get3A_383 = arith.index_cast %squeeze3A_379 : i32 to index
        %get3A_384 = tpu.vector_load %arg11[%get3A_383] {strides = array<i32>} : memref<80016xi32, #tpu.memory_space<vmem>>, vector<16xi32>,
        %get3A_385 = vector.shape_cast %get3A_384 : vector<16xi32> to vector<16xi32>
        %and3A_386 = arith.andi %get3A_385, %get3A_82 : vector<16xi32>
        %and3A_387 = arith.constant 65535 : i32
        %and3A_388 = vector.broadcast %and3A_387 : i32 to vector<16xi32>
        %and3A_389 = arith.andi %get3A_382, %and3A_388 : vector<16xi32>
        %and3A_390 = arith.constant 65535 : i32
        %and3A_391 = vector.broadcast %and3A_390 : i32 to vector<16xi32>
        %and3A_392 = arith.andi %and3A_386, %and3A_391 : vector<16xi32>
        %max3A_393 = arith.maxsi %and3A_389, %and3A_392 : vector<16xi32>
        %shift_right_logical3A_394 = arith.constant 16 : i32
        %shift_right_logical3A_395 = vector.broadcast %shift_right_logical3A_394 : i32 to vector<16xi32>
        %shift_right_logical3A_396 = arith.shrui %get3A_382, %shift_right_logical3A_395 : vector<16xi32>
        %shift_right_logical3A_397 = arith.constant 16 : i32
        %shift_right_logical3A_398 = vector.broadcast %shift_right_logical3A_397 : i32 to vector<16xi32>
        %shift_right_logical3A_399 = arith.shrui %and3A_386, %shift_right_logical3A_398 : vector<16xi32>
        %max3A_400 = arith.maxsi %shift_right_logical3A_396, %shift_right_logical3A_399 : vector<16xi32>
        %shift_left3A_401 = arith.constant 16 : i32
        %shift_left3A_402 = vector.broadcast %shift_left3A_401 : i32 to vector<16xi32>
        %shift_left3A_403 = arith.shli %max3A_400, %shift_left3A_402 : vector<16xi32>
        %or3A_404 = arith.ori %max3A_393, %shift_left3A_403 : vector<16xi32>
        %swap3A_405 = arith.index_cast %squeeze3A_377 : i32 to index
        %swap3A_406 = tpu.vector_load %arg12[%swap3A_405] {strides = array<i32>} : memref<40032xi32, #tpu.memory_space<vmem>>, vector<16xi32>,
        %swap3A_407 = vector.shape_cast %swap3A_406 : vector<16xi32> to vector<16xi32>
        %swap3A_408 = vector.shape_cast %or3A_404 : vector<16xi32> to vector<16xi32>
        tpu.vector_store %arg12[%swap3A_405], %swap3A_408 {strides = array<i32>} : memref<40032xi32, #tpu.memory_space<vmem>>, vector<16xi32>,
        %slice3A_409 = vector.extract_strided_slice %mul3A_175 {offsets = [7], sizes = [1], strides = [1]} : vector<16xi32> to vector<1xi32>
        %squeeze3A_410 = vector.extract %slice3A_409[0] : i32 from vector<1xi32>
        %slice3A_411 = vector.extract_strided_slice %mul3A_183 {offsets = [7], sizes = [1], strides = [1]} : vector<16xi32> to vector<1xi32>
        %squeeze3A_412 = vector.extract %slice3A_411[0] : i32 from vector<1xi32>
        %get3A_413 = arith.index_cast %squeeze3A_410 : i32 to index
        %get3A_414 = tpu.vector_load %arg12[%get3A_413] {strides = array<i32>} : memref<40032xi32, #tpu.memory_space<vmem>>, vector<16xi32>,
        %get3A_415 = vector.shape_cast %get3A_414 : vector<16xi32> to vector<16xi32>
        %get3A_416 = arith.index_cast %squeeze3A_412 : i32 to index
        %get3A_417 = tpu.vector_load %arg11[%get3A_416] {strides = array<i32>} : memref<80016xi32, #tpu.memory_space<vmem>>, vector<16xi32>,
        %get3A_418 = vector.shape_cast %get3A_417 : vector<16xi32> to vector<16xi32>
        %and3A_419 = arith.andi %get3A_418, %get3A_82 : vector<16xi32>
        %and3A_420 = arith.constant 65535 : i32
        %and3A_421 = vector.broadcast %and3A_420 : i32 to vector<16xi32>
        %and3A_422 = arith.andi %get3A_415, %and3A_421 : vector<16xi32>
        %and3A_423 = arith.constant 65535 : i32
        %and3A_424 = vector.broadcast %and3A_423 : i32 to vector<16xi32>
        %and3A_425 = arith.andi %and3A_419, %and3A_424 : vector<16xi32>
        %max3A_426 = arith.maxsi %and3A_422, %and3A_425 : vector<16xi32>
        %shift_right_logical3A_427 = arith.constant 16 : i32
        %shift_right_logical3A_428 = vector.broadcast %shift_right_logical3A_427 : i32 to vector<16xi32>
        %shift_right_logical3A_429 = arith.shrui %get3A_415, %shift_right_logical3A_428 : vector<16xi32>
        %shift_right_logical3A_430 = arith.constant 16 : i32
        %shift_right_logical3A_431 = vector.broadcast %shift_right_logical3A_430 : i32 to vector<16xi32>
        %shift_right_logical3A_432 = arith.shrui %and3A_419, %shift_right_logical3A_431 : vector<16xi32>
        %max3A_433 = arith.maxsi %shift_right_logical3A_429, %shift_right_logical3A_432 : vector<16xi32>
        %shift_left3A_434 = arith.constant 16 : i32
        %shift_left3A_435 = vector.broadcast %shift_left3A_434 : i32 to vector<16xi32>
        %shift_left3A_436 = arith.shli %max3A_433, %shift_left3A_435 : vector<16xi32>
        %or3A_437 = arith.ori %max3A_426, %shift_left3A_436 : vector<16xi32>
        %swap3A_438 = arith.index_cast %squeeze3A_410 : i32 to index
        %swap3A_439 = tpu.vector_load %arg12[%swap3A_438] {strides = array<i32>} : memref<40032xi32, #tpu.memory_space<vmem>>, vector<16xi32>,
        %swap3A_440 = vector.shape_cast %swap3A_439 : vector<16xi32> to vector<16xi32>
        %swap3A_441 = vector.shape_cast %or3A_437 : vector<16xi32> to vector<16xi32>
        tpu.vector_store %arg12[%swap3A_438], %swap3A_441 {strides = array<i32>} : memref<40032xi32, #tpu.memory_space<vmem>>, vector<16xi32>,
        %slice3A_442 = vector.extract_strided_slice %mul3A_175 {offsets = [8], sizes = [1], strides = [1]} : vector<16xi32> to vector<1xi32>
        %squeeze3A_443 = vector.extract %slice3A_442[0] : i32 from vector<1xi32>
        %slice3A_444 = vector.extract_strided_slice %mul3A_183 {offsets = [8], sizes = [1], strides = [1]} : vector<16xi32> to vector<1xi32>
        %squeeze3A_445 = vector.extract %slice3A_444[0] : i32 from vector<1xi32>
        %get3A_446 = arith.index_cast %squeeze3A_443 : i32 to index
        %get3A_447 = tpu.vector_load %arg12[%get3A_446] {strides = array<i32>} : memref<40032xi32, #tpu.memory_space<vmem>>, vector<16xi32>,
        %get3A_448 = vector.shape_cast %get3A_447 : vector<16xi32> to vector<16xi32>
        %get3A_449 = arith.index_cast %squeeze3A_445 : i32 to index
        %get3A_450 = tpu.vector_load %arg11[%get3A_449] {strides = array<i32>} : memref<80016xi32, #tpu.memory_space<vmem>>, vector<16xi32>,
        %get3A_451 = vector.shape_cast %get3A_450 : vector<16xi32> to vector<16xi32>
        %and3A_452 = arith.andi %get3A_451, %get3A_82 : vector<16xi32>
        %and3A_453 = arith.constant 65535 : i32
        %and3A_454 = vector.broadcast %and3A_453 : i32 to vector<16xi32>
        %and3A_455 = arith.andi %get3A_448, %and3A_454 : vector<16xi32>
        %and3A_456 = arith.constant 65535 : i32
        %and3A_457 = vector.broadcast %and3A_456 : i32 to vector<16xi32>
        %and3A_458 = arith.andi %and3A_452, %and3A_457 : vector<16xi32>
        %max3A_459 = arith.maxsi %and3A_455, %and3A_458 : vector<16xi32>
        %shift_right_logical3A_460 = arith.constant 16 : i32
        %shift_right_logical3A_461 = vector.broadcast %shift_right_logical3A_460 : i32 to vector<16xi32>
        %shift_right_logical3A_462 = arith.shrui %get3A_448, %shift_right_logical3A_461 : vector<16xi32>
        %shift_right_logical3A_463 = arith.constant 16 : i32
        %shift_right_logical3A_464 = vector.broadcast %shift_right_logical3A_463 : i32 to vector<16xi32>
        %shift_right_logical3A_465 = arith.shrui %and3A_452, %shift_right_logical3A_464 : vector<16xi32>
        %max3A_466 = arith.maxsi %shift_right_logical3A_462, %shift_right_logical3A_465 : vector<16xi32>
        %shift_left3A_467 = arith.constant 16 : i32
        %shift_left3A_468 = vector.broadcast %shift_left3A_467 : i32 to vector<16xi32>
        %shift_left3A_469 = arith.shli %max3A_466, %shift_left3A_468 : vector<16xi32>
        %or3A_470 = arith.ori %max3A_459, %shift_left3A_469 : vector<16xi32>
        %swap3A_471 = arith.index_cast %squeeze3A_443 : i32 to index
        %swap3A_472 = tpu.vector_load %arg12[%swap3A_471] {strides = array<i32>} : memref<40032xi32, #tpu.memory_space<vmem>>, vector<16xi32>,
        %swap3A_473 = vector.shape_cast %swap3A_472 : vector<16xi32> to vector<16xi32>
        %swap3A_474 = vector.shape_cast %or3A_470 : vector<16xi32> to vector<16xi32>
        tpu.vector_store %arg12[%swap3A_471], %swap3A_474 {strides = array<i32>} : memref<40032xi32, #tpu.memory_space<vmem>>, vector<16xi32>,
        %slice3A_475 = vector.extract_strided_slice %mul3A_175 {offsets = [9], sizes = [1], strides = [1]} : vector<16xi32> to vector<1xi32>
        %squeeze3A_476 = vector.extract %slice3A_475[0] : i32 from vector<1xi32>
        %slice3A_477 = vector.extract_strided_slice %mul3A_183 {offsets = [9], sizes = [1], strides = [1]} : vector<16xi32> to vector<1xi32>
        %squeeze3A_478 = vector.extract %slice3A_477[0] : i32 from vector<1xi32>
        %get3A_479 = arith.index_cast %squeeze3A_476 : i32 to index
        %get3A_480 = tpu.vector_load %arg12[%get3A_479] {strides = array<i32>} : memref<40032xi32, #tpu.memory_space<vmem>>, vector<16xi32>,
        %get3A_481 = vector.shape_cast %get3A_480 : vector<16xi32> to vector<16xi32>
        %get3A_482 = arith.index_cast %squeeze3A_478 : i32 to index
        %get3A_483 = tpu.vector_load %arg11[%get3A_482] {strides = array<i32>} : memref<80016xi32, #tpu.memory_space<vmem>>, vector<16xi32>,
        %get3A_484 = vector.shape_cast %get3A_483 : vector<16xi32> to vector<16xi32>
        %and3A_485 = arith.andi %get3A_484, %get3A_82 : vector<16xi32>
        %and3A_486 = arith.constant 65535 : i32
        %and3A_487 = vector.broadcast %and3A_486 : i32 to vector<16xi32>
        %and3A_488 = arith.andi %get3A_481, %and3A_487 : vector<16xi32>
        %and3A_489 = arith.constant 65535 : i32
        %and3A_490 = vector.broadcast %and3A_489 : i32 to vector<16xi32>
        %and3A_491 = arith.andi %and3A_485, %and3A_490 : vector<16xi32>
        %max3A_492 = arith.maxsi %and3A_488, %and3A_491 : vector<16xi32>
        %shift_right_logical3A_493 = arith.constant 16 : i32
        %shift_right_logical3A_494 = vector.broadcast %shift_right_logical3A_493 : i32 to vector<16xi32>
        %shift_right_logical3A_495 = arith.shrui %get3A_481, %shift_right_logical3A_494 : vector<16xi32>
        %shift_right_logical3A_496 = arith.constant 16 : i32
        %shift_right_logical3A_497 = vector.broadcast %shift_right_logical3A_496 : i32 to vector<16xi32>
        %shift_right_logical3A_498 = arith.shrui %and3A_485, %shift_right_logical3A_497 : vector<16xi32>
        %max3A_499 = arith.maxsi %shift_right_logical3A_495, %shift_right_logical3A_498 : vector<16xi32>
        %shift_left3A_500 = arith.constant 16 : i32
        %shift_left3A_501 = vector.broadcast %shift_left3A_500 : i32 to vector<16xi32>
        %shift_left3A_502 = arith.shli %max3A_499, %shift_left3A_501 : vector<16xi32>
        %or3A_503 = arith.ori %max3A_492, %shift_left3A_502 : vector<16xi32>
        %swap3A_504 = arith.index_cast %squeeze3A_476 : i32 to index
        %swap3A_505 = tpu.vector_load %arg12[%swap3A_504] {strides = array<i32>} : memref<40032xi32, #tpu.memory_space<vmem>>, vector<16xi32>,
        %swap3A_506 = vector.shape_cast %swap3A_505 : vector<16xi32> to vector<16xi32>
        %swap3A_507 = vector.shape_cast %or3A_503 : vector<16xi32> to vector<16xi32>
        tpu.vector_store %arg12[%swap3A_504], %swap3A_507 {strides = array<i32>} : memref<40032xi32, #tpu.memory_space<vmem>>, vector<16xi32>,
        %slice3A_508 = vector.extract_strided_slice %mul3A_175 {offsets = [10], sizes = [1], strides = [1]} : vector<16xi32> to vector<1xi32>
        %squeeze3A_509 = vector.extract %slice3A_508[0] : i32 from vector<1xi32>
        %slice3A_510 = vector.extract_strided_slice %mul3A_183 {offsets = [10], sizes = [1], strides = [1]} : vector<16xi32> to vector<1xi32>
        %squeeze3A_511 = vector.extract %slice3A_510[0] : i32 from vector<1xi32>
        %get3A_512 = arith.index_cast %squeeze3A_509 : i32 to index
        %get3A_513 = tpu.vector_load %arg12[%get3A_512] {strides = array<i32>} : memref<40032xi32, #tpu.memory_space<vmem>>, vector<16xi32>,
        %get3A_514 = vector.shape_cast %get3A_513 : vector<16xi32> to vector<16xi32>
        %get3A_515 = arith.index_cast %squeeze3A_511 : i32 to index
        %get3A_516 = tpu.vector_load %arg11[%get3A_515] {strides = array<i32>} : memref<80016xi32, #tpu.memory_space<vmem>>, vector<16xi32>,
        %get3A_517 = vector.shape_cast %get3A_516 : vector<16xi32> to vector<16xi32>
        %and3A_518 = arith.andi %get3A_517, %get3A_82 : vector<16xi32>
        %and3A_519 = arith.constant 65535 : i32
        %and3A_520 = vector.broadcast %and3A_519 : i32 to vector<16xi32>
        %and3A_521 = arith.andi %get3A_514, %and3A_520 : vector<16xi32>
        %and3A_522 = arith.constant 65535 : i32
        %and3A_523 = vector.broadcast %and3A_522 : i32 to vector<16xi32>
        %and3A_524 = arith.andi %and3A_518, %and3A_523 : vector<16xi32>
        %max3A_525 = arith.maxsi %and3A_521, %and3A_524 : vector<16xi32>
        %shift_right_logical3A_526 = arith.constant 16 : i32
        %shift_right_logical3A_527 = vector.broadcast %shift_right_logical3A_526 : i32 to vector<16xi32>
        %shift_right_logical3A_528 = arith.shrui %get3A_514, %shift_right_logical3A_527 : vector<16xi32>
        %shift_right_logical3A_529 = arith.constant 16 : i32
        %shift_right_logical3A_530 = vector.broadcast %shift_right_logical3A_529 : i32 to vector<16xi32>
        %shift_right_logical3A_531 = arith.shrui %and3A_518, %shift_right_logical3A_530 : vector<16xi32>
        %max3A_532 = arith.maxsi %shift_right_logical3A_528, %shift_right_logical3A_531 : vector<16xi32>
        %shift_left3A_533 = arith.constant 16 : i32
        %shift_left3A_534 = vector.broadcast %shift_left3A_533 : i32 to vector<16xi32>
        %shift_left3A_535 = arith.shli %max3A_532, %shift_left3A_534 : vector<16xi32>
        %or3A_536 = arith.ori %max3A_525, %shift_left3A_535 : vector<16xi32>
        %swap3A_537 = arith.index_cast %squeeze3A_509 : i32 to index
        %swap3A_538 = tpu.vector_load %arg12[%swap3A_537] {strides = array<i32>} : memref<40032xi32, #tpu.memory_space<vmem>>, vector<16xi32>,
        %swap3A_539 = vector.shape_cast %swap3A_538 : vector<16xi32> to vector<16xi32>
        %swap3A_540 = vector.shape_cast %or3A_536 : vector<16xi32> to vector<16xi32>
        tpu.vector_store %arg12[%swap3A_537], %swap3A_540 {strides = array<i32>} : memref<40032xi32, #tpu.memory_space<vmem>>, vector<16xi32>,
        %slice3A_541 = vector.extract_strided_slice %mul3A_175 {offsets = [11], sizes = [1], strides = [1]} : vector<16xi32> to vector<1xi32>
        %squeeze3A_542 = vector.extract %slice3A_541[0] : i32 from vector<1xi32>
        %slice3A_543 = vector.extract_strided_slice %mul3A_183 {offsets = [11], sizes = [1], strides = [1]} : vector<16xi32> to vector<1xi32>
        %squeeze3A_544 = vector.extract %slice3A_543[0] : i32 from vector<1xi32>
        %get3A_545 = arith.index_cast %squeeze3A_542 : i32 to index
        %get3A_546 = tpu.vector_load %arg12[%get3A_545] {strides = array<i32>} : memref<40032xi32, #tpu.memory_space<vmem>>, vector<16xi32>,
        %get3A_547 = vector.shape_cast %get3A_546 : vector<16xi32> to vector<16xi32>
        %get3A_548 = arith.index_cast %squeeze3A_544 : i32 to index
        %get3A_549 = tpu.vector_load %arg11[%get3A_548] {strides = array<i32>} : memref<80016xi32, #tpu.memory_space<vmem>>, vector<16xi32>,
        %get3A_550 = vector.shape_cast %get3A_549 : vector<16xi32> to vector<16xi32>
        %and3A_551 = arith.andi %get3A_550, %get3A_82 : vector<16xi32>
        %and3A_552 = arith.constant 65535 : i32
        %and3A_553 = vector.broadcast %and3A_552 : i32 to vector<16xi32>
        %and3A_554 = arith.andi %get3A_547, %and3A_553 : vector<16xi32>
        %and3A_555 = arith.constant 65535 : i32
        %and3A_556 = vector.broadcast %and3A_555 : i32 to vector<16xi32>
        %and3A_557 = arith.andi %and3A_551, %and3A_556 : vector<16xi32>
        %max3A_558 = arith.maxsi %and3A_554, %and3A_557 : vector<16xi32>
        %shift_right_logical3A_559 = arith.constant 16 : i32
        %shift_right_logical3A_560 = vector.broadcast %shift_right_logical3A_559 : i32 to vector<16xi32>
        %shift_right_logical3A_561 = arith.shrui %get3A_547, %shift_right_logical3A_560 : vector<16xi32>
        %shift_right_logical3A_562 = arith.constant 16 : i32
        %shift_right_logical3A_563 = vector.broadcast %shift_right_logical3A_562 : i32 to vector<16xi32>
        %shift_right_logical3A_564 = arith.shrui %and3A_551, %shift_right_logical3A_563 : vector<16xi32>
        %max3A_565 = arith.maxsi %shift_right_logical3A_561, %shift_right_logical3A_564 : vector<16xi32>
        %shift_left3A_566 = arith.constant 16 : i32
        %shift_left3A_567 = vector.broadcast %shift_left3A_566 : i32 to vector<16xi32>
        %shift_left3A_568 = arith.shli %max3A_565, %shift_left3A_567 : vector<16xi32>
        %or3A_569 = arith.ori %max3A_558, %shift_left3A_568 : vector<16xi32>
        %swap3A_570 = arith.index_cast %squeeze3A_542 : i32 to index
        %swap3A_571 = tpu.vector_load %arg12[%swap3A_570] {strides = array<i32>} : memref<40032xi32, #tpu.memory_space<vmem>>, vector<16xi32>,
        %swap3A_572 = vector.shape_cast %swap3A_571 : vector<16xi32> to vector<16xi32>
        %swap3A_573 = vector.shape_cast %or3A_569 : vector<16xi32> to vector<16xi32>
        tpu.vector_store %arg12[%swap3A_570], %swap3A_573 {strides = array<i32>} : memref<40032xi32, #tpu.memory_space<vmem>>, vector<16xi32>,
        %slice3A_574 = vector.extract_strided_slice %mul3A_175 {offsets = [12], sizes = [1], strides = [1]} : vector<16xi32> to vector<1xi32>
        %squeeze3A_575 = vector.extract %slice3A_574[0] : i32 from vector<1xi32>
        %slice3A_576 = vector.extract_strided_slice %mul3A_183 {offsets = [12], sizes = [1], strides = [1]} : vector<16xi32> to vector<1xi32>
        %squeeze3A_577 = vector.extract %slice3A_576[0] : i32 from vector<1xi32>
        %get3A_578 = arith.index_cast %squeeze3A_575 : i32 to index
        %get3A_579 = tpu.vector_load %arg12[%get3A_578] {strides = array<i32>} : memref<40032xi32, #tpu.memory_space<vmem>>, vector<16xi32>,
        %get3A_580 = vector.shape_cast %get3A_579 : vector<16xi32> to vector<16xi32>
        %get3A_581 = arith.index_cast %squeeze3A_577 : i32 to index
        %get3A_582 = tpu.vector_load %arg11[%get3A_581] {strides = array<i32>} : memref<80016xi32, #tpu.memory_space<vmem>>, vector<16xi32>,
        %get3A_583 = vector.shape_cast %get3A_582 : vector<16xi32> to vector<16xi32>
        %and3A_584 = arith.andi %get3A_583, %get3A_82 : vector<16xi32>
        %and3A_585 = arith.constant 65535 : i32
        %and3A_586 = vector.broadcast %and3A_585 : i32 to vector<16xi32>
        %and3A_587 = arith.andi %get3A_580, %and3A_586 : vector<16xi32>
        %and3A_588 = arith.constant 65535 : i32
        %and3A_589 = vector.broadcast %and3A_588 : i32 to vector<16xi32>
        %and3A_590 = arith.andi %and3A_584, %and3A_589 : vector<16xi32>
        %max3A_591 = arith.maxsi %and3A_587, %and3A_590 : vector<16xi32>
        %shift_right_logical3A_592 = arith.constant 16 : i32
        %shift_right_logical3A_593 = vector.broadcast %shift_right_logical3A_592 : i32 to vector<16xi32>
        %shift_right_logical3A_594 = arith.shrui %get3A_580, %shift_right_logical3A_593 : vector<16xi32>
        %shift_right_logical3A_595 = arith.constant 16 : i32
        %shift_right_logical3A_596 = vector.broadcast %shift_right_logical3A_595 : i32 to vector<16xi32>
        %shift_right_logical3A_597 = arith.shrui %and3A_584, %shift_right_logical3A_596 : vector<16xi32>
        %max3A_598 = arith.maxsi %shift_right_logical3A_594, %shift_right_logical3A_597 : vector<16xi32>
        %shift_left3A_599 = arith.constant 16 : i32
        %shift_left3A_600 = vector.broadcast %shift_left3A_599 : i32 to vector<16xi32>
        %shift_left3A_601 = arith.shli %max3A_598, %shift_left3A_600 : vector<16xi32>
        %or3A_602 = arith.ori %max3A_591, %shift_left3A_601 : vector<16xi32>
        %swap3A_603 = arith.index_cast %squeeze3A_575 : i32 to index
        %swap3A_604 = tpu.vector_load %arg12[%swap3A_603] {strides = array<i32>} : memref<40032xi32, #tpu.memory_space<vmem>>, vector<16xi32>,
        %swap3A_605 = vector.shape_cast %swap3A_604 : vector<16xi32> to vector<16xi32>
        %swap3A_606 = vector.shape_cast %or3A_602 : vector<16xi32> to vector<16xi32>
        tpu.vector_store %arg12[%swap3A_603], %swap3A_606 {strides = array<i32>} : memref<40032xi32, #tpu.memory_space<vmem>>, vector<16xi32>,
        %slice3A_607 = vector.extract_strided_slice %mul3A_175 {offsets = [13], sizes = [1], strides = [1]} : vector<16xi32> to vector<1xi32>
        %squeeze3A_608 = vector.extract %slice3A_607[0] : i32 from vector<1xi32>
        %slice3A_609 = vector.extract_strided_slice %mul3A_183 {offsets = [13], sizes = [1], strides = [1]} : vector<16xi32> to vector<1xi32>
        %squeeze3A_610 = vector.extract %slice3A_609[0] : i32 from vector<1xi32>
        %get3A_611 = arith.index_cast %squeeze3A_608 : i32 to index
        %get3A_612 = tpu.vector_load %arg12[%get3A_611] {strides = array<i32>} : memref<40032xi32, #tpu.memory_space<vmem>>, vector<16xi32>,
        %get3A_613 = vector.shape_cast %get3A_612 : vector<16xi32> to vector<16xi32>
        %get3A_614 = arith.index_cast %squeeze3A_610 : i32 to index
        %get3A_615 = tpu.vector_load %arg11[%get3A_614] {strides = array<i32>} : memref<80016xi32, #tpu.memory_space<vmem>>, vector<16xi32>,
        %get3A_616 = vector.shape_cast %get3A_615 : vector<16xi32> to vector<16xi32>
        %and3A_617 = arith.andi %get3A_616, %get3A_82 : vector<16xi32>
        %and3A_618 = arith.constant 65535 : i32
        %and3A_619 = vector.broadcast %and3A_618 : i32 to vector<16xi32>
        %and3A_620 = arith.andi %get3A_613, %and3A_619 : vector<16xi32>
        %and3A_621 = arith.constant 65535 : i32
        %and3A_622 = vector.broadcast %and3A_621 : i32 to vector<16xi32>
        %and3A_623 = arith.andi %and3A_617, %and3A_622 : vector<16xi32>
        %max3A_624 = arith.maxsi %and3A_620, %and3A_623 : vector<16xi32>
        %shift_right_logical3A_625 = arith.constant 16 : i32
        %shift_right_logical3A_626 = vector.broadcast %shift_right_logical3A_625 : i32 to vector<16xi32>
        %shift_right_logical3A_627 = arith.shrui %get3A_613, %shift_right_logical3A_626 : vector<16xi32>
        %shift_right_logical3A_628 = arith.constant 16 : i32
        %shift_right_logical3A_629 = vector.broadcast %shift_right_logical3A_628 : i32 to vector<16xi32>
        %shift_right_logical3A_630 = arith.shrui %and3A_617, %shift_right_logical3A_629 : vector<16xi32>
        %max3A_631 = arith.maxsi %shift_right_logical3A_627, %shift_right_logical3A_630 : vector<16xi32>
        %shift_left3A_632 = arith.constant 16 : i32
        %shift_left3A_633 = vector.broadcast %shift_left3A_632 : i32 to vector<16xi32>
        %shift_left3A_634 = arith.shli %max3A_631, %shift_left3A_633 : vector<16xi32>
        %or3A_635 = arith.ori %max3A_624, %shift_left3A_634 : vector<16xi32>
        %swap3A_636 = arith.index_cast %squeeze3A_608 : i32 to index
        %swap3A_637 = tpu.vector_load %arg12[%swap3A_636] {strides = array<i32>} : memref<40032xi32, #tpu.memory_space<vmem>>, vector<16xi32>,
        %swap3A_638 = vector.shape_cast %swap3A_637 : vector<16xi32> to vector<16xi32>
        %swap3A_639 = vector.shape_cast %or3A_635 : vector<16xi32> to vector<16xi32>
        tpu.vector_store %arg12[%swap3A_636], %swap3A_639 {strides = array<i32>} : memref<40032xi32, #tpu.memory_space<vmem>>, vector<16xi32>,
        %slice3A_640 = vector.extract_strided_slice %mul3A_175 {offsets = [14], sizes = [1], strides = [1]} : vector<16xi32> to vector<1xi32>
        %squeeze3A_641 = vector.extract %slice3A_640[0] : i32 from vector<1xi32>
        %slice3A_642 = vector.extract_strided_slice %mul3A_183 {offsets = [14], sizes = [1], strides = [1]} : vector<16xi32> to vector<1xi32>
        %squeeze3A_643 = vector.extract %slice3A_642[0] : i32 from vector<1xi32>
        %get3A_644 = arith.index_cast %squeeze3A_641 : i32 to index
        %get3A_645 = tpu.vector_load %arg12[%get3A_644] {strides = array<i32>} : memref<40032xi32, #tpu.memory_space<vmem>>, vector<16xi32>,
        %get3A_646 = vector.shape_cast %get3A_645 : vector<16xi32> to vector<16xi32>
        %get3A_647 = arith.index_cast %squeeze3A_643 : i32 to index
        %get3A_648 = tpu.vector_load %arg11[%get3A_647] {strides = array<i32>} : memref<80016xi32, #tpu.memory_space<vmem>>, vector<16xi32>,
        %get3A_649 = vector.shape_cast %get3A_648 : vector<16xi32> to vector<16xi32>
        %and3A_650 = arith.andi %get3A_649, %get3A_82 : vector<16xi32>
        %and3A_651 = arith.constant 65535 : i32
        %and3A_652 = vector.broadcast %and3A_651 : i32 to vector<16xi32>
        %and3A_653 = arith.andi %get3A_646, %and3A_652 : vector<16xi32>
        %and3A_654 = arith.constant 65535 : i32
        %and3A_655 = vector.broadcast %and3A_654 : i32 to vector<16xi32>
        %and3A_656 = arith.andi %and3A_650, %and3A_655 : vector<16xi32>
        %max3A_657 = arith.maxsi %and3A_653, %and3A_656 : vector<16xi32>
        %shift_right_logical3A_658 = arith.constant 16 : i32
        %shift_right_logical3A_659 = vector.broadcast %shift_right_logical3A_658 : i32 to vector<16xi32>
        %shift_right_logical3A_660 = arith.shrui %get3A_646, %shift_right_logical3A_659 : vector<16xi32>
        %shift_right_logical3A_661 = arith.constant 16 : i32
        %shift_right_logical3A_662 = vector.broadcast %shift_right_logical3A_661 : i32 to vector<16xi32>
        %shift_right_logical3A_663 = arith.shrui %and3A_650, %shift_right_logical3A_662 : vector<16xi32>
        %max3A_664 = arith.maxsi %shift_right_logical3A_660, %shift_right_logical3A_663 : vector<16xi32>
        %shift_left3A_665 = arith.constant 16 : i32
        %shift_left3A_666 = vector.broadcast %shift_left3A_665 : i32 to vector<16xi32>
        %shift_left3A_667 = arith.shli %max3A_664, %shift_left3A_666 : vector<16xi32>
        %or3A_668 = arith.ori %max3A_657, %shift_left3A_667 : vector<16xi32>
        %swap3A_669 = arith.index_cast %squeeze3A_641 : i32 to index
        %swap3A_670 = tpu.vector_load %arg12[%swap3A_669] {strides = array<i32>} : memref<40032xi32, #tpu.memory_space<vmem>>, vector<16xi32>,
        %swap3A_671 = vector.shape_cast %swap3A_670 : vector<16xi32> to vector<16xi32>
        %swap3A_672 = vector.shape_cast %or3A_668 : vector<16xi32> to vector<16xi32>
        tpu.vector_store %arg12[%swap3A_669], %swap3A_672 {strides = array<i32>} : memref<40032xi32, #tpu.memory_space<vmem>>, vector<16xi32>,
        %slice3A_673 = vector.extract_strided_slice %mul3A_175 {offsets = [15], sizes = [1], strides = [1]} : vector<16xi32> to vector<1xi32>
        %squeeze3A_674 = vector.extract %slice3A_673[0] : i32 from vector<1xi32>
        %slice3A_675 = vector.extract_strided_slice %mul3A_183 {offsets = [15], sizes = [1], strides = [1]} : vector<16xi32> to vector<1xi32>
        %squeeze3A_676 = vector.extract %slice3A_675[0] : i32 from vector<1xi32>
        %get3A_677 = arith.index_cast %squeeze3A_674 : i32 to index
        %get3A_678 = tpu.vector_load %arg12[%get3A_677] {strides = array<i32>} : memref<40032xi32, #tpu.memory_space<vmem>>, vector<16xi32>,
        %get3A_679 = vector.shape_cast %get3A_678 : vector<16xi32> to vector<16xi32>
        %get3A_680 = arith.index_cast %squeeze3A_676 : i32 to index
        %get3A_681 = tpu.vector_load %arg11[%get3A_680] {strides = array<i32>} : memref<80016xi32, #tpu.memory_space<vmem>>, vector<16xi32>,
        %get3A_682 = vector.shape_cast %get3A_681 : vector<16xi32> to vector<16xi32>
        %and3A_683 = arith.andi %get3A_682, %get3A_82 : vector<16xi32>
        %and3A_684 = arith.constant 65535 : i32
        %and3A_685 = vector.broadcast %and3A_684 : i32 to vector<16xi32>
        %and3A_686 = arith.andi %get3A_679, %and3A_685 : vector<16xi32>
        %and3A_687 = arith.constant 65535 : i32
        %and3A_688 = vector.broadcast %and3A_687 : i32 to vector<16xi32>
        %and3A_689 = arith.andi %and3A_683, %and3A_688 : vector<16xi32>
        %max3A_690 = arith.maxsi %and3A_686, %and3A_689 : vector<16xi32>
        %shift_right_logical3A_691 = arith.constant 16 : i32
        %shift_right_logical3A_692 = vector.broadcast %shift_right_logical3A_691 : i32 to vector<16xi32>
        %shift_right_logical3A_693 = arith.shrui %get3A_679, %shift_right_logical3A_692 : vector<16xi32>
        %shift_right_logical3A_694 = arith.constant 16 : i32
        %shift_right_logical3A_695 = vector.broadcast %shift_right_logical3A_694 : i32 to vector<16xi32>
        %shift_right_logical3A_696 = arith.shrui %and3A_683, %shift_right_logical3A_695 : vector<16xi32>
        %max3A_697 = arith.maxsi %shift_right_logical3A_693, %shift_right_logical3A_696 : vector<16xi32>
        %shift_left3A_698 = arith.constant 16 : i32
        %shift_left3A_699 = vector.broadcast %shift_left3A_698 : i32 to vector<16xi32>
        %shift_left3A_700 = arith.shli %max3A_697, %shift_left3A_699 : vector<16xi32>
        %or3A_701 = arith.ori %max3A_690, %shift_left3A_700 : vector<16xi32>
        %swap3A_702 = arith.index_cast %squeeze3A_674 : i32 to index
        %swap3A_703 = tpu.vector_load %arg12[%swap3A_702] {strides = array<i32>} : memref<40032xi32, #tpu.memory_space<vmem>>, vector<16xi32>,
        %swap3A_704 = vector.shape_cast %swap3A_703 : vector<16xi32> to vector<16xi32>
        %swap3A_705 = vector.shape_cast %or3A_701 : vector<16xi32> to vector<16xi32>
        tpu.vector_store %arg12[%swap3A_702], %swap3A_705 {strides = array<i32>} : memref<40032xi32, #tpu.memory_space<vmem>>, vector<16xi32>,
        %scan3A_706 = arith.constant 0 : i32
        scf.yield %scan3A_706 : i32
      }
      %scan3A_153 = arith.constant 125 : i32
      %scan3A_154 = arith.constant 0 : i32
      scf.yield %scan3A_154 : i32
    }
    %scan3A_100 = arith.constant 40 : i32
    %mul3A_101 = arith.constant 8 : i32
    %mul3A_102 = arith.muli %select_n3A_70, %mul3A_101 : i32
    %add3A_103 = arith.addi %mul3A_102, %select_n3A_9 : i32
    %mul3A_104 = arith.constant 2 : i32
    %mul3A_105 = arith.muli %add3A_103, %mul3A_104 : i32
    %add3A_106 = arith.addi %mul3A_105, %select_n3A_46 : i32
    %mul3A_107 = arith.constant 40032 : i32
    %mul3A_108 = arith.muli %add3A_106, %mul3A_107 : i32
    "tpu.region"() ({
      %run_scoped3A = tpu.sem_alloc : memref<!tpu.dma_semaphore, #tpu.memory_space<semaphore_mem>>
      %dma_start3A_109 = tpu.memref_slice %arg6[%mul3A_108] : memref<1281024xi32, #tpu.memory_space<hbm>> -> memref<40032xi32, #tpu.memory_space<hbm>>
      %dma_start3A_110 = tpu.memref_slice %arg6[%mul3A_108] : memref<1281024xi32, #tpu.memory_space<hbm>> -> memref<40032xi32, #tpu.memory_space<hbm>>
      tpu.enqueue_dma source(%arg12 : memref<40032xi32, #tpu.memory_space<vmem>>) target(%dma_start3A_110 : memref<40032xi32, #tpu.memory_space<hbm>>) target_semaphore(%run_scoped3A : memref<!tpu.dma_semaphore, #tpu.memory_space<semaphore_mem>>)
      %dma_wait3A = tpu.memref_slice %arg6[%mul3A_108] : memref<1281024xi32, #tpu.memory_space<hbm>> -> memref<40032xi32, #tpu.memory_space<hbm>>
      %dma_wait3A_111 = tpu.memref_slice %arg6[%mul3A_108] : memref<1281024xi32, #tpu.memory_space<hbm>> -> memref<40032xi32, #tpu.memory_space<hbm>>
      tpu.wait_dma2 semaphore(%run_scoped3A : memref<!tpu.dma_semaphore, #tpu.memory_space<semaphore_mem>>) src(%arg12 : memref<40032xi32, #tpu.memory_space<vmem>>) dst(%dma_wait3A_111 : memref<40032xi32, #tpu.memory_space<hbm>>)
      tpu.yield
    }) : () -> ()
    return
  }
}

module attributes {stable_mosaic.version = 14 : i64} {
  func.func @_dense_body(%arg0: i32, %arg1: memref<1000x128xf32, #tpu.memory_space<vmem>>, %arg2: memref<1000x128xi32, #tpu.memory_space<vmem>>, %arg3: memref<1000x128xi32, #tpu.memory_space<vmem>>, %arg4: memref<128x128xf32, #tpu.memory_space<vmem>>, %arg5: memref<1x128xf32, #tpu.memory_space<vmem>>, %arg6: memref<1000x128xf32, #tpu.memory_space<vmem>>) attributes {dimension_semantics = [#tpu.dimension_semantics<arbitrary>], iteration_bounds = array<i64: 10>, scalar_prefetch = 0 : i64, scratch_operands = 0 : i64, tpu.core_type = #tpu.core_type<tc>, window_params = [{transform_indices = @transform_0, window_bounds = array<i64: 1000, 128>}, {transform_indices = @transform_1, window_bounds = array<i64: 1000, 128>}, {transform_indices = @transform_2, window_bounds = array<i64: 1000, 128>}, {pipeline_mode = #tpu.pipeline_mode<synchronous>, transform_indices = @transform_3, window_bounds = array<i64: 128, 128>}, {pipeline_mode = #tpu.pipeline_mode<synchronous>, transform_indices = @transform_4, window_bounds = array<i64: 1, 128>}, {transform_indices = @transform_5, window_bounds = array<i64: 1000, 128>}]} {
    %get3A = arith.constant 0 : index
    %get3A_0 = arith.constant 0 : index
    %get3A_1 = vector.load %arg2[%get3A, %get3A_0] : memref<1000x128xi32, #tpu.memory_space<vmem>>, vector<1000x128xi32>
    %get3A_2 = arith.constant 0 : index
    %get3A_3 = arith.constant 0 : index
    %get3A_4 = vector.load %arg3[%get3A_2, %get3A_3] : memref<1000x128xi32, #tpu.memory_space<vmem>>, vector<1000x128xi32>
    %max3A = arith.maxsi %get3A_1, %get3A_4 : vector<1000x128xi32>
    %ge3A = arith.constant 32768 : i32
    %ge3A_5 = vector.broadcast %ge3A : i32 to vector<1000x128xi32>
    %ge3A_6 = arith.cmpi sge, %max3A, %ge3A_5 : vector<1000x128xi32>
    %xor3A = arith.constant 32768 : i32
    %xor3A_7 = vector.broadcast %xor3A : i32 to vector<1000x128xi32>
    %xor3A_8 = arith.xori %max3A, %xor3A_7 : vector<1000x128xi32>
    %xor3A_9 = arith.constant 65535 : i32
    %xor3A_10 = vector.broadcast %xor3A_9 : i32 to vector<1000x128xi32>
    %xor3A_11 = arith.xori %max3A, %xor3A_10 : vector<1000x128xi32>
    %select_n3A = arith.select %ge3A_6, %xor3A_8, %xor3A_11 : vector<1000x128xi1>, vector<1000x128xi32>
    %shift_left3A = arith.constant 16 : i32
    %shift_left3A_12 = vector.broadcast %shift_left3A : i32 to vector<1000x128xi32>
    %shift_left3A_13 = arith.shli %select_n3A, %shift_left3A_12 : vector<1000x128xi32>
    %bitcast_convert_type3A = tpu.bitcast %shift_left3A_13 : vector<1000x128xi32> -> vector<1000x128xf32>
    %eq3A = arith.constant 0 : i32
    %eq3A_14 = vector.broadcast %eq3A : i32 to vector<1000x128xi32>
    %eq3A_15 = arith.cmpi eq, %max3A, %eq3A_14 : vector<1000x128xi32>
    %jit3A = arith.constant 0.000000e+00 : f32
    %broadcast_in_dim3A = vector.broadcast %jit3A : f32 to vector<1000x128xf32>
    %select_n3A_16 = arith.select %eq3A_15, %broadcast_in_dim3A, %bitcast_convert_type3A : vector<1000x128xi1>, vector<1000x128xf32>
    %get3A_17 = arith.constant 0 : index
    %get3A_18 = arith.constant 0 : index
    %get3A_19 = vector.load %arg1[%get3A_17, %get3A_18] : memref<1000x128xf32, #tpu.memory_space<vmem>>, vector<1000x128xf32>
    %sub3A = arith.subf %select_n3A_16, %get3A_19 : vector<1000x128xf32>
    %get3A_20 = arith.constant 0 : index
    %get3A_21 = arith.constant 0 : index
    %get3A_22 = vector.load %arg4[%get3A_20, %get3A_21] : memref<128x128xf32, #tpu.memory_space<vmem>>, vector<128x128xf32>
    %dot_general3A = arith.constant dense<0.000000e+00> : vector<1000x128xf32>
    %dot_general3A_23 = tpu.matmul %sub3A, %get3A_22, %dot_general3A {dimension_numbers = #tpu.dot_dimension_numbers<[1], [1], [0], [0], [0, 0, 1, 0], [], []>, transpose_lhs_hint = false} : vector<1000x128xf32>, vector<128x128xf32>, vector<1000x128xf32> -> vector<1000x128xf32>
    %get3A_24 = arith.constant 0 : index
    %get3A_25 = arith.constant 0 : index
    %get3A_26 = vector.load %arg5[%get3A_24, %get3A_25] : memref<1x128xf32, #tpu.memory_space<vmem>>, vector<1x128xf32>
    %add3A = vector.broadcast %get3A_26 : vector<1x128xf32> to vector<1000x128xf32>
    %add3A_27 = arith.addf %dot_general3A_23, %add3A : vector<1000x128xf32>
    %mul3A = arith.constant 5.000000e-01 : f32
    %mul3A_28 = vector.broadcast %mul3A : f32 to vector<1000x128xf32>
    %mul3A_29 = arith.mulf %add3A_27, %mul3A_28 : vector<1000x128xf32>
    %mul3A_30 = arith.constant 0.707106769 : f32
    %mul3A_31 = vector.broadcast %mul3A_30 : f32 to vector<1000x128xf32>
    %mul3A_32 = arith.mulf %add3A_27, %mul3A_31 : vector<1000x128xf32>
    %erf3A = math.erf %mul3A_32 : vector<1000x128xf32>
    %add3A_33 = arith.constant 1.000000e+00 : f32
    %add3A_34 = vector.broadcast %add3A_33 : f32 to vector<1000x128xf32>
    %add3A_35 = arith.addf %add3A_34, %erf3A : vector<1000x128xf32>
    %mul3A_36 = arith.mulf %mul3A_29, %add3A_35 : vector<1000x128xf32>
    %swap3A = arith.constant 0 : index
    %swap3A_37 = arith.constant 0 : index
    %swap3A_38 = vector.load %arg6[%swap3A, %swap3A_37] : memref<1000x128xf32, #tpu.memory_space<vmem>>, vector<1000x128xf32>
    tpu.vector_store %arg6[%swap3A, %swap3A_37], %mul3A_36 {strides = array<i32>} : memref<1000x128xf32, #tpu.memory_space<vmem>>, vector<1000x128xf32>,
    return
  }
  func.func @transform_0(%arg0: i32) -> (i32, i32) {
    %c0_i32 = arith.constant 0 : i32
    %c0_i32_0 = arith.constant 0 : i32
    return %arg0, %c0_i32 : i32, i32
  }
  func.func @transform_1(%arg0: i32) -> (i32, i32) {
    %c0_i32 = arith.constant 0 : i32
    %c0_i32_0 = arith.constant 0 : i32
    return %arg0, %c0_i32 : i32, i32
  }
  func.func @transform_2(%arg0: i32) -> (i32, i32) {
    %c0_i32 = arith.constant 0 : i32
    %c0_i32_0 = arith.constant 0 : i32
    return %arg0, %c0_i32 : i32, i32
  }
  func.func @transform_3(%arg0: i32) -> (i32, i32) {
    %c0_i32 = arith.constant 0 : i32
    %c0_i32_0 = arith.constant 0 : i32
    %c0_i32_1 = arith.constant 0 : i32
    return %c0_i32, %c0_i32_0 : i32, i32
  }
  func.func @transform_4(%arg0: i32) -> (i32, i32) {
    %c0_i32 = arith.constant 0 : i32
    %c0_i32_0 = arith.constant 0 : i32
    %c0_i32_1 = arith.constant 0 : i32
    return %c0_i32, %c0_i32_0 : i32, i32
  }
  func.func @transform_5(%arg0: i32) -> (i32, i32) {
    %c0_i32 = arith.constant 0 : i32
    %c0_i32_0 = arith.constant 0 : i32
    return %arg0, %c0_i32 : i32, i32
  }
}

</mosaic_0001>

<sc_bundles>
// kernel: kernel.4.cloned.1.call-start
scs
__scs_entry_jumppad:
0x0: {  	(pc) =	sbr.rel $0x88, $3  }
0x1: {  	(tag) =	ssettag $0x0;
	lr =	simm.s32 $0x1  }
0x2: {  	[smem:$0x3F9D] =	sst lr;
	_ =	strace $0xD0000000  }
0x3: {  	_ = 	snop  }
0x4: {  	_ = 	snop  }
0x5: {  	_ = 	snop  }
0x6: {  	_ = 	snop  }
0x7: {  	_ = 	snop  }
__scs_overlays_trampoline_lowered:
0x8: {  	[smem:$0x3FAC] =	sst s0  }
0x9: {  	[smem:$0x3FAD] =	sst s1  }
0xa: {  	[smem:$0x3FAE] =	sst s2  }
0xb: {  	[smem:$0x3FAF] =	sst s3  }
0xc: {  	[smem:$0x3FB0] =	sst s4  }
0xd: {  	[smem:$0x3FB1] =	sst s5  }
0xe: {  	[smem:$0x3FB2] =	sst s6  }
0xf: {  	[smem:$0x3FB3] =	sst s7  }
0x10: {  	[smem:$0x3FB4] =	sst s8  }
0x11: {  	[smem:$0x3FB5] =	sst s9;
	s0 =	simm.s32 @!p0 $0x0  }
0x12: {  	s1 =	sld [smem:$0x3F9B];
	s0 =	simm.s32 @p0 $0x1  }
0x13: {  	[smem:$0x3FB6] =	sst s0;
	s0 =	simm.s32 @!p1 $0x0  }
0x14: {  	s2 =	sld [smem:$0x3F9A];
	s0 =	simm.s32 @p1 $0x1  }
0x15: {  	[smem:$0x3FB7] =	sst s0;
	s0 =	simm.s32 @!p2 $0x0  }
0x16: {  	s3 =	sld [smem:$0x3FDB];
	s0 =	simm.s32 @p2 $0x1  }
0x17: {  	s4 =	simm.s32 $0x1BF5;
	[smem:$0x3FB9] =	sst s0  }
0x18: {  	s0 =	sld [smem:$0x3F9C];
	_ =	swait.ge [sflag:s4], $0x0  }
0x19: {  	s7 =	sld [smem:$0x3F9D]  }
0x1a: {  	s8 =	sadd.s32 $0xFFFFE003, lr  }
0x1b: {  	s9 =	sadd.s32 $0xFFFFFEF7, lr;
	s5 =	simm.s32 $0xFFFFFFFF;
	p2 =	slt.u32 s8, $0xFFFFF086  }
0x1c: {  	p1 =	slt.u32 s9, $0xF7A;
	s5 =	simm.s32 @!p2 $0x0  }
0x1d: {  	s5 =	simm.s32 @p1 $0x1;
	p0 =	seq.s32 s7, s2  }
0x1e: {  	s7 =	smul.u32 @!p0 $0xF7A, s2;
	p2 =	seq.s32 @!p0 s5, $0x0  }
0x1f: {  	s9 =	smul.u32 $0xF7A, s1;
	s8 =	simm.s32 @!p0 $0x1BF5;
	p2 =	por !p2, p0  }
0x20: {  	[sflag:s8] =	ssyncset.s32 @!p0 $0xFFFFF086;
	s6 =	sadd.s32 @!p0 s3, s7;
	s7 =	simm.s32 @!p0 $0x108  }
0x21: {  	s3 =	sadd.s32 s3, s9;
	s6 =	sadd.s32 @!p0 $0x88, s6;
	s7 =	simm.s32 @p2 $0x1082  }
0x22: {  	[simem:s7], [sflag:s8] =	dma.local @!p0 [hbm:s6], $0xF7A  }
0x23: {  	s9 =	sor.u32 $0xD0000000, s2;
	s6 =	simm.s32 $0x108;
	_ =	swait.ge @!p0 [sflag:s8], $0x0  }
0x24: {  	s3 =	sadd.s32 $0x88, s3;
	s6 =	simm.s32 @!p1 $0x1082;
	[sflag:s4] =	ssyncset.s32 $0xFFFFF086  }
0x25: {  	[simem:s6], [sflag:s4] =	dma.local [hbm:s3], $0xF7A  }
0x26: {  	[smem:$0x3F9D] =	sst s1;
	(tag) =	ssettag s2;
	_ =	strace s9  }
0x27: {  	s1 =	sld [smem:$0x3FAD]  }
0x28: {  	s2 =	sld [smem:$0x3FAE]  }
0x29: {  	s4 =	sld [smem:$0x3FB0]  }
0x2a: {  	p0 =	seq.s32 s5, $0x0;
	s5 =	sld [smem:$0x3FB1]  }
0x2b: {  	s6 =	sld [smem:$0x3FB2]  }
0x2c: {  	s7 =	sld [smem:$0x3FB3]  }
0x2d: {  	s3 =	simm.s32 $0x108;
	s8 =	sld [smem:$0x3FB4]  }
0x2e: {  	s3 =	simm.s32 @!p0 $0x1082;
	s9 =	sld [smem:$0x3FB5]  }
0x2f: {  	lr =	sadd.s32 s0, s3;
	s0 =	sld [smem:$0x3FAC]  }
0x30: {  	s3 =	sld [smem:$0x3FAF]  }
0x31: {  	[smem:$0x3FB8] =	sst s10  }
0x32: {  	s10 =	sld [smem:$0x3FB6];
	_ =	sdelay $0x3  }
0x33: {  	p0 =	seq.s32 s10, $0x1;
	s10 =	sld [smem:$0x3FB8];
	_ =	sdelay $0x3  }
0x34: {  	[smem:$0x3FB8] =	sst s10  }
0x35: {  	s10 =	sld [smem:$0x3FB7];
	_ =	sdelay $0x3  }
0x36: {  	p1 =	seq.s32 s10, $0x1;
	s10 =	sld [smem:$0x3FB8];
	_ =	sdelay $0x3  }
0x37: {  	[smem:$0x3FB8] =	sst s10  }
0x38: {  	s10 =	sld [smem:$0x3FB9]  }
0x39: {  	_ = 	snop;
	(pc) =	sbr.ind lr, $3  }
0x3a: {  	_ = 	snop  }
0x3b: {  	_ = 	snop  }
0x3c: {  	p2 =	seq.s32 s10, $0x1;
	s10 =	sld [smem:$0x3FB8]  }
0x3d: {  	_ =	shalt  }
0x3e: {  	_ =	shalt  }
0x3f: {  	_ =	shalt  }
0x40: {  	_ =	shalt  }
0x41: {  	_ =	shalt  }
0x42: {  	_ =	shalt  }
0x43: {  	_ =	shalt  }
0x44: {  	_ =	shalt  }
0x45: {  	_ =	shalt  }
0x46: {  	_ =	shalt  }
0x47: {  	_ =	shalt  }
0x48: {  	_ =	shalt  }
0x49: {  	_ =	shalt  }
0x4a: {  	_ =	shalt  }
0x4b: {  	_ =	shalt  }
0x4c: {  	_ =	shalt  }
0x4d: {  	_ =	shalt  }
0x4e: {  	_ =	shalt  }
0x4f: {  	_ =	shalt  }
0x50: {  	_ =	shalt  }
0x51: {  	_ =	shalt  }
0x52: {  	_ =	shalt  }
0x53: {  	_ =	shalt  }
0x54: {  	_ =	shalt  }
0x55: {  	_ =	shalt  }
0x56: {  	_ =	shalt  }
0x57: {  	_ =	shalt  }
0x58: {  	_ =	shalt  }
0x59: {  	_ =	shalt  }
0x5a: {  	_ =	shalt  }
0x5b: {  	_ =	shalt  }
0x5c: {  	_ =	shalt  }
0x5d: {  	_ =	shalt  }
0x5e: {  	_ =	shalt  }
0x5f: {  	_ =	shalt  }
0x60: {  	_ =	shalt  }
0x61: {  	_ =	shalt  }
0x62: {  	_ =	shalt  }
0x63: {  	_ =	shalt  }
0x64: {  	_ =	shalt  }
0x65: {  	_ =	shalt  }
0x66: {  	_ =	shalt  }
0x67: {  	_ =	shalt  }
0x68: {  	_ =	shalt  }
0x69: {  	_ =	shalt  }
0x6a: {  	_ =	shalt  }
0x6b: {  	_ =	shalt  }
0x6c: {  	_ =	shalt  }
0x6d: {  	_ =	shalt  }
0x6e: {  	_ =	shalt  }
0x6f: {  	_ =	shalt  }
0x70: {  	_ =	shalt  }
0x71: {  	_ =	shalt  }
0x72: {  	_ =	shalt  }
0x73: {  	_ =	shalt  }
0x74: {  	_ =	shalt  }
0x75: {  	_ =	shalt  }
0x76: {  	_ =	shalt  }
0x77: {  	_ =	shalt  }
0x78: {  	_ =	shalt  }
0x79: {  	_ =	shalt  }
0x7a: {  	_ =	shalt  }
0x7b: {  	_ =	shalt  }
0x7c: {  	_ =	shalt  }
0x7d: {  	_ =	shalt  }
0x7e: {  	_ =	shalt  }
0x7f: {  	_ =	shalt  }
0x80: {  	_ =	shalt  }
0x81: {  	_ =	shalt  }
0x82: {  	_ =	shalt  }
0x83: {  	_ =	shalt  }
0x84: {  	_ =	shalt  }
0x85: {  	_ =	shalt  }
0x86: {  	_ =	shalt  }
0x87: {  	_ =	shalt  }
.Lfunc_end0:
.L_simem_size_0:
called_computation_lowered:
.L_overlay_start_0:
0x88: {  	s2 =	sld [smem:$0x3FD9]  }
0x89: {  	s3 =	sld [smem:$0x3FFE];
	_ =	sdelay $0x1  }
0x8a: {  	s1 =	srdreg.scid  }
0x8b: {  	s0 =	sand.u32 $0x1, s1  }
0x8c: {  	s17 =	sshll.u32 s0, $0xA;
	s2 =	sadd.s32 s3, s2  }
0x8d: {  	s2 =	sadd.s32 s2, s17  }
0x8e: {  	[smem:$0x3FC4] =	sst s2  }
0x8f: {  	_ = 	snop  }
0x90: {  	s2 =	sld [smem:$0x3FD0];
	(tm) =	ssettm $0x1  }
0x91: {  	s18 =	sld [smem:$0x3FFB];
	_ =	sdelay $0x3  }
0x92: {  	_ =	strace s18  }
0x93: {  	s3 =	sld [smem:$0x3FFC];
	_ =	sdelay $0x3  }
0x94: {  	_ =	strace s3  }
0x95: {  	s3 =	sld [smem:$0x3FFD];
	_ =	sdelay $0x3  }
0x96: {  	_ =	strace s3  }
0x97: {  	_ =	strace $0x8FFFFFFF  }
0x98: {  	s19 =	sld [smem:$0x3FDB];
	_ =	sdelay $0x1  }
0x99: {  	s4 =	simm.s32 $_scs_section_size  }
0x9a: {  	s5 =	simm.s32 $_size__tile_overlayer_lowered;
	s6 =	simm.s32 $_tile_overlayer_lowered  }
0x9b: {  	s22 =	simm.s32 $0x1BFF;
	s21 =	sshll.u32 s6, $0x1;
	s3 =	sadd.s32 s4, s19  }
0x9c: {  	s7 =	simm.s32 $0x0;
	s20 =	sshll.u32 s5, $0x1;
	s5 =	sadd.s32 s21, s3  }
0x9d: {  	[timem:s7], [sflag:s22] =	dma.local [hbm:s5], s20  }
0x9e: {  	_ =	swait.ge [sflag:s22], s20  }
0x9f: {  	s4 =	ssub.s32 $0x0, s20;
	[sflag:s22] =	ssyncset.done $0x0  }
0xa0: {  	[sflag:s22] =	ssyncadd.s32 s4;
	_ =	sdelay $0x1  }
0xa1: {  	s23 =	simm.s32 $0x1B8B  }
0xa2: {  	_ =	swait.ge [sflag:s23], $0x1  }
0xa3: {  	[sflag:s23] =	ssyncset.done $0x0  }
0xa4: {  	s25 =	simm.s32 $0x1B8E;
	s24 =	sld [smem:$0x3FFE];
	[sflag:s23] =	ssyncadd.s32 $0xFFFFFFFF  }
0xa5: {  	s26 =	simm.s32 $execute0_lowered;
	[smem:$0x3FD2] =	sst s25  }
0xa6: {  	s5 =	sshll.u32 s26, $0x1;
	_ =	strace $0x80000046;
	[dreg:$0x1] =	wrdreg $0xFFFFFFFF  }
0xa7: {  	s28 =	simm.s32 $_size_execute0_lowered;
	s3 =	sadd.s32 s3, s5;
	[dreg:$0x0] =	wrdreg $0x0  }
0xa8: {  	s5 =	sshll.u32 s28, $0x1;
	[dreg:$0x2] =	wrdreg s3  }
0xa9: {  	[dreg:$0x3] =	wrdreg s5  }
0xaa: {  	[dreg:$0x4] =	wrdreg $0xC0  }
0xab: {  	_ =	task [dreg:s7], $0x5FFFF  }
0xac: {  	[dreg:$0x1] =	wrdreg $0xFFFFFFFF  }
0xad: {  	[dreg:$0x0] =	wrdreg $0x60  }
0xae: {  	[dreg:$0x2] =	wrdreg s24  }
0xaf: {  	[dreg:$0x3] =	wrdreg s2  }
0xb0: {  	[dreg:$0x4] =	wrdreg $0x9  }
0xb1: {  	_ =	task.clear_ibuf [dreg:s7], $0x5FFFF;
	_ =	strace $0x90000046  }
0xb2: {  	s29 =	simm.s32 $0x9;
	_ =	strace $0x80000048  }
0xb3: {  	_ =	swait.ge [sflag:s29], $0x1  }
0xb4: {  	[sflag:s29] =	ssyncadd.s32 $0xFFFFFFFF  }
0xb5: {  	_ =	strace $0x90000048  }
0xb6: {  	_ =	sfence  }
0xb7: {  	s30 =	sld [smem:$0x0];
	_ =	sdelay $0x2  }
0xb8: {  	s31 =	sshll.u32 s1, $0xD;
	s1 =	sshrl.u32 s1, $0x2  }
0xb9: {  	s3 =	sand.u32 $0x4000, s31;
	s1 =	sadd.s32 s1, s30  }
0xba: {  	s0 =	sor.u32 s3, s0;
	s1 =	sshll.u32 s1, $0x11  }
0xbb: {  	s0 =	sor.u32 s1, s0  }
0xbc: {  	s0 =	sadd.s32 $0x8F2B, s0  }
0xbd: {  	[sflag:s0] =	ssyncadd.remote.s32 $0x1  }
0xbe: {  	_ =	sfence.sel $0xFFFF  }
0xbf: {  	[dreg:$0x0] =	wrdreg $0xFFFFFFFF;
	(pc) =	sbr.abs _section_cstart, $3  }
0xc0: {  	[dreg:$0x1] =	wrdreg $0xFFFFFFFF  }
0xc1: {  	_ =	task.clear_ibuf [dreg:s7], $0x2FFFF;
	_ =	strace $0x9FFFFFFF  }
0xc2: {  	(tm) =	ssettm $0x7FFFFFFF  }
0xc3: {  	_ =	shalt  }
tec
execute0_lowered:
.L_overlay_start_1:
0x0: {  	(tag) =	ssettag $0x1  }
0x1: {  	s0 =	stileid.u32;
	s6 =	rddreg [dreg:$0x0]  }
0x2: {  	s1 =	srdreg.scid;
	s7 =	rddreg [dreg:$0x1]  }
0x3: {  	s14 =	simm.s32 $0x5;
	s15 =	simm.s32 $0x1F580;
	s16 =	simm.s32 $0x800  }
0x4: {  	s17 =	simm.s32 $0x1000;
	s18 =	simm.s32 $0x1800;
	s19 =	simm.s32 $0x1  }
0x5: {  	s20 =	simm.s32 $0x2;
	s21 =	simm.s32 $0x3;
	s24 =	simm.s32 $0x0  }
0x6: {  	s2 =	sshll.u32 s0, $0x1;
	s8 =	sand.u32 $0x1, s1;
	s10 =	sshrl.u32 s0, $0x3  }
0x7: {  	s3 =	sand.u32 $0x4, s0;
	s12 =	sshll.u32 s0, $0x1D;
	s2 =	sand.u32 $0x6, s2  }
0x8: {  	s4 =	sshll.u32 s10, $0x4;
	s3 =	sshrl.u32 s3, $0x2;
	s29 =	ssub.s32 $0x2, s8  }
0x9: {  	s10 =	smul.u32 $0x27100, s10;
	s30 =	sshra.s32 s12, $0x1F;
	s9 =	sor.u32 s8, s2  }
0xa: {  	s2 =	simm.s32 $0x0;
	s8 =	sshrl.u32 s29, $0x1;
	s22 =	sand.u32 $0x1388, s30  }
0xb: {  	s5 =	sshll.u32 s9, $0x1;
	[smem:$0x7FF] =	sst s2;
	s9 =	smul.u32 $0x2710, s9  }
0xc: {  	s13 =	ssub.s32 s29, s8;
	s31 =	sshrl.u32 s10, $0x3;
	s23 =	sadd.s32 $0x1388, s22  }
0xd: {  	v0 =	vmov s22;
	s22 =	simm.s32 $0x4;
	s4 =	sor.u32 s4, s5;
	_ =	strace $0x80000047  }
0xe: {  	s5 =	sadd.s32 $0x14A00, s6;
	s12 =	smax.u32 s13, $0x1;
	s3 =	sor.u32 s3, s4  }
0xf: {  	s13 =	simm.s32 $0x2000;
	s4 =	sadd.s32 $0xE00, s6;
	s11 =	smul.u32 $0x138C, s3  }
0x10: {  	v1 =	vmov s23;
	s23 =	simm.s32 $0x15900;
	s3 =	sadd.s32 $0xAC00, s6;
	s8 =	sadd.s32 s4, s31  }
0x11: {  	s11 =	sadd.s32 s11, s6;
	s6 =	sadd.s32 s7, s9;
	s7 =	sadd.s32 s3, s31  }
0x12: {  	v2 =	vimm.s32 $0x0;
	s9 =	sadd.s32 $0x7D0, s10;
	s10 =	sadd.s32 $0xFA0, s10;
	s11 =	sadd.s32 $0x14C00, s11  }
.LBB2_1:
0x13: {  	[tilespmem:s13], [sflag:$0x5] =	stream.linear.gather [hbm4b:s6+s2], $0x13880, $0x38;
	[tilespmem:$0x1F600] =	vst v63  }
0x14: {  	_ =	swait.ge [sflag:s14], $0x13880  }
0x15: {  	[sflag:s14] =	ssyncset.done $0x0  }
0x16: {  	[sflag:s14] =	ssyncadd.s32 $0xFFFEC780  }
0x17: {  	[tilespmem:$0x15880] =	vst v2  }
0x18: {  	[tilespmem:s15], [sflag:$0x5] =	stream.linear.gather [hbm4b:s5+s2], $0x80, $0x38;
	[tilespmem:$0x1F600] =	vst v63  }
0x19: {  	_ =	swait.ge [sflag:s14], $0x80  }
0x1a: {  	[sflag:s14] =	ssyncset.done $0x0  }
0x1b: {  	[sflag:s14] =	ssyncadd.s32 $0xFFFFFF80  }
0x1c: {  	s25 =	simm.s32 $0x40;
	s26 =	simm.s32 $0x0;
	v3 =	vld [tilespmem:$0x1F580]  }
.LBB2_2:
0x1d: {  	p0 =	sne.s32 s25, $0x27140;
	[tilespmem:s26+$0x15900] =	vst v2;
	s26 =	smov.u32 s25;
	s25 =	sadd.s32 $0x40, s25  }
.Ltmp0:
0x1e: {  	(pc) =	sbr.rel @p0 .LBB2_2-.Ltmp0, $2  }
0x1f: {  	_ =	sdelay $0x2  }
0x20: {  	s26 =	sshra.s32 s26, $0x2  }
0x21: {  	[tilespmem:s26+$0x15900] =	vst v2;
	s25 =	simm.s32 $0x0  }
0x22: {  	[tilespmem:s25], [sflag:$0x1] =	stream.linear.gather [hbm4b:s7+s25], $0x7D0, $0x38;
	[tilespmem:$0x1F600] =	vst v63  }
0x23: {  	s26 =	simm.s32 $0x0  }
0x24: {  	v4 =	vand.u32 $0xFFFF, v3;
	[tilespmem:s16], [sflag:$0x2] =	stream.linear.gather [hbm4b:s8+s25], $0x7D0, $0x38;
	[tilespmem:$0x1F600] =	vst v63  }
.LBB2_4:
0x25: {  	s28 =	smul.u32 $0xFA0, s26;
	_ =	sdelay $0x1  }
0x26: {  	s29 =	sadd.s32 s28, s9  }
0x27: {  	s29 =	sshrl.u32 s29, $0x3  }
0x28: {  	s30 =	sadd.s32 s3, s29  }
0x29: {  	[tilespmem:s17], [sflag:$0x3] =	stream.linear.gather [hbm4b:s30+s25], $0x7D0, $0x38;
	[tilespmem:$0x1F600] =	vst v63  }
0x2a: {  	s29 =	sadd.s32 s4, s29  }
0x2b: {  	[tilespmem:s18], [sflag:$0x4] =	stream.linear.gather [hbm4b:s29+s25], $0x7D0, $0x38;
	[tilespmem:$0x1F600] =	vst v63  }
0x2c: {  	_ =	swait.ge [sflag:s19], $0x7D0  }
0x2d: {  	[sflag:s19] =	ssyncset.done $0x0  }
0x2e: {  	[sflag:s19] =	ssyncadd.s32 $0xFFFFF830  }
0x2f: {  	_ =	swait.ge [sflag:s20], $0x7D0  }
0x30: {  	[sflag:s20] =	ssyncset.done $0x0  }
0x31: {  	s29 =	simm.s32 $0x0;
	[sflag:s20] =	ssyncadd.s32 $0xFFFFF830  }
0x32: {  	v5 =	vld [tilespmem:s29+$0x0]  }
0x33: {  	v6 =	vld [tilespmem:s29+$0x800];
	_ =	sdelay $0x3  }
0x34: {  	vm0 =	vge.s32 v5, v0;
	vm1 =	vlt.s32 v5, v1;
	v5 =	vsub.s32 v5, v0  }
0x35: {  	v6 =	vshll.u32 v6, $0x3;
	vm0 =	vmand vm0, vm1;
	v5 =	vshll.u32 v5, $0x3  }
0x36: {  	v6 =	vadd.s32 $0x2000, v6;
	v5 =	vnsel vm0, $0x9C40, v5  }
0x37: {  	(v2sf) =	vpush v6, $0x0;
	v5 =	vadd.s32 $0x15900, v5  }
0x38: {  	(v2sf) =	vpush v5, $0x0;
	_ =	sdelay $0x9  }
0x39: {  	(v2sf) =	vpush v6, $0x1  }
0x3a: {  	(v2sf) =	vpush v5, $0x1;
	_ =	sdelay $0x2  }
0x3b: {  	s29 =	spop (v2sf)  }
0x3c: {  	v7 =	vld [tilespmem:s29+$0x0];
	s29 =	spop (v2sf)  }
0x3d: {  	v8 =	vld [tilespmem:s29+$0x0];
	_ =	sdelay $0x3  }
0x3e: {  	(v2sf) =	vpush v6, $0x2;
	v9 =	vand.u32 v3, v7  }
0x3f: {  	v9 =	vshrl.u32 v9, $0x10;
	v10 =	vand.u32 $0xFFFF, v8;
	v8 =	vshrl.u32 v8, $0x10  }
0x40: {  	(v2sf) =	vpush v5, $0x2;
	v7 =	vand.u32 v4, v7;
	v8 =	vmax.u32 v8, v9  }
0x41: {  	v7 =	vmax.u32 v10, v7;
	v8 =	vshll.u32 v8, $0x10  }
0x42: {  	v7 =	vor.u32 v7, v8  }
0x43: {  	[tilespmem:s29+$0x0] =	vst v7;
	s29 =	spop (v2sf)  }
0x44: {  	v7 =	vld [tilespmem:s29+$0x0];
	s29 =	spop (v2sf)  }
0x45: {  	v18 =	vld [tilespmem:s29+$0x0];
	_ =	sdelay $0x3  }
0x46: {  	(v2sf) =	vpush v5, $0x3;
	v19 =	vand.u32 v3, v7  }
0x47: {  	(v2sf) =	vpush v6, $0x3;
	v20 =	vshrl.u32 v18, $0x10;
	v9 =	vshrl.u32 v19, $0x10  }
0x48: {  	v7 =	vand.u32 v4, v7;
	v8 =	vand.u32 $0xFFFF, v18;
	v9 =	vmax.u32 v20, v9  }
0x49: {  	v7 =	vmax.u32 v8, v7;
	v21 =	vshll.u32 v9, $0x10  }
0x4a: {  	v7 =	vor.u32 v7, v21  }
0x4b: {  	s30 =	spop (v2sf);
	[tilespmem:s29+$0x0] =	vst v7  }
0x4c: {  	s29 =	spop (v2sf);
	v7 =	vld [tilespmem:s30+$0x0]  }
0x4d: {  	v22 =	vld [tilespmem:s29+$0x0];
	_ =	sdelay $0x3  }
0x4e: {  	(v2sf) =	vpush v6, $0x4;
	v23 =	vand.u32 v3, v7  }
0x4f: {  	(v2sf) =	vpush v5, $0x4;
	v8 =	vshrl.u32 v22, $0x10;
	v9 =	vshrl.u32 v23, $0x10  }
0x50: {  	v24 =	vand.u32 $0xFFFF, v22;
	v7 =	vand.u32 v4, v7;
	v8 =	vmax.u32 v8, v9  }
0x51: {  	v7 =	vmax.u32 v24, v7;
	v8 =	vshll.u32 v8, $0x10  }
0x52: {  	s30 =	spop (v2sf);
	v7 =	vor.u32 v7, v8  }
0x53: {  	[tilespmem:s29+$0x0] =	vst v7;
	s29 =	spop (v2sf)  }
0x54: {  	v7 =	vld [tilespmem:s29+$0x0]  }
0x55: {  	v25 =	vld [tilespmem:s30+$0x0];
	_ =	sdelay $0x3  }
0x56: {  	(v2sf) =	vpush v6, $0x5;
	v26 =	vand.u32 v3, v7  }
0x57: {  	(v2sf) =	vpush v5, $0x5;
	v8 =	vshrl.u32 v25, $0x10;
	v9 =	vshrl.u32 v26, $0x10  }
0x58: {  	v27 =	vand.u32 $0xFFFF, v25;
	v7 =	vand.u32 v4, v7;
	v8 =	vmax.u32 v8, v9  }
0x59: {  	v7 =	vmax.u32 v27, v7;
	v8 =	vshll.u32 v8, $0x10  }
0x5a: {  	v7 =	vor.u32 v7, v8  }
0x5b: {  	s29 =	spop (v2sf);
	[tilespmem:s30+$0x0] =	vst v7  }
0x5c: {  	v7 =	vld [tilespmem:s29+$0x0];
	s29 =	spop (v2sf)  }
0x5d: {  	v28 =	vld [tilespmem:s29+$0x0];
	_ =	sdelay $0x3  }
0x5e: {  	(v2sf) =	vpush v6, $0x6;
	v29 =	vand.u32 v3, v7  }
0x5f: {  	(v2sf) =	vpush v5, $0x6;
	v8 =	vshrl.u32 v28, $0x10;
	v9 =	vshrl.u32 v29, $0x10  }
0x60: {  	v7 =	vand.u32 v4, v7;
	v30 =	vand.u32 $0xFFFF, v28;
	v8 =	vmax.u32 v8, v9  }
0x61: {  	v7 =	vmax.u32 v30, v7;
	v8 =	vshll.u32 v8, $0x10  }
0x62: {  	v7 =	vor.u32 v7, v8  }
0x63: {  	s30 =	spop (v2sf);
	[tilespmem:s29+$0x0] =	vst v7  }
0x64: {  	s29 =	spop (v2sf);
	v7 =	vld [tilespmem:s30+$0x0]  }
0x65: {  	v31 =	vld [tilespmem:s29+$0x0];
	_ =	sdelay $0x3  }
0x66: {  	(v2sf) =	vpush v6, $0x7;
	v32 =	vand.u32 v3, v7  }
0x67: {  	(v2sf) =	vpush v5, $0x7;
	v33 =	vshrl.u32 v31, $0x10;
	v9 =	vshrl.u32 v32, $0x10  }
0x68: {  	v7 =	vand.u32 v4, v7;
	v8 =	vand.u32 $0xFFFF, v31;
	v9 =	vmax.u32 v33, v9  }
0x69: {  	v7 =	vmax.u32 v8, v7;
	v34 =	vshll.u32 v9, $0x10  }
0x6a: {  	v7 =	vor.u32 v7, v34  }
0x6b: {  	s30 =	spop (v2sf);
	[tilespmem:s29+$0x0] =	vst v7  }
0x6c: {  	s29 =	spop (v2sf);
	v7 =	vld [tilespmem:s30+$0x0]  }
0x6d: {  	v35 =	vld [tilespmem:s29+$0x0];
	_ =	sdelay $0x3  }
0x6e: {  	(v2sf) =	vpush v6, $0x8;
	v36 =	vand.u32 v3, v7  }
0x6f: {  	(v2sf) =	vpush v5, $0x8;
	v8 =	vshrl.u32 v35, $0x10;
	v9 =	vshrl.u32 v36, $0x10  }
0x70: {  	v37 =	vand.u32 $0xFFFF, v35;
	v7 =	vand.u32 v4, v7;
	v8 =	vmax.u32 v8, v9  }
0x71: {  	v7 =	vmax.u32 v37, v7;
	v8 =	vshll.u32 v8, $0x10  }
0x72: {  	v7 =	vor.u32 v7, v8  }
0x73: {  	s30 =	spop (v2sf);
	[tilespmem:s29+$0x0] =	vst v7  }
0x74: {  	s29 =	spop (v2sf);
	v7 =	vld [tilespmem:s30+$0x0]  }
0x75: {  	v38 =	vld [tilespmem:s29+$0x0];
	_ =	sdelay $0x3  }
0x76: {  	(v2sf) =	vpush v5, $0x9;
	v39 =	vand.u32 v3, v7  }
0x77: {  	(v2sf) =	vpush v6, $0x9;
	v40 =	vshrl.u32 v38, $0x10;
	v9 =	vshrl.u32 v39, $0x10  }
0x78: {  	v8 =	vand.u32 $0xFFFF, v38;
	v7 =	vand.u32 v4, v7;
	v9 =	vmax.u32 v40, v9  }
0x79: {  	v7 =	vmax.u32 v8, v7;
	v41 =	vshll.u32 v9, $0x10  }
0x7a: {  	v7 =	vor.u32 v7, v41  }
0x7b: {  	s30 =	spop (v2sf);
	[tilespmem:s29+$0x0] =	vst v7  }
0x7c: {  	s29 =	spop (v2sf);
	v7 =	vld [tilespmem:s30+$0x0]  }
0x7d: {  	v42 =	vld [tilespmem:s29+$0x0];
	_ =	sdelay $0x3  }
0x7e: {  	(v2sf) =	vpush v6, $0xA;
	v43 =	vand.u32 v3, v7  }
0x7f: {  	(v2sf) =	vpush v5, $0xA;
	v8 =	vshrl.u32 v42, $0x10;
	v9 =	vshrl.u32 v43, $0x10  }
0x80: {  	v44 =	vand.u32 $0xFFFF, v42;
	v7 =	vand.u32 v4, v7;
	v8 =	vmax.u32 v8, v9  }
0x81: {  	v7 =	vmax.u32 v44, v7;
	v8 =	vshll.u32 v8, $0x10  }
0x82: {  	s30 =	spop (v2sf);
	v7 =	vor.u32 v7, v8  }
0x83: {  	[tilespmem:s29+$0x0] =	vst v7;
	s29 =	spop (v2sf)  }
0x84: {  	v7 =	vld [tilespmem:s29+$0x0]  }
0x85: {  	v45 =	vld [tilespmem:s30+$0x0];
	_ =	sdelay $0x3  }
0x86: {  	(v2sf) =	vpush v5, $0xB;
	v46 =	vand.u32 v3, v7  }
0x87: {  	(v2sf) =	vpush v6, $0xB;
	v47 =	vshrl.u32 v45, $0x10;
	v9 =	vshrl.u32 v46, $0x10  }
0x88: {  	v8 =	vand.u32 $0xFFFF, v45;
	v7 =	vand.u32 v4, v7;
	v9 =	vmax.u32 v47, v9  }
0x89: {  	v7 =	vmax.u32 v8, v7;
	v48 =	vshll.u32 v9, $0x10  }
0x8a: {  	v7 =	vor.u32 v7, v48  }
0x8b: {  	s29 =	spop (v2sf);
	[tilespmem:s30+$0x0] =	vst v7  }
0x8c: {  	v7 =	vld [tilespmem:s29+$0x0];
	s29 =	spop (v2sf)  }
0x8d: {  	v49 =	vld [tilespmem:s29+$0x0];
	_ =	sdelay $0x3  }
0x8e: {  	(v2sf) =	vpush v5, $0xC;
	v50 =	vand.u32 v3, v7  }
0x8f: {  	(v2sf) =	vpush v6, $0xC;
	v51 =	vshrl.u32 v49, $0x10;
	v9 =	vshrl.u32 v50, $0x10  }
0x90: {  	v7 =	vand.u32 v4, v7;
	v8 =	vand.u32 $0xFFFF, v49;
	v9 =	vmax.u32 v51, v9  }
0x91: {  	v7 =	vmax.u32 v8, v7;
	v52 =	vshll.u32 v9, $0x10  }
0x92: {  	s30 =	spop (v2sf);
	v7 =	vor.u32 v7, v52  }
0x93: {  	[tilespmem:s29+$0x0] =	vst v7;
	s29 =	spop (v2sf)  }
0x94: {  	v7 =	vld [tilespmem:s29+$0x0]  }
0x95: {  	v53 =	vld [tilespmem:s30+$0x0];
	_ =	sdelay $0x3  }
0x96: {  	(v2sf) =	vpush v5, $0xD;
	v54 =	vand.u32 v3, v7  }
0x97: {  	(v2sf) =	vpush v6, $0xD;
	v55 =	vshrl.u32 v53, $0x10;
	v9 =	vshrl.u32 v54, $0x10  }
0x98: {  	v8 =	vand.u32 $0xFFFF, v53;
	v7 =	vand.u32 v4, v7;
	v9 =	vmax.u32 v55, v9  }
0x99: {  	v7 =	vmax.u32 v8, v7;
	v56 =	vshll.u32 v9, $0x10  }
0x9a: {  	s29 =	spop (v2sf);
	v7 =	vor.u32 v7, v56  }
0x9b: {  	[tilespmem:s30+$0x0] =	vst v7;
	s30 =	spop (v2sf)  }
0x9c: {  	v7 =	vld [tilespmem:s30+$0x0]  }
0x9d: {  	v57 =	vld [tilespmem:s29+$0x0];
	_ =	sdelay $0x3  }
0x9e: {  	(v2sf) =	vpush v6, $0xE;
	v58 =	vand.u32 v3, v7  }
0x9f: {  	(v2sf) =	vpush v5, $0xE;
	v8 =	vshrl.u32 v57, $0x10;
	v9 =	vshrl.u32 v58, $0x10  }
0xa0: {  	v59 =	vand.u32 $0xFFFF, v57;
	v7 =	vand.u32 v4, v7;
	v8 =	vmax.u32 v8, v9  }
0xa1: {  	v7 =	vmax.u32 v59, v7;
	v8 =	vshll.u32 v8, $0x10  }
0xa2: {  	s30 =	spop (v2sf);
	v7 =	vor.u32 v7, v8  }
0xa3: {  	[tilespmem:s29+$0x0] =	vst v7;
	s29 =	spop (v2sf)  }
0xa4: {  	v7 =	vld [tilespmem:s29+$0x0]  }
0xa5: {  	v60 =	vld [tilespmem:s30+$0x0];
	_ =	sdelay $0x3  }
0xa6: {  	(v2sf) =	vpush v6, $0xF;
	v61 =	vand.u32 v3, v7  }
0xa7: {  	(v2sf) =	vpush v5, $0xF;
	v8 =	vshrl.u32 v60, $0x10;
	v9 =	vshrl.u32 v61, $0x10  }
0xa8: {  	v6 =	vand.u32 $0xFFFF, v60;
	v7 =	vand.u32 v4, v7;
	v8 =	vmax.u32 v8, v9  }
0xa9: {  	v5 =	vmax.u32 v6, v7;
	v6 =	vshll.u32 v8, $0x10  }
0xaa: {  	v5 =	vor.u32 v5, v6  }
0xab: {  	s29 =	spop (v2sf);
	[tilespmem:s30+$0x0] =	vst v5  }
0xac: {  	v5 =	vld [tilespmem:s29+$0x0];
	s29 =	spop (v2sf)  }
0xad: {  	v6 =	vld [tilespmem:s29+$0x0];
	_ =	sdelay $0x3  }
0xae: {  	v7 =	vand.u32 v3, v5  }
0xaf: {  	v62 =	vshrl.u32 v6, $0x10;
	v7 =	vshrl.u32 v7, $0x10  }
0xb0: {  	v5 =	vand.u32 v4, v5;
	v6 =	vand.u32 $0xFFFF, v6;
	v7 =	vmax.u32 v62, v7  }
0xb1: {  	v5 =	vmax.u32 v6, v5;
	v6 =	vshll.u32 v7, $0x10  }
0xb2: {  	v5 =	vor.u32 v5, v6  }
0xb3: {  	s30 =	spop (v2sf);
	[tilespmem:s29+$0x0] =	vst v5  }
0xb4: {  	s31 =	spop (v2sf);
	v5 =	vld [tilespmem:s30+$0x0]  }
0xb5: {  	v6 =	vld [tilespmem:s31+$0x0];
	_ =	sdelay $0x3  }
0xb6: {  	v7 =	vand.u32 v3, v5  }
0xb7: {  	v63 =	vshrl.u32 v6, $0x10;
	v7 =	vshrl.u32 v7, $0x10  }
0xb8: {  	v6 =	vand.u32 $0xFFFF, v6;
	v5 =	vand.u32 v4, v5;
	v7 =	vmax.u32 v63, v7  }
0xb9: {  	v5 =	vmax.u32 v6, v5;
	v6 =	vshll.u32 v7, $0x10  }
0xba: {  	s29 =	simm.s32 $0x40;
	s30 =	simm.s32 $0x80;
	v5 =	vor.u32 v5, v6  }
.LBB2_5:
0xbb: {  	p0 =	sne.s32 s30, $0x1F00  }
0xbc: {  	s1 =	sshra.s32 s29, $0x2;
	[tilespmem:s31+$0x0] =	vst v5;
	s29 =	smov.u32 s30;
	s30 =	sadd.s32 $0x40, s30  }
0xbd: {  	v5 =	vld [tilespmem:s1+$0x0]  }
0xbe: {  	v6 =	vld [tilespmem:s1+$0x800];
	_ =	sdelay $0x3  }
0xbf: {  	vm0 =	vge.s32 v5, v0;
	vm1 =	vlt.s32 v5, v1;
	v5 =	vsub.s32 v5, v0  }
0xc0: {  	vm0 =	vmand vm0, vm1;
	v5 =	vshll.u32 v5, $0x3;
	v6 =	vshll.u32 v6, $0x3  }
0xc1: {  	v5 =	vnsel vm0, $0x9C40, v5;
	v6 =	vadd.s32 $0x2000, v6  }
0xc2: {  	v5 =	vadd.s32 $0x15900, v5;
	(v2sf) =	vpush v6, $0x0  }
0xc3: {  	(v2sf) =	vpush v5, $0x0;
	_ =	sdelay $0x9  }
0xc4: {  	(v2sf) =	vpush v6, $0x1  }
0xc5: {  	(v2sf) =	vpush v5, $0x1;
	_ =	sdelay $0x2  }
0xc6: {  	s1 =	spop (v2sf)  }
0xc7: {  	v7 =	vld [tilespmem:s1+$0x0];
	s1 =	spop (v2sf)  }
0xc8: {  	v8 =	vld [tilespmem:s1+$0x0];
	_ =	sdelay $0x3  }
0xc9: {  	v9 =	vand.u32 v3, v7;
	(v2sf) =	vpush v6, $0x2  }
0xca: {  	v10 =	vand.u32 $0xFFFF, v8;
	v8 =	vshrl.u32 v8, $0x10;
	v9 =	vshrl.u32 v9, $0x10  }
0xcb: {  	v7 =	vand.u32 v4, v7;
	v8 =	vmax.u32 v8, v9;
	(v2sf) =	vpush v5, $0x2  }
0xcc: {  	v7 =	vmax.u32 v10, v7;
	v8 =	vshll.u32 v8, $0x10  }
0xcd: {  	v7 =	vor.u32 v7, v8  }
0xce: {  	[tilespmem:s1+$0x0] =	vst v7;
	s1 =	spop (v2sf)  }
0xcf: {  	v7 =	vld [tilespmem:s1+$0x0];
	s1 =	spop (v2sf)  }
0xd0: {  	v8 =	vld [tilespmem:s1+$0x0];
	_ =	sdelay $0x3  }
0xd1: {  	v9 =	vand.u32 v3, v7;
	(v2sf) =	vpush v5, $0x3  }
0xd2: {  	v10 =	vshrl.u32 v8, $0x10;
	v9 =	vshrl.u32 v9, $0x10;
	(v2sf) =	vpush v6, $0x3  }
0xd3: {  	v7 =	vand.u32 v4, v7;
	v8 =	vand.u32 $0xFFFF, v8;
	v9 =	vmax.u32 v10, v9  }
0xd4: {  	v7 =	vmax.u32 v8, v7;
	v8 =	vshll.u32 v9, $0x10  }
0xd5: {  	v7 =	vor.u32 v7, v8;
	s31 =	spop (v2sf)  }
0xd6: {  	[tilespmem:s1+$0x0] =	vst v7  }
0xd7: {  	v7 =	vld [tilespmem:s31+$0x0];
	s1 =	spop (v2sf)  }
0xd8: {  	v8 =	vld [tilespmem:s1+$0x0];
	_ =	sdelay $0x3  }
0xd9: {  	v9 =	vand.u32 v3, v7;
	(v2sf) =	vpush v6, $0x4  }
0xda: {  	v10 =	vand.u32 $0xFFFF, v8;
	v8 =	vshrl.u32 v8, $0x10;
	v9 =	vshrl.u32 v9, $0x10  }
0xdb: {  	v7 =	vand.u32 v4, v7;
	v8 =	vmax.u32 v8, v9;
	(v2sf) =	vpush v5, $0x4  }
0xdc: {  	v7 =	vmax.u32 v10, v7;
	v8 =	vshll.u32 v8, $0x10  }
0xdd: {  	v7 =	vor.u32 v7, v8;
	s31 =	spop (v2sf)  }
0xde: {  	[tilespmem:s1+$0x0] =	vst v7;
	s1 =	spop (v2sf)  }
0xdf: {  	v7 =	vld [tilespmem:s1+$0x0]  }
0xe0: {  	v8 =	vld [tilespmem:s31+$0x0];
	_ =	sdelay $0x3  }
0xe1: {  	v9 =	vand.u32 v3, v7;
	(v2sf) =	vpush v6, $0x5  }
0xe2: {  	v10 =	vand.u32 $0xFFFF, v8;
	v8 =	vshrl.u32 v8, $0x10;
	v9 =	vshrl.u32 v9, $0x10  }
0xe3: {  	v7 =	vand.u32 v4, v7;
	v8 =	vmax.u32 v8, v9;
	(v2sf) =	vpush v5, $0x5  }
0xe4: {  	v7 =	vmax.u32 v10, v7;
	v8 =	vshll.u32 v8, $0x10  }
0xe5: {  	v7 =	vor.u32 v7, v8;
	s1 =	spop (v2sf)  }
0xe6: {  	[tilespmem:s31+$0x0] =	vst v7  }
0xe7: {  	v7 =	vld [tilespmem:s1+$0x0];
	s1 =	spop (v2sf)  }
0xe8: {  	v8 =	vld [tilespmem:s1+$0x0];
	_ =	sdelay $0x3  }
0xe9: {  	v9 =	vand.u32 v3, v7;
	(v2sf) =	vpush v6, $0x6  }
0xea: {  	v10 =	vand.u32 $0xFFFF, v8;
	v8 =	vshrl.u32 v8, $0x10;
	v9 =	vshrl.u32 v9, $0x10  }
0xeb: {  	v7 =	vand.u32 v4, v7;
	v8 =	vmax.u32 v8, v9;
	(v2sf) =	vpush v5, $0x6  }
0xec: {  	v7 =	vmax.u32 v10, v7;
	v8 =	vshll.u32 v8, $0x10  }
0xed: {  	v7 =	vor.u32 v7, v8;
	s31 =	spop (v2sf)  }
0xee: {  	[tilespmem:s1+$0x0] =	vst v7  }
0xef: {  	v7 =	vld [tilespmem:s31+$0x0];
	s1 =	spop (v2sf)  }
0xf0: {  	v8 =	vld [tilespmem:s1+$0x0];
	_ =	sdelay $0x3  }
0xf1: {  	v9 =	vand.u32 v3, v7;
	v7 =	vand.u32 v4, v7;
	(v2sf) =	vpush v6, $0x7  }
0xf2: {  	v10 =	vand.u32 $0xFFFF, v8;
	v8 =	vshrl.u32 v8, $0x10;
	v9 =	vshrl.u32 v9, $0x10  }
0xf3: {  	v7 =	vmax.u32 v10, v7;
	v8 =	vmax.u32 v8, v9;
	(v2sf) =	vpush v5, $0x7  }
0xf4: {  	v8 =	vshll.u32 v8, $0x10  }
0xf5: {  	v7 =	vor.u32 v7, v8;
	s31 =	spop (v2sf)  }
0xf6: {  	[tilespmem:s1+$0x0] =	vst v7  }
0xf7: {  	v7 =	vld [tilespmem:s31+$0x0];
	s1 =	spop (v2sf)  }
0xf8: {  	v8 =	vld [tilespmem:s1+$0x0];
	_ =	sdelay $0x3  }
0xf9: {  	v9 =	vand.u32 v3, v7;
	(v2sf) =	vpush v6, $0x8  }
0xfa: {  	v10 =	vand.u32 $0xFFFF, v8;
	v8 =	vshrl.u32 v8, $0x10;
	v9 =	vshrl.u32 v9, $0x10  }
0xfb: {  	v7 =	vand.u32 v4, v7;
	v8 =	vmax.u32 v8, v9;
	(v2sf) =	vpush v5, $0x8  }
0xfc: {  	v7 =	vmax.u32 v10, v7;
	v8 =	vshll.u32 v8, $0x10  }
0xfd: {  	v7 =	vor.u32 v7, v8;
	s31 =	spop (v2sf)  }
0xfe: {  	[tilespmem:s1+$0x0] =	vst v7  }
0xff: {  	v7 =	vld [tilespmem:s31+$0x0];
	s1 =	spop (v2sf)  }
0x100: {  	v8 =	vld [tilespmem:s1+$0x0];
	_ =	sdelay $0x3  }
0x101: {  	v9 =	vand.u32 v3, v7;
	(v2sf) =	vpush v5, $0x9  }
0x102: {  	v10 =	vshrl.u32 v8, $0x10;
	v9 =	vshrl.u32 v9, $0x10;
	(v2sf) =	vpush v6, $0x9  }
0x103: {  	v7 =	vand.u32 v4, v7;
	v8 =	vand.u32 $0xFFFF, v8;
	v9 =	vmax.u32 v10, v9  }
0x104: {  	v7 =	vmax.u32 v8, v7;
	v8 =	vshll.u32 v9, $0x10  }
0x105: {  	v7 =	vor.u32 v7, v8;
	s31 =	spop (v2sf)  }
0x106: {  	[tilespmem:s1+$0x0] =	vst v7  }
0x107: {  	v7 =	vld [tilespmem:s31+$0x0];
	s1 =	spop (v2sf)  }
0x108: {  	v8 =	vld [tilespmem:s1+$0x0];
	_ =	sdelay $0x3  }
0x109: {  	v9 =	vand.u32 v3, v7;
	(v2sf) =	vpush v6, $0xA  }
0x10a: {  	v10 =	vand.u32 $0xFFFF, v8;
	v8 =	vshrl.u32 v8, $0x10;
	v9 =	vshrl.u32 v9, $0x10  }
0x10b: {  	v7 =	vand.u32 v4, v7;
	v8 =	vmax.u32 v8, v9;
	(v2sf) =	vpush v5, $0xA  }
0x10c: {  	v7 =	vmax.u32 v10, v7;
	v8 =	vshll.u32 v8, $0x10  }
0x10d: {  	v7 =	vor.u32 v7, v8;
	s31 =	spop (v2sf)  }
0x10e: {  	[tilespmem:s1+$0x0] =	vst v7;
	s1 =	spop (v2sf)  }
0x10f: {  	v7 =	vld [tilespmem:s1+$0x0]  }
0x110: {  	v8 =	vld [tilespmem:s31+$0x0];
	_ =	sdelay $0x3  }
0x111: {  	v9 =	vand.u32 v3, v7;
	(v2sf) =	vpush v5, $0xB  }
0x112: {  	v10 =	vshrl.u32 v8, $0x10;
	v9 =	vshrl.u32 v9, $0x10;
	(v2sf) =	vpush v6, $0xB  }
0x113: {  	v7 =	vand.u32 v4, v7;
	v8 =	vand.u32 $0xFFFF, v8;
	v9 =	vmax.u32 v10, v9  }
0x114: {  	v7 =	vmax.u32 v8, v7;
	v8 =	vshll.u32 v9, $0x10  }
0x115: {  	v7 =	vor.u32 v7, v8;
	s1 =	spop (v2sf)  }
0x116: {  	[tilespmem:s31+$0x0] =	vst v7  }
0x117: {  	v7 =	vld [tilespmem:s1+$0x0];
	s1 =	spop (v2sf)  }
0x118: {  	v8 =	vld [tilespmem:s1+$0x0];
	_ =	sdelay $0x3  }
0x119: {  	v9 =	vand.u32 v3, v7;
	(v2sf) =	vpush v5, $0xC  }
0x11a: {  	v10 =	vshrl.u32 v8, $0x10;
	v9 =	vshrl.u32 v9, $0x10;
	(v2sf) =	vpush v6, $0xC  }
0x11b: {  	v7 =	vand.u32 v4, v7;
	v8 =	vand.u32 $0xFFFF, v8;
	v9 =	vmax.u32 v10, v9  }
0x11c: {  	v7 =	vmax.u32 v8, v7;
	v8 =	vshll.u32 v9, $0x10  }
0x11d: {  	v7 =	vor.u32 v7, v8;
	s31 =	spop (v2sf)  }
0x11e: {  	[tilespmem:s1+$0x0] =	vst v7;
	s1 =	spop (v2sf)  }
0x11f: {  	v7 =	vld [tilespmem:s1+$0x0]  }
0x120: {  	v8 =	vld [tilespmem:s31+$0x0];
	_ =	sdelay $0x3  }
0x121: {  	v9 =	vand.u32 v3, v7;
	(v2sf) =	vpush v5, $0xD  }
0x122: {  	v10 =	vshrl.u32 v8, $0x10;
	v9 =	vshrl.u32 v9, $0x10;
	(v2sf) =	vpush v6, $0xD  }
0x123: {  	v7 =	vand.u32 v4, v7;
	v8 =	vand.u32 $0xFFFF, v8;
	v9 =	vmax.u32 v10, v9  }
0x124: {  	v7 =	vmax.u32 v8, v7;
	v8 =	vshll.u32 v9, $0x10  }
0x125: {  	v7 =	vor.u32 v7, v8;
	s1 =	spop (v2sf)  }
0x126: {  	[tilespmem:s31+$0x0] =	vst v7;
	s31 =	spop (v2sf)  }
0x127: {  	v7 =	vld [tilespmem:s31+$0x0]  }
0x128: {  	v8 =	vld [tilespmem:s1+$0x0];
	_ =	sdelay $0x3  }
0x129: {  	v9 =	vand.u32 v3, v7;
	(v2sf) =	vpush v6, $0xE  }
0x12a: {  	v10 =	vand.u32 $0xFFFF, v8;
	v8 =	vshrl.u32 v8, $0x10;
	v9 =	vshrl.u32 v9, $0x10  }
0x12b: {  	v7 =	vand.u32 v4, v7;
	v8 =	vmax.u32 v8, v9;
	(v2sf) =	vpush v5, $0xE  }
0x12c: {  	v7 =	vmax.u32 v10, v7;
	v8 =	vshll.u32 v8, $0x10  }
0x12d: {  	v7 =	vor.u32 v7, v8;
	s31 =	spop (v2sf)  }
0x12e: {  	[tilespmem:s1+$0x0] =	vst v7;
	s1 =	spop (v2sf)  }
0x12f: {  	v7 =	vld [tilespmem:s1+$0x0]  }
0x130: {  	v8 =	vld [tilespmem:s31+$0x0];
	_ =	sdelay $0x3  }
0x131: {  	v9 =	vand.u32 v3, v7;
	(v2sf) =	vpush v6, $0xF  }
0x132: {  	v6 =	vand.u32 $0xFFFF, v8;
	v8 =	vshrl.u32 v8, $0x10;
	v9 =	vshrl.u32 v9, $0x10  }
0x133: {  	v7 =	vand.u32 v4, v7;
	v8 =	vmax.u32 v8, v9;
	(v2sf) =	vpush v5, $0xF  }
0x134: {  	v5 =	vmax.u32 v6, v7;
	v6 =	vshll.u32 v8, $0x10  }
0x135: {  	v5 =	vor.u32 v5, v6;
	s1 =	spop (v2sf)  }
0x136: {  	[tilespmem:s31+$0x0] =	vst v5  }
0x137: {  	v5 =	vld [tilespmem:s1+$0x0];
	s1 =	spop (v2sf)  }
0x138: {  	v6 =	vld [tilespmem:s1+$0x0];
	_ =	sdelay $0x3  }
0x139: {  	v7 =	vand.u32 v3, v5  }
0x13a: {  	v8 =	vand.u32 $0xFFFF, v6;
	v6 =	vshrl.u32 v6, $0x10;
	v7 =	vshrl.u32 v7, $0x10  }
0x13b: {  	v5 =	vand.u32 v4, v5;
	v6 =	vmax.u32 v6, v7  }
0x13c: {  	v5 =	vmax.u32 v8, v5;
	v6 =	vshll.u32 v6, $0x10  }
0x13d: {  	v5 =	vor.u32 v5, v6;
	s31 =	spop (v2sf)  }
0x13e: {  	[tilespmem:s1+$0x0] =	vst v5  }
0x13f: {  	v5 =	vld [tilespmem:s31+$0x0];
	s31 =	spop (v2sf)  }
0x140: {  	v6 =	vld [tilespmem:s31+$0x0];
	_ =	sdelay $0x3  }
.Ltmp1:
0x141: {  	v7 =	vand.u32 v3, v5;
	(pc) =	sbr.rel @p0 .LBB2_5-.Ltmp1, $4  }
0x142: {  	v8 =	vshrl.u32 v6, $0x10;
	v7 =	vshrl.u32 v7, $0x10  }
0x143: {  	v5 =	vand.u32 v4, v5;
	v6 =	vand.u32 $0xFFFF, v6;
	v7 =	vmax.u32 v8, v7  }
0x144: {  	v5 =	vmax.u32 v6, v5;
	v6 =	vshll.u32 v7, $0x10  }
0x145: {  	v5 =	vor.u32 v5, v6  }
0x146: {  	s1 =	sshra.s32 s29, $0x2;
	[tilespmem:s31+$0x0] =	vst v5  }
0x147: {  	v5 =	vld [tilespmem:s1+$0x0]  }
0x148: {  	v6 =	vld [tilespmem:s1+$0x800];
	_ =	sdelay $0x3  }
0x149: {  	vm0 =	vge.s32 v5, v0;
	vm1 =	vlt.s32 v5, v1;
	v5 =	vsub.s32 v5, v0  }
0x14a: {  	v6 =	vshll.u32 v6, $0x3;
	vm0 =	vmand vm0, vm1;
	v5 =	vshll.u32 v5, $0x3  }
0x14b: {  	v6 =	vadd.s32 $0x2000, v6;
	v5 =	vnsel vm0, $0x9C40, v5  }
0x14c: {  	(v2sf) =	vpush v6, $0x0;
	v5 =	vadd.s32 $0x15900, v5  }
0x14d: {  	(v2sf) =	vpush v5, $0x0;
	_ =	sdelay $0x9  }
0x14e: {  	(v2sf) =	vpush v6, $0x1  }
0x14f: {  	(v2sf) =	vpush v5, $0x1;
	_ =	sdelay $0x2  }
0x150: {  	s31 =	spop (v2sf)  }
0x151: {  	v7 =	vld [tilespmem:s31+$0x0];
	s31 =	spop (v2sf)  }
0x152: {  	v8 =	vld [tilespmem:s31+$0x0];
	_ =	sdelay $0x3  }
0x153: {  	(v2sf) =	vpush v6, $0x2;
	v9 =	vand.u32 v3, v7  }
0x154: {  	v9 =	vshrl.u32 v9, $0x10;
	v10 =	vand.u32 $0xFFFF, v8;
	v8 =	vshrl.u32 v8, $0x10  }
0x155: {  	(v2sf) =	vpush v5, $0x2;
	v7 =	vand.u32 v4, v7;
	v8 =	vmax.u32 v8, v9  }
0x156: {  	v7 =	vmax.u32 v10, v7;
	v8 =	vshll.u32 v8, $0x10  }
0x157: {  	v7 =	vor.u32 v7, v8  }
0x158: {  	[tilespmem:s31+$0x0] =	vst v7;
	s31 =	spop (v2sf)  }
0x159: {  	v7 =	vld [tilespmem:s31+$0x0];
	s31 =	spop (v2sf)  }
0x15a: {  	v21 =	vld [tilespmem:s31+$0x0];
	_ =	sdelay $0x3  }
0x15b: {  	(v2sf) =	vpush v5, $0x3;
	v22 =	vand.u32 v3, v7  }
0x15c: {  	(v2sf) =	vpush v6, $0x3;
	v23 =	vshrl.u32 v21, $0x10;
	v9 =	vshrl.u32 v22, $0x10  }
0x15d: {  	v7 =	vand.u32 v4, v7;
	v8 =	vand.u32 $0xFFFF, v21;
	v9 =	vmax.u32 v23, v9  }
0x15e: {  	v7 =	vmax.u32 v8, v7;
	v24 =	vshll.u32 v9, $0x10  }
0x15f: {  	v7 =	vor.u32 v7, v24  }
0x160: {  	s29 =	spop (v2sf);
	[tilespmem:s31+$0x0] =	vst v7  }
0x161: {  	s31 =	spop (v2sf);
	v7 =	vld [tilespmem:s29+$0x0]  }
0x162: {  	v25 =	vld [tilespmem:s31+$0x0];
	_ =	sdelay $0x3  }
0x163: {  	(v2sf) =	vpush v6, $0x4;
	v26 =	vand.u32 v3, v7  }
0x164: {  	(v2sf) =	vpush v5, $0x4;
	v8 =	vshrl.u32 v25, $0x10;
	v9 =	vshrl.u32 v26, $0x10  }
0x165: {  	v27 =	vand.u32 $0xFFFF, v25;
	v7 =	vand.u32 v4, v7;
	v8 =	vmax.u32 v8, v9  }
0x166: {  	v7 =	vmax.u32 v27, v7;
	v8 =	vshll.u32 v8, $0x10  }
0x167: {  	s29 =	spop (v2sf);
	v7 =	vor.u32 v7, v8  }
0x168: {  	[tilespmem:s31+$0x0] =	vst v7;
	s31 =	spop (v2sf)  }
0x169: {  	v7 =	vld [tilespmem:s31+$0x0]  }
0x16a: {  	v28 =	vld [tilespmem:s29+$0x0];
	_ =	sdelay $0x3  }
0x16b: {  	(v2sf) =	vpush v6, $0x5;
	v29 =	vand.u32 v3, v7  }
0x16c: {  	(v2sf) =	vpush v5, $0x5;
	v8 =	vshrl.u32 v28, $0x10;
	v9 =	vshrl.u32 v29, $0x10  }
0x16d: {  	v30 =	vand.u32 $0xFFFF, v28;
	v7 =	vand.u32 v4, v7;
	v8 =	vmax.u32 v8, v9  }
0x16e: {  	v7 =	vmax.u32 v30, v7;
	v8 =	vshll.u32 v8, $0x10  }
0x16f: {  	v7 =	vor.u32 v7, v8  }
0x170: {  	s31 =	spop (v2sf);
	[tilespmem:s29+$0x0] =	vst v7  }
0x171: {  	v7 =	vld [tilespmem:s31+$0x0];
	s31 =	spop (v2sf)  }
0x172: {  	v31 =	vld [tilespmem:s31+$0x0];
	_ =	sdelay $0x3  }
0x173: {  	(v2sf) =	vpush v6, $0x6;
	v32 =	vand.u32 v3, v7  }
0x174: {  	(v2sf) =	vpush v5, $0x6;
	v8 =	vshrl.u32 v31, $0x10;
	v9 =	vshrl.u32 v32, $0x10  }
0x175: {  	v7 =	vand.u32 v4, v7;
	v33 =	vand.u32 $0xFFFF, v31;
	v8 =	vmax.u32 v8, v9  }
0x176: {  	v7 =	vmax.u32 v33, v7;
	v8 =	vshll.u32 v8, $0x10  }
0x177: {  	v7 =	vor.u32 v7, v8  }
0x178: {  	s29 =	spop (v2sf);
	[tilespmem:s31+$0x0] =	vst v7  }
0x179: {  	s31 =	spop (v2sf);
	v7 =	vld [tilespmem:s29+$0x0]  }
0x17a: {  	v34 =	vld [tilespmem:s31+$0x0];
	_ =	sdelay $0x3  }
0x17b: {  	(v2sf) =	vpush v6, $0x7;
	v35 =	vand.u32 v3, v7  }
0x17c: {  	(v2sf) =	vpush v5, $0x7;
	v36 =	vshrl.u32 v34, $0x10;
	v9 =	vshrl.u32 v35, $0x10  }
0x17d: {  	v7 =	vand.u32 v4, v7;
	v8 =	vand.u32 $0xFFFF, v34;
	v9 =	vmax.u32 v36, v9  }
0x17e: {  	v7 =	vmax.u32 v8, v7;
	v37 =	vshll.u32 v9, $0x10  }
0x17f: {  	v7 =	vor.u32 v7, v37  }
0x180: {  	s29 =	spop (v2sf);
	[tilespmem:s31+$0x0] =	vst v7  }
0x181: {  	s31 =	spop (v2sf);
	v7 =	vld [tilespmem:s29+$0x0]  }
0x182: {  	v38 =	vld [tilespmem:s31+$0x0];
	_ =	sdelay $0x3  }
0x183: {  	(v2sf) =	vpush v6, $0x8;
	v39 =	vand.u32 v3, v7  }
0x184: {  	(v2sf) =	vpush v5, $0x8;
	v8 =	vshrl.u32 v38, $0x10;
	v9 =	vshrl.u32 v39, $0x10  }
0x185: {  	v40 =	vand.u32 $0xFFFF, v38;
	v7 =	vand.u32 v4, v7;
	v8 =	vmax.u32 v8, v9  }
0x186: {  	v7 =	vmax.u32 v40, v7;
	v8 =	vshll.u32 v8, $0x10  }
0x187: {  	v7 =	vor.u32 v7, v8  }
0x188: {  	s29 =	spop (v2sf);
	[tilespmem:s31+$0x0] =	vst v7  }
0x189: {  	s31 =	spop (v2sf);
	v7 =	vld [tilespmem:s29+$0x0]  }
0x18a: {  	v41 =	vld [tilespmem:s31+$0x0];
	_ =	sdelay $0x3  }
0x18b: {  	(v2sf) =	vpush v5, $0x9;
	v42 =	vand.u32 v3, v7  }
0x18c: {  	(v2sf) =	vpush v6, $0x9;
	v43 =	vshrl.u32 v41, $0x10;
	v9 =	vshrl.u32 v42, $0x10  }
0x18d: {  	v8 =	vand.u32 $0xFFFF, v41;
	v7 =	vand.u32 v4, v7;
	v9 =	vmax.u32 v43, v9  }
0x18e: {  	v7 =	vmax.u32 v8, v7;
	v44 =	vshll.u32 v9, $0x10  }
0x18f: {  	v7 =	vor.u32 v7, v44  }
0x190: {  	s29 =	spop (v2sf);
	[tilespmem:s31+$0x0] =	vst v7  }
0x191: {  	s31 =	spop (v2sf);
	v7 =	vld [tilespmem:s29+$0x0]  }
0x192: {  	v45 =	vld [tilespmem:s31+$0x0];
	_ =	sdelay $0x3  }
0x193: {  	(v2sf) =	vpush v6, $0xA;
	v46 =	vand.u32 v3, v7  }
0x194: {  	(v2sf) =	vpush v5, $0xA;
	v8 =	vshrl.u32 v45, $0x10;
	v9 =	vshrl.u32 v46, $0x10  }
0x195: {  	v47 =	vand.u32 $0xFFFF, v45;
	v7 =	vand.u32 v4, v7;
	v8 =	vmax.u32 v8, v9  }
0x196: {  	v7 =	vmax.u32 v47, v7;
	v8 =	vshll.u32 v8, $0x10  }
0x197: {  	s29 =	spop (v2sf);
	v7 =	vor.u32 v7, v8  }
0x198: {  	[tilespmem:s31+$0x0] =	vst v7;
	s31 =	spop (v2sf)  }
0x199: {  	v7 =	vld [tilespmem:s31+$0x0]  }
0x19a: {  	v48 =	vld [tilespmem:s29+$0x0];
	_ =	sdelay $0x3  }
0x19b: {  	(v2sf) =	vpush v5, $0xB;
	v49 =	vand.u32 v3, v7  }
0x19c: {  	(v2sf) =	vpush v6, $0xB;
	v50 =	vshrl.u32 v48, $0x10;
	v9 =	vshrl.u32 v49, $0x10  }
0x19d: {  	v8 =	vand.u32 $0xFFFF, v48;
	v7 =	vand.u32 v4, v7;
	v9 =	vmax.u32 v50, v9  }
0x19e: {  	v7 =	vmax.u32 v8, v7;
	v51 =	vshll.u32 v9, $0x10  }
0x19f: {  	v7 =	vor.u32 v7, v51  }
0x1a0: {  	s31 =	spop (v2sf);
	[tilespmem:s29+$0x0] =	vst v7  }
0x1a1: {  	v7 =	vld [tilespmem:s31+$0x0];
	s31 =	spop (v2sf)  }
0x1a2: {  	v52 =	vld [tilespmem:s31+$0x0];
	_ =	sdelay $0x3  }
0x1a3: {  	(v2sf) =	vpush v5, $0xC;
	v53 =	vand.u32 v3, v7  }
0x1a4: {  	(v2sf) =	vpush v6, $0xC;
	v54 =	vshrl.u32 v52, $0x10;
	v9 =	vshrl.u32 v53, $0x10  }
0x1a5: {  	v7 =	vand.u32 v4, v7;
	v8 =	vand.u32 $0xFFFF, v52;
	v9 =	vmax.u32 v54, v9  }
0x1a6: {  	v7 =	vmax.u32 v8, v7;
	v55 =	vshll.u32 v9, $0x10  }
0x1a7: {  	s29 =	spop (v2sf);
	v7 =	vor.u32 v7, v55  }
0x1a8: {  	[tilespmem:s31+$0x0] =	vst v7;
	s31 =	spop (v2sf)  }
0x1a9: {  	v7 =	vld [tilespmem:s31+$0x0]  }
0x1aa: {  	v56 =	vld [tilespmem:s29+$0x0];
	_ =	sdelay $0x3  }
0x1ab: {  	(v2sf) =	vpush v5, $0xD;
	v57 =	vand.u32 v3, v7  }
0x1ac: {  	(v2sf) =	vpush v6, $0xD;
	v58 =	vshrl.u32 v56, $0x10;
	v9 =	vshrl.u32 v57, $0x10  }
0x1ad: {  	v8 =	vand.u32 $0xFFFF, v56;
	v7 =	vand.u32 v4, v7;
	v9 =	vmax.u32 v58, v9  }
0x1ae: {  	v7 =	vmax.u32 v8, v7;
	v59 =	vshll.u32 v9, $0x10  }
0x1af: {  	s31 =	spop (v2sf);
	v7 =	vor.u32 v7, v59  }
0x1b0: {  	[tilespmem:s29+$0x0] =	vst v7;
	s29 =	spop (v2sf)  }
0x1b1: {  	v7 =	vld [tilespmem:s29+$0x0]  }
0x1b2: {  	v60 =	vld [tilespmem:s31+$0x0];
	_ =	sdelay $0x3  }
0x1b3: {  	(v2sf) =	vpush v6, $0xE;
	v61 =	vand.u32 v3, v7  }
0x1b4: {  	(v2sf) =	vpush v5, $0xE;
	v8 =	vshrl.u32 v60, $0x10;
	v9 =	vshrl.u32 v61, $0x10  }
0x1b5: {  	v62 =	vand.u32 $0xFFFF, v60;
	v7 =	vand.u32 v4, v7;
	v8 =	vmax.u32 v8, v9  }
0x1b6: {  	v7 =	vmax.u32 v62, v7;
	v8 =	vshll.u32 v8, $0x10  }
0x1b7: {  	s29 =	spop (v2sf);
	v7 =	vor.u32 v7, v8  }
0x1b8: {  	[tilespmem:s31+$0x0] =	vst v7;
	s31 =	spop (v2sf)  }
0x1b9: {  	v7 =	vld [tilespmem:s31+$0x0]  }
0x1ba: {  	v63 =	vld [tilespmem:s29+$0x0];
	_ =	sdelay $0x3  }
0x1bb: {  	(v2sf) =	vpush v6, $0xF;
	v12 =	vand.u32 v3, v7  }
0x1bc: {  	(v2sf) =	vpush v5, $0xF;
	v8 =	vshrl.u32 v63, $0x10;
	v9 =	vshrl.u32 v12, $0x10  }
0x1bd: {  	v6 =	vand.u32 $0xFFFF, v63;
	v7 =	vand.u32 v4, v7;
	v8 =	vmax.u32 v8, v9  }
0x1be: {  	v5 =	vmax.u32 v6, v7;
	v6 =	vshll.u32 v8, $0x10  }
0x1bf: {  	v5 =	vor.u32 v5, v6  }
0x1c0: {  	s31 =	spop (v2sf);
	[tilespmem:s29+$0x0] =	vst v5  }
0x1c1: {  	v5 =	vld [tilespmem:s31+$0x0];
	s31 =	spop (v2sf)  }
0x1c2: {  	v6 =	vld [tilespmem:s31+$0x0];
	_ =	sdelay $0x3  }
0x1c3: {  	v7 =	vand.u32 v3, v5  }
0x1c4: {  	v13 =	vshrl.u32 v6, $0x10;
	v7 =	vshrl.u32 v7, $0x10  }
0x1c5: {  	v5 =	vand.u32 v4, v5;
	v6 =	vand.u32 $0xFFFF, v6;
	v7 =	vmax.u32 v13, v7  }
0x1c6: {  	v5 =	vmax.u32 v6, v5;
	v6 =	vshll.u32 v7, $0x10  }
0x1c7: {  	v5 =	vor.u32 v5, v6  }
0x1c8: {  	s29 =	spop (v2sf);
	[tilespmem:s31+$0x0] =	vst v5  }
0x1c9: {  	s31 =	spop (v2sf);
	v5 =	vld [tilespmem:s29+$0x0]  }
0x1ca: {  	v6 =	vld [tilespmem:s31+$0x0];
	_ =	sdelay $0x3  }
0x1cb: {  	v7 =	vand.u32 v3, v5  }
0x1cc: {  	v14 =	vshrl.u32 v6, $0x10;
	v7 =	vshrl.u32 v7, $0x10  }
0x1cd: {  	p0 =	seq.s32 s26, $0x27;
	v6 =	vand.u32 $0xFFFF, v6;
	v5 =	vand.u32 v4, v5;
	v7 =	vmax.u32 v14, v7  }
0x1ce: {  	s28 =	sadd.s32 @!p0 s28, s10;
	v5 =	vmax.u32 v6, v5;
	v6 =	vshll.u32 v7, $0x10  }
0x1cf: {  	s28 =	sshrl.u32 @!p0 s28, $0x3;
	v5 =	vor.u32 v5, v6  }
0x1d0: {  	s1 =	sadd.s32 @!p0 s3, s28;
	s29 =	simm.s32 @!p0 $0x0;
	[tilespmem:s31+$0x0] =	vst v5  }
0x1d1: {  	[tilespmem:s29], [sflag:$0x1] =	stream.linear.gather @!p0 [hbm4b:s1+s29], $0x7D0, $0x38;
	[tilespmem:$0x1F600] =	vst v63  }
0x1d2: {  	s1 =	sadd.s32 @!p0 s4, s28;
	s28 =	simm.s32 @!p0 $0x800  }
0x1d3: {  	[tilespmem:s28], [sflag:$0x2] =	stream.linear.gather @!p0 [hbm4b:s1+s29], $0x7D0, $0x38;
	[tilespmem:$0x1F600] =	vst v63  }
0x1d4: {  	_ =	swait.ge [sflag:s21], $0x7D0  }
0x1d5: {  	[sflag:s21] =	ssyncset.done $0x0  }
0x1d6: {  	[sflag:s21] =	ssyncadd.s32 $0xFFFFF830  }
0x1d7: {  	_ =	swait.ge [sflag:s22], $0x7D0  }
0x1d8: {  	[sflag:s22] =	ssyncset.done $0x0  }
0x1d9: {  	s31 =	simm.s32 $0x0;
	[sflag:s22] =	ssyncadd.s32 $0xFFFFF830  }
0x1da: {  	v5 =	vld [tilespmem:s31+$0x1000]  }
0x1db: {  	v6 =	vld [tilespmem:s31+$0x1800];
	_ =	sdelay $0x3  }
0x1dc: {  	vm14 =	vge.s32 v5, v0;
	vm15 =	vlt.s32 v5, v1;
	v5 =	vsub.s32 v5, v0  }
0x1dd: {  	v6 =	vshll.u32 v6, $0x3;
	vm0 =	vmand vm14, vm15;
	v5 =	vshll.u32 v5, $0x3  }
0x1de: {  	v6 =	vadd.s32 $0x2000, v6;
	v5 =	vnsel vm0, $0x9C40, v5  }
0x1df: {  	(v2sf) =	vpush v6, $0x0;
	v5 =	vadd.s32 $0x15900, v5  }
0x1e0: {  	(v2sf) =	vpush v5, $0x0;
	_ =	sdelay $0x9  }
0x1e1: {  	(v2sf) =	vpush v6, $0x1  }
0x1e2: {  	(v2sf) =	vpush v5, $0x1;
	_ =	sdelay $0x2  }
0x1e3: {  	s31 =	spop (v2sf)  }
0x1e4: {  	v7 =	vld [tilespmem:s31+$0x0];
	s31 =	spop (v2sf)  }
0x1e5: {  	v15 =	vld [tilespmem:s31+$0x0];
	_ =	sdelay $0x3  }
0x1e6: {  	(v2sf) =	vpush v6, $0x2;
	v16 =	vand.u32 v3, v7  }
0x1e7: {  	(v2sf) =	vpush v5, $0x2;
	v9 =	vshrl.u32 v16, $0x10;
	v8 =	vshrl.u32 v15, $0x10  }
0x1e8: {  	v7 =	vand.u32 v4, v7;
	v17 =	vand.u32 $0xFFFF, v15;
	v8 =	vmax.u32 v8, v9  }
0x1e9: {  	v7 =	vmax.u32 v17, v7;
	v8 =	vshll.u32 v8, $0x10  }
0x1ea: {  	v7 =	vor.u32 v7, v8  }
0x1eb: {  	[tilespmem:s31+$0x0] =	vst v7;
	s31 =	spop (v2sf)  }
0x1ec: {  	v7 =	vld [tilespmem:s31+$0x0];
	s31 =	spop (v2sf)  }
0x1ed: {  	v18 =	vld [tilespmem:s31+$0x0];
	_ =	sdelay $0x3  }
0x1ee: {  	(v2sf) =	vpush v5, $0x3;
	v19 =	vand.u32 v3, v7  }
0x1ef: {  	(v2sf) =	vpush v6, $0x3;
	v20 =	vshrl.u32 v18, $0x10;
	v9 =	vshrl.u32 v19, $0x10  }
0x1f0: {  	v7 =	vand.u32 v4, v7;
	v8 =	vand.u32 $0xFFFF, v18;
	v9 =	vmax.u32 v20, v9  }
0x1f1: {  	v7 =	vmax.u32 v8, v7;
	v21 =	vshll.u32 v9, $0x10  }
0x1f2: {  	v7 =	vor.u32 v7, v21  }
0x1f3: {  	s28 =	spop (v2sf);
	[tilespmem:s31+$0x0] =	vst v7  }
0x1f4: {  	s31 =	spop (v2sf);
	v7 =	vld [tilespmem:s28+$0x0]  }
0x1f5: {  	v22 =	vld [tilespmem:s31+$0x0];
	_ =	sdelay $0x3  }
0x1f6: {  	(v2sf) =	vpush v6, $0x4;
	v23 =	vand.u32 v3, v7  }
0x1f7: {  	(v2sf) =	vpush v5, $0x4;
	v8 =	vshrl.u32 v22, $0x10;
	v9 =	vshrl.u32 v23, $0x10  }
0x1f8: {  	v24 =	vand.u32 $0xFFFF, v22;
	v7 =	vand.u32 v4, v7;
	v8 =	vmax.u32 v8, v9  }
0x1f9: {  	v7 =	vmax.u32 v24, v7;
	v8 =	vshll.u32 v8, $0x10  }
0x1fa: {  	s28 =	spop (v2sf);
	v7 =	vor.u32 v7, v8  }
0x1fb: {  	[tilespmem:s31+$0x0] =	vst v7;
	s31 =	spop (v2sf)  }
0x1fc: {  	v7 =	vld [tilespmem:s31+$0x0]  }
0x1fd: {  	v25 =	vld [tilespmem:s28+$0x0];
	_ =	sdelay $0x3  }
0x1fe: {  	(v2sf) =	vpush v6, $0x5;
	v26 =	vand.u32 v3, v7  }
0x1ff: {  	(v2sf) =	vpush v5, $0x5;
	v8 =	vshrl.u32 v25, $0x10;
	v9 =	vshrl.u32 v26, $0x10  }
0x200: {  	v27 =	vand.u32 $0xFFFF, v25;
	v7 =	vand.u32 v4, v7;
	v8 =	vmax.u32 v8, v9  }
0x201: {  	v7 =	vmax.u32 v27, v7;
	v8 =	vshll.u32 v8, $0x10  }
0x202: {  	v7 =	vor.u32 v7, v8  }
0x203: {  	s31 =	spop (v2sf);
	[tilespmem:s28+$0x0] =	vst v7  }
0x204: {  	v7 =	vld [tilespmem:s31+$0x0];
	s31 =	spop (v2sf)  }
0x205: {  	v28 =	vld [tilespmem:s31+$0x0];
	_ =	sdelay $0x3  }
0x206: {  	(v2sf) =	vpush v6, $0x6;
	v29 =	vand.u32 v3, v7  }
0x207: {  	(v2sf) =	vpush v5, $0x6;
	v8 =	vshrl.u32 v28, $0x10;
	v9 =	vshrl.u32 v29, $0x10  }
0x208: {  	v7 =	vand.u32 v4, v7;
	v30 =	vand.u32 $0xFFFF, v28;
	v8 =	vmax.u32 v8, v9  }
0x209: {  	v7 =	vmax.u32 v30, v7;
	v8 =	vshll.u32 v8, $0x10  }
0x20a: {  	v7 =	vor.u32 v7, v8  }
0x20b: {  	s28 =	spop (v2sf);
	[tilespmem:s31+$0x0] =	vst v7  }
0x20c: {  	s31 =	spop (v2sf);
	v7 =	vld [tilespmem:s28+$0x0]  }
0x20d: {  	v31 =	vld [tilespmem:s31+$0x0];
	_ =	sdelay $0x3  }
0x20e: {  	(v2sf) =	vpush v6, $0x7;
	v32 =	vand.u32 v3, v7  }
0x20f: {  	(v2sf) =	vpush v5, $0x7;
	v33 =	vshrl.u32 v31, $0x10;
	v9 =	vshrl.u32 v32, $0x10  }
0x210: {  	v7 =	vand.u32 v4, v7;
	v8 =	vand.u32 $0xFFFF, v31;
	v9 =	vmax.u32 v33, v9  }
0x211: {  	v7 =	vmax.u32 v8, v7;
	v34 =	vshll.u32 v9, $0x10  }
0x212: {  	v7 =	vor.u32 v7, v34  }
0x213: {  	s28 =	spop (v2sf);
	[tilespmem:s31+$0x0] =	vst v7  }
0x214: {  	s31 =	spop (v2sf);
	v7 =	vld [tilespmem:s28+$0x0]  }
0x215: {  	v35 =	vld [tilespmem:s31+$0x0];
	_ =	sdelay $0x3  }
0x216: {  	(v2sf) =	vpush v6, $0x8;
	v36 =	vand.u32 v3, v7  }
0x217: {  	(v2sf) =	vpush v5, $0x8;
	v8 =	vshrl.u32 v35, $0x10;
	v9 =	vshrl.u32 v36, $0x10  }
0x218: {  	v37 =	vand.u32 $0xFFFF, v35;
	v7 =	vand.u32 v4, v7;
	v8 =	vmax.u32 v8, v9  }
0x219: {  	v7 =	vmax.u32 v37, v7;
	v8 =	vshll.u32 v8, $0x10  }
0x21a: {  	v7 =	vor.u32 v7, v8  }
0x21b: {  	s28 =	spop (v2sf);
	[tilespmem:s31+$0x0] =	vst v7  }
0x21c: {  	s31 =	spop (v2sf);
	v7 =	vld [tilespmem:s28+$0x0]  }
0x21d: {  	v38 =	vld [tilespmem:s31+$0x0];
	_ =	sdelay $0x3  }
0x21e: {  	(v2sf) =	vpush v5, $0x9;
	v39 =	vand.u32 v3, v7  }
0x21f: {  	(v2sf) =	vpush v6, $0x9;
	v40 =	vshrl.u32 v38, $0x10;
	v9 =	vshrl.u32 v39, $0x10  }
0x220: {  	v8 =	vand.u32 $0xFFFF, v38;
	v7 =	vand.u32 v4, v7;
	v9 =	vmax.u32 v40, v9  }
0x221: {  	v7 =	vmax.u32 v8, v7;
	v41 =	vshll.u32 v9, $0x10  }
0x222: {  	v7 =	vor.u32 v7, v41  }
0x223: {  	s28 =	spop (v2sf);
	[tilespmem:s31+$0x0] =	vst v7  }
0x224: {  	s31 =	spop (v2sf);
	v7 =	vld [tilespmem:s28+$0x0]  }
0x225: {  	v42 =	vld [tilespmem:s31+$0x0];
	_ =	sdelay $0x3  }
0x226: {  	(v2sf) =	vpush v6, $0xA;
	v43 =	vand.u32 v3, v7  }
0x227: {  	(v2sf) =	vpush v5, $0xA;
	v8 =	vshrl.u32 v42, $0x10;
	v9 =	vshrl.u32 v43, $0x10  }
0x228: {  	v44 =	vand.u32 $0xFFFF, v42;
	v7 =	vand.u32 v4, v7;
	v8 =	vmax.u32 v8, v9  }
0x229: {  	v7 =	vmax.u32 v44, v7;
	v8 =	vshll.u32 v8, $0x10  }
0x22a: {  	s28 =	spop (v2sf);
	v7 =	vor.u32 v7, v8  }
0x22b: {  	[tilespmem:s31+$0x0] =	vst v7;
	s31 =	spop (v2sf)  }
0x22c: {  	v7 =	vld [tilespmem:s31+$0x0]  }
0x22d: {  	v45 =	vld [tilespmem:s28+$0x0];
	_ =	sdelay $0x3  }
0x22e: {  	(v2sf) =	vpush v5, $0xB;
	v46 =	vand.u32 v3, v7  }
0x22f: {  	(v2sf) =	vpush v6, $0xB;
	v47 =	vshrl.u32 v45, $0x10;
	v9 =	vshrl.u32 v46, $0x10  }
0x230: {  	v8 =	vand.u32 $0xFFFF, v45;
	v7 =	vand.u32 v4, v7;
	v9 =	vmax.u32 v47, v9  }
0x231: {  	v7 =	vmax.u32 v8, v7;
	v48 =	vshll.u32 v9, $0x10  }
0x232: {  	v7 =	vor.u32 v7, v48  }
0x233: {  	s31 =	spop (v2sf);
	[tilespmem:s28+$0x0] =	vst v7  }
0x234: {  	v7 =	vld [tilespmem:s31+$0x0];
	s31 =	spop (v2sf)  }
0x235: {  	v49 =	vld [tilespmem:s31+$0x0];
	_ =	sdelay $0x3  }
0x236: {  	(v2sf) =	vpush v5, $0xC;
	v50 =	vand.u32 v3, v7  }
0x237: {  	(v2sf) =	vpush v6, $0xC;
	v51 =	vshrl.u32 v49, $0x10;
	v9 =	vshrl.u32 v50, $0x10  }
0x238: {  	v7 =	vand.u32 v4, v7;
	v8 =	vand.u32 $0xFFFF, v49;
	v9 =	vmax.u32 v51, v9  }
0x239: {  	v7 =	vmax.u32 v8, v7;
	v52 =	vshll.u32 v9, $0x10  }
0x23a: {  	s28 =	spop (v2sf);
	v7 =	vor.u32 v7, v52  }
0x23b: {  	[tilespmem:s31+$0x0] =	vst v7;
	s31 =	spop (v2sf)  }
0x23c: {  	v7 =	vld [tilespmem:s31+$0x0]  }
0x23d: {  	v53 =	vld [tilespmem:s28+$0x0];
	_ =	sdelay $0x3  }
0x23e: {  	(v2sf) =	vpush v5, $0xD;
	v54 =	vand.u32 v3, v7  }
0x23f: {  	(v2sf) =	vpush v6, $0xD;
	v55 =	vshrl.u32 v53, $0x10;
	v9 =	vshrl.u32 v54, $0x10  }
0x240: {  	v8 =	vand.u32 $0xFFFF, v53;
	v7 =	vand.u32 v4, v7;
	v9 =	vmax.u32 v55, v9  }
0x241: {  	v7 =	vmax.u32 v8, v7;
	v56 =	vshll.u32 v9, $0x10  }
0x242: {  	s31 =	spop (v2sf);
	v7 =	vor.u32 v7, v56  }
0x243: {  	[tilespmem:s28+$0x0] =	vst v7;
	s28 =	spop (v2sf)  }
0x244: {  	v7 =	vld [tilespmem:s28+$0x0]  }
0x245: {  	v57 =	vld [tilespmem:s31+$0x0];
	_ =	sdelay $0x3  }
0x246: {  	(v2sf) =	vpush v6, $0xE;
	v58 =	vand.u32 v3, v7  }
0x247: {  	(v2sf) =	vpush v5, $0xE;
	v8 =	vshrl.u32 v57, $0x10;
	v9 =	vshrl.u32 v58, $0x10  }
0x248: {  	v59 =	vand.u32 $0xFFFF, v57;
	v7 =	vand.u32 v4, v7;
	v8 =	vmax.u32 v8, v9  }
0x249: {  	v7 =	vmax.u32 v59, v7;
	v8 =	vshll.u32 v8, $0x10  }
0x24a: {  	s28 =	spop (v2sf);
	v7 =	vor.u32 v7, v8  }
0x24b: {  	[tilespmem:s31+$0x0] =	vst v7;
	s31 =	spop (v2sf)  }
0x24c: {  	v7 =	vld [tilespmem:s31+$0x0]  }
0x24d: {  	v60 =	vld [tilespmem:s28+$0x0];
	_ =	sdelay $0x3  }
0x24e: {  	(v2sf) =	vpush v6, $0xF;
	v61 =	vand.u32 v3, v7  }
0x24f: {  	(v2sf) =	vpush v5, $0xF;
	v8 =	vshrl.u32 v60, $0x10;
	v9 =	vshrl.u32 v61, $0x10  }
0x250: {  	v6 =	vand.u32 $0xFFFF, v60;
	v7 =	vand.u32 v4, v7;
	v8 =	vmax.u32 v8, v9  }
0x251: {  	v5 =	vmax.u32 v6, v7;
	v6 =	vshll.u32 v8, $0x10  }
0x252: {  	v5 =	vor.u32 v5, v6  }
0x253: {  	s31 =	spop (v2sf);
	[tilespmem:s28+$0x0] =	vst v5  }
0x254: {  	v5 =	vld [tilespmem:s31+$0x0];
	s31 =	spop (v2sf)  }
0x255: {  	v6 =	vld [tilespmem:s31+$0x0];
	_ =	sdelay $0x3  }
0x256: {  	v7 =	vand.u32 v3, v5  }
0x257: {  	v62 =	vshrl.u32 v6, $0x10;
	v7 =	vshrl.u32 v7, $0x10  }
0x258: {  	v5 =	vand.u32 v4, v5;
	v6 =	vand.u32 $0xFFFF, v6;
	v7 =	vmax.u32 v62, v7  }
0x259: {  	v5 =	vmax.u32 v6, v5;
	v6 =	vshll.u32 v7, $0x10  }
0x25a: {  	v5 =	vor.u32 v5, v6  }
0x25b: {  	s28 =	spop (v2sf);
	[tilespmem:s31+$0x0] =	vst v5  }
0x25c: {  	s30 =	spop (v2sf);
	v5 =	vld [tilespmem:s28+$0x0]  }
0x25d: {  	v6 =	vld [tilespmem:s30+$0x0];
	_ =	sdelay $0x3  }
0x25e: {  	v7 =	vand.u32 v3, v5  }
0x25f: {  	v63 =	vshrl.u32 v6, $0x10;
	v7 =	vshrl.u32 v7, $0x10  }
0x260: {  	v6 =	vand.u32 $0xFFFF, v6;
	v5 =	vand.u32 v4, v5;
	v7 =	vmax.u32 v63, v7  }
0x261: {  	v5 =	vmax.u32 v6, v5;
	v6 =	vshll.u32 v7, $0x10  }
0x262: {  	s29 =	simm.s32 $0x80;
	s28 =	simm.s32 $0x40;
	v5 =	vor.u32 v5, v6  }
.LBB2_7:
0x263: {  	p0 =	sne.s32 s29, $0x1F00  }
0x264: {  	s1 =	sshra.s32 s28, $0x2;
	[tilespmem:s30+$0x0] =	vst v5;
	s28 =	smov.u32 s29;
	s29 =	sadd.s32 $0x40, s29  }
0x265: {  	v5 =	vld [tilespmem:s1+$0x1000]  }
0x266: {  	v6 =	vld [tilespmem:s1+$0x1800];
	_ =	sdelay $0x3  }
0x267: {  	vm0 =	vge.s32 v5, v0;
	vm1 =	vlt.s32 v5, v1;
	v5 =	vsub.s32 v5, v0  }
0x268: {  	vm0 =	vmand vm0, vm1;
	v5 =	vshll.u32 v5, $0x3;
	v6 =	vshll.u32 v6, $0x3  }
0x269: {  	v5 =	vnsel vm0, $0x9C40, v5;
	v6 =	vadd.s32 $0x2000, v6  }
0x26a: {  	v5 =	vadd.s32 $0x15900, v5;
	(v2sf) =	vpush v6, $0x0  }
0x26b: {  	(v2sf) =	vpush v5, $0x0;
	_ =	sdelay $0x9  }
0x26c: {  	(v2sf) =	vpush v6, $0x1  }
0x26d: {  	(v2sf) =	vpush v5, $0x1;
	_ =	sdelay $0x2  }
0x26e: {  	s1 =	spop (v2sf)  }
0x26f: {  	v7 =	vld [tilespmem:s1+$0x0];
	s1 =	spop (v2sf)  }
0x270: {  	v8 =	vld [tilespmem:s1+$0x0];
	_ =	sdelay $0x3  }
0x271: {  	v9 =	vand.u32 v3, v7;
	(v2sf) =	vpush v6, $0x2  }
0x272: {  	v10 =	vand.u32 $0xFFFF, v8;
	v8 =	vshrl.u32 v8, $0x10;
	v9 =	vshrl.u32 v9, $0x10  }
0x273: {  	v7 =	vand.u32 v4, v7;
	v8 =	vmax.u32 v8, v9;
	(v2sf) =	vpush v5, $0x2  }
0x274: {  	v7 =	vmax.u32 v10, v7;
	v8 =	vshll.u32 v8, $0x10  }
0x275: {  	v7 =	vor.u32 v7, v8  }
0x276: {  	[tilespmem:s1+$0x0] =	vst v7;
	s1 =	spop (v2sf)  }
0x277: {  	v7 =	vld [tilespmem:s1+$0x0];
	s1 =	spop (v2sf)  }
0x278: {  	v8 =	vld [tilespmem:s1+$0x0];
	_ =	sdelay $0x3  }
0x279: {  	v9 =	vand.u32 v3, v7;
	(v2sf) =	vpush v5, $0x3  }
0x27a: {  	v10 =	vshrl.u32 v8, $0x10;
	v9 =	vshrl.u32 v9, $0x10;
	(v2sf) =	vpush v6, $0x3  }
0x27b: {  	v7 =	vand.u32 v4, v7;
	v8 =	vand.u32 $0xFFFF, v8;
	v9 =	vmax.u32 v10, v9  }
0x27c: {  	v7 =	vmax.u32 v8, v7;
	v8 =	vshll.u32 v9, $0x10  }
0x27d: {  	v7 =	vor.u32 v7, v8;
	s30 =	spop (v2sf)  }
0x27e: {  	[tilespmem:s1+$0x0] =	vst v7  }
0x27f: {  	v7 =	vld [tilespmem:s30+$0x0];
	s1 =	spop (v2sf)  }
0x280: {  	v8 =	vld [tilespmem:s1+$0x0];
	_ =	sdelay $0x3  }
0x281: {  	v9 =	vand.u32 v3, v7;
	(v2sf) =	vpush v6, $0x4  }
0x282: {  	v10 =	vand.u32 $0xFFFF, v8;
	v8 =	vshrl.u32 v8, $0x10;
	v9 =	vshrl.u32 v9, $0x10  }
0x283: {  	v7 =	vand.u32 v4, v7;
	v8 =	vmax.u32 v8, v9;
	(v2sf) =	vpush v5, $0x4  }
0x284: {  	v7 =	vmax.u32 v10, v7;
	v8 =	vshll.u32 v8, $0x10  }
0x285: {  	v7 =	vor.u32 v7, v8;
	s30 =	spop (v2sf)  }
0x286: {  	[tilespmem:s1+$0x0] =	vst v7;
	s1 =	spop (v2sf)  }
0x287: {  	v7 =	vld [tilespmem:s1+$0x0]  }
0x288: {  	v8 =	vld [tilespmem:s30+$0x0];
	_ =	sdelay $0x3  }
0x289: {  	v9 =	vand.u32 v3, v7;
	(v2sf) =	vpush v6, $0x5  }
0x28a: {  	v10 =	vand.u32 $0xFFFF, v8;
	v8 =	vshrl.u32 v8, $0x10;
	v9 =	vshrl.u32 v9, $0x10  }
0x28b: {  	v7 =	vand.u32 v4, v7;
	v8 =	vmax.u32 v8, v9;
	(v2sf) =	vpush v5, $0x5  }
0x28c: {  	v7 =	vmax.u32 v10, v7;
	v8 =	vshll.u32 v8, $0x10  }
0x28d: {  	v7 =	vor.u32 v7, v8;
	s1 =	spop (v2sf)  }
0x28e: {  	[tilespmem:s30+$0x0] =	vst v7  }
0x28f: {  	v7 =	vld [tilespmem:s1+$0x0];
	s1 =	spop (v2sf)  }
0x290: {  	v8 =	vld [tilespmem:s1+$0x0];
	_ =	sdelay $0x3  }
0x291: {  	v9 =	vand.u32 v3, v7;
	(v2sf) =	vpush v6, $0x6  }
0x292: {  	v10 =	vand.u32 $0xFFFF, v8;
	v8 =	vshrl.u32 v8, $0x10;
	v9 =	vshrl.u32 v9, $0x10  }
0x293: {  	v7 =	vand.u32 v4, v7;
	v8 =	vmax.u32 v8, v9;
	(v2sf) =	vpush v5, $0x6  }
0x294: {  	v7 =	vmax.u32 v10, v7;
	v8 =	vshll.u32 v8, $0x10  }
0x295: {  	v7 =	vor.u32 v7, v8;
	s30 =	spop (v2sf)  }
0x296: {  	[tilespmem:s1+$0x0] =	vst v7  }
0x297: {  	v7 =	vld [tilespmem:s30+$0x0];
	s1 =	spop (v2sf)  }
0x298: {  	v8 =	vld [tilespmem:s1+$0x0];
	_ =	sdelay $0x3  }
0x299: {  	v9 =	vand.u32 v3, v7;
	v7 =	vand.u32 v4, v7;
	(v2sf) =	vpush v6, $0x7  }
0x29a: {  	v10 =	vand.u32 $0xFFFF, v8;
	v8 =	vshrl.u32 v8, $0x10;
	v9 =	vshrl.u32 v9, $0x10  }
0x29b: {  	v7 =	vmax.u32 v10, v7;
	v8 =	vmax.u32 v8, v9;
	(v2sf) =	vpush v5, $0x7  }
0x29c: {  	v8 =	vshll.u32 v8, $0x10  }
0x29d: {  	v7 =	vor.u32 v7, v8;
	s30 =	spop (v2sf)  }
0x29e: {  	[tilespmem:s1+$0x0] =	vst v7  }
0x29f: {  	v7 =	vld [tilespmem:s30+$0x0];
	s1 =	spop (v2sf)  }
0x2a0: {  	v8 =	vld [tilespmem:s1+$0x0];
	_ =	sdelay $0x3  }
0x2a1: {  	v9 =	vand.u32 v3, v7;
	(v2sf) =	vpush v6, $0x8  }
0x2a2: {  	v10 =	vand.u32 $0xFFFF, v8;
	v8 =	vshrl.u32 v8, $0x10;
	v9 =	vshrl.u32 v9, $0x10  }
0x2a3: {  	v7 =	vand.u32 v4, v7;
	v8 =	vmax.u32 v8, v9;
	(v2sf) =	vpush v5, $0x8  }
0x2a4: {  	v7 =	vmax.u32 v10, v7;
	v8 =	vshll.u32 v8, $0x10  }
0x2a5: {  	v7 =	vor.u32 v7, v8;
	s30 =	spop (v2sf)  }
0x2a6: {  	[tilespmem:s1+$0x0] =	vst v7  }
0x2a7: {  	v7 =	vld [tilespmem:s30+$0x0];
	s1 =	spop (v2sf)  }
0x2a8: {  	v8 =	vld [tilespmem:s1+$0x0];
	_ =	sdelay $0x3  }
0x2a9: {  	v9 =	vand.u32 v3, v7;
	(v2sf) =	vpush v5, $0x9  }
0x2aa: {  	v10 =	vshrl.u32 v8, $0x10;
	v9 =	vshrl.u32 v9, $0x10;
	(v2sf) =	vpush v6, $0x9  }
0x2ab: {  	v7 =	vand.u32 v4, v7;
	v8 =	vand.u32 $0xFFFF, v8;
	v9 =	vmax.u32 v10, v9  }
0x2ac: {  	v7 =	vmax.u32 v8, v7;
	v8 =	vshll.u32 v9, $0x10  }
0x2ad: {  	v7 =	vor.u32 v7, v8;
	s30 =	spop (v2sf)  }
0x2ae: {  	[tilespmem:s1+$0x0] =	vst v7  }
0x2af: {  	v7 =	vld [tilespmem:s30+$0x0];
	s1 =	spop (v2sf)  }
0x2b0: {  	v8 =	vld [tilespmem:s1+$0x0];
	_ =	sdelay $0x3  }
0x2b1: {  	v9 =	vand.u32 v3, v7;
	(v2sf) =	vpush v6, $0xA  }
0x2b2: {  	v10 =	vand.u32 $0xFFFF, v8;
	v8 =	vshrl.u32 v8, $0x10;
	v9 =	vshrl.u32 v9, $0x10  }
0x2b3: {  	v7 =	vand.u32 v4, v7;
	v8 =	vmax.u32 v8, v9;
	(v2sf) =	vpush v5, $0xA  }
0x2b4: {  	v7 =	vmax.u32 v10, v7;
	v8 =	vshll.u32 v8, $0x10  }
0x2b5: {  	v7 =	vor.u32 v7, v8;
	s30 =	spop (v2sf)  }
0x2b6: {  	[tilespmem:s1+$0x0] =	vst v7;
	s1 =	spop (v2sf)  }
0x2b7: {  	v7 =	vld [tilespmem:s1+$0x0]  }
0x2b8: {  	v8 =	vld [tilespmem:s30+$0x0];
	_ =	sdelay $0x3  }
0x2b9: {  	v9 =	vand.u32 v3, v7;
	(v2sf) =	vpush v5, $0xB  }
0x2ba: {  	v10 =	vshrl.u32 v8, $0x10;
	v9 =	vshrl.u32 v9, $0x10;
	(v2sf) =	vpush v6, $0xB  }
0x2bb: {  	v7 =	vand.u32 v4, v7;
	v8 =	vand.u32 $0xFFFF, v8;
	v9 =	vmax.u32 v10, v9  }
0x2bc: {  	v7 =	vmax.u32 v8, v7;
	v8 =	vshll.u32 v9, $0x10  }
0x2bd: {  	v7 =	vor.u32 v7, v8;
	s1 =	spop (v2sf)  }
0x2be: {  	[tilespmem:s30+$0x0] =	vst v7  }
0x2bf: {  	v7 =	vld [tilespmem:s1+$0x0];
	s1 =	spop (v2sf)  }
0x2c0: {  	v8 =	vld [tilespmem:s1+$0x0];
	_ =	sdelay $0x3  }
0x2c1: {  	v9 =	vand.u32 v3, v7;
	(v2sf) =	vpush v5, $0xC  }
0x2c2: {  	v10 =	vshrl.u32 v8, $0x10;
	v9 =	vshrl.u32 v9, $0x10;
	(v2sf) =	vpush v6, $0xC  }
0x2c3: {  	v7 =	vand.u32 v4, v7;
	v8 =	vand.u32 $0xFFFF, v8;
	v9 =	vmax.u32 v10, v9  }
0x2c4: {  	v7 =	vmax.u32 v8, v7;
	v8 =	vshll.u32 v9, $0x10  }
0x2c5: {  	v7 =	vor.u32 v7, v8;
	s30 =	spop (v2sf)  }
0x2c6: {  	[tilespmem:s1+$0x0] =	vst v7;
	s1 =	spop (v2sf)  }
0x2c7: {  	v7 =	vld [tilespmem:s1+$0x0]  }
0x2c8: {  	v8 =	vld [tilespmem:s30+$0x0];
	_ =	sdelay $0x3  }
0x2c9: {  	v9 =	vand.u32 v3, v7;
	(v2sf) =	vpush v5, $0xD  }
0x2ca: {  	v10 =	vshrl.u32 v8, $0x10;
	v9 =	vshrl.u32 v9, $0x10;
	(v2sf) =	vpush v6, $0xD  }
0x2cb: {  	v7 =	vand.u32 v4, v7;
	v8 =	vand.u32 $0xFFFF, v8;
	v9 =	vmax.u32 v10, v9  }
0x2cc: {  	v7 =	vmax.u32 v8, v7;
	v8 =	vshll.u32 v9, $0x10  }
0x2cd: {  	v7 =	vor.u32 v7, v8;
	s1 =	spop (v2sf)  }
0x2ce: {  	[tilespmem:s30+$0x0] =	vst v7;
	s30 =	spop (v2sf)  }
0x2cf: {  	v7 =	vld [tilespmem:s30+$0x0]  }
0x2d0: {  	v8 =	vld [tilespmem:s1+$0x0];
	_ =	sdelay $0x3  }
0x2d1: {  	v9 =	vand.u32 v3, v7;
	(v2sf) =	vpush v6, $0xE  }
0x2d2: {  	v10 =	vand.u32 $0xFFFF, v8;
	v8 =	vshrl.u32 v8, $0x10;
	v9 =	vshrl.u32 v9, $0x10  }
0x2d3: {  	v7 =	vand.u32 v4, v7;
	v8 =	vmax.u32 v8, v9;
	(v2sf) =	vpush v5, $0xE  }
0x2d4: {  	v7 =	vmax.u32 v10, v7;
	v8 =	vshll.u32 v8, $0x10  }
0x2d5: {  	v7 =	vor.u32 v7, v8;
	s30 =	spop (v2sf)  }
0x2d6: {  	[tilespmem:s1+$0x0] =	vst v7;
	s1 =	spop (v2sf)  }
0x2d7: {  	v7 =	vld [tilespmem:s1+$0x0]  }
0x2d8: {  	v8 =	vld [tilespmem:s30+$0x0];
	_ =	sdelay $0x3  }
0x2d9: {  	v9 =	vand.u32 v3, v7;
	(v2sf) =	vpush v6, $0xF  }
0x2da: {  	v6 =	vand.u32 $0xFFFF, v8;
	v8 =	vshrl.u32 v8, $0x10;
	v9 =	vshrl.u32 v9, $0x10  }
0x2db: {  	v7 =	vand.u32 v4, v7;
	v8 =	vmax.u32 v8, v9;
	(v2sf) =	vpush v5, $0xF  }
0x2dc: {  	v5 =	vmax.u32 v6, v7;
	v6 =	vshll.u32 v8, $0x10  }
0x2dd: {  	v5 =	vor.u32 v5, v6;
	s1 =	spop (v2sf)  }
0x2de: {  	[tilespmem:s30+$0x0] =	vst v5  }
0x2df: {  	v5 =	vld [tilespmem:s1+$0x0];
	s1 =	spop (v2sf)  }
0x2e0: {  	v6 =	vld [tilespmem:s1+$0x0];
	_ =	sdelay $0x3  }
0x2e1: {  	v7 =	vand.u32 v3, v5  }
0x2e2: {  	v8 =	vand.u32 $0xFFFF, v6;
	v6 =	vshrl.u32 v6, $0x10;
	v7 =	vshrl.u32 v7, $0x10  }
0x2e3: {  	v5 =	vand.u32 v4, v5;
	v6 =	vmax.u32 v6, v7  }
0x2e4: {  	v5 =	vmax.u32 v8, v5;
	v6 =	vshll.u32 v6, $0x10  }
0x2e5: {  	v5 =	vor.u32 v5, v6;
	s30 =	spop (v2sf)  }
0x2e6: {  	[tilespmem:s1+$0x0] =	vst v5  }
0x2e7: {  	v5 =	vld [tilespmem:s30+$0x0];
	s30 =	spop (v2sf)  }
0x2e8: {  	v6 =	vld [tilespmem:s30+$0x0];
	_ =	sdelay $0x3  }
.Ltmp2:
0x2e9: {  	v7 =	vand.u32 v3, v5;
	(pc) =	sbr.rel @p0 .LBB2_7-.Ltmp2, $4  }
0x2ea: {  	v8 =	vshrl.u32 v6, $0x10;
	v7 =	vshrl.u32 v7, $0x10  }
0x2eb: {  	v5 =	vand.u32 v4, v5;
	v6 =	vand.u32 $0xFFFF, v6;
	v7 =	vmax.u32 v8, v7  }
0x2ec: {  	v5 =	vmax.u32 v6, v5;
	v6 =	vshll.u32 v7, $0x10  }
0x2ed: {  	v5 =	vor.u32 v5, v6  }
0x2ee: {  	s1 =	sshra.s32 s28, $0x2;
	[tilespmem:s30+$0x0] =	vst v5  }
0x2ef: {  	v5 =	vld [tilespmem:s1+$0x1000]  }
0x2f0: {  	v6 =	vld [tilespmem:s1+$0x1800];
	_ =	sdelay $0x3  }
0x2f1: {  	vm0 =	vge.s32 v5, v0;
	vm1 =	vlt.s32 v5, v1;
	v5 =	vsub.s32 v5, v0  }
0x2f2: {  	v6 =	vshll.u32 v6, $0x3;
	vm0 =	vmand vm0, vm1;
	v5 =	vshll.u32 v5, $0x3  }
0x2f3: {  	v6 =	vadd.s32 $0x2000, v6;
	v5 =	vnsel vm0, $0x9C40, v5  }
0x2f4: {  	(v2sf) =	vpush v6, $0x0;
	v5 =	vadd.s32 $0x15900, v5  }
0x2f5: {  	(v2sf) =	vpush v5, $0x0;
	_ =	sdelay $0x9  }
0x2f6: {  	(v2sf) =	vpush v6, $0x1  }
0x2f7: {  	(v2sf) =	vpush v5, $0x1;
	_ =	sdelay $0x2  }
0x2f8: {  	s31 =	spop (v2sf)  }
0x2f9: {  	v7 =	vld [tilespmem:s31+$0x0];
	s28 =	spop (v2sf)  }
0x2fa: {  	v8 =	vld [tilespmem:s28+$0x0];
	_ =	sdelay $0x3  }
0x2fb: {  	(v2sf) =	vpush v6, $0x2;
	v9 =	vand.u32 v3, v7  }
0x2fc: {  	v9 =	vshrl.u32 v9, $0x10;
	v10 =	vand.u32 $0xFFFF, v8;
	v8 =	vshrl.u32 v8, $0x10  }
0x2fd: {  	(v2sf) =	vpush v5, $0x2;
	v7 =	vand.u32 v4, v7;
	v8 =	vmax.u32 v8, v9  }
0x2fe: {  	v7 =	vmax.u32 v10, v7;
	v8 =	vshll.u32 v8, $0x10  }
0x2ff: {  	v7 =	vor.u32 v7, v8  }
0x300: {  	s29 =	spop (v2sf);
	[tilespmem:s28+$0x0] =	vst v7  }
0x301: {  	s30 =	spop (v2sf);
	v7 =	vld [tilespmem:s29+$0x0]  }
0x302: {  	v18 =	vld [tilespmem:s30+$0x0];
	_ =	sdelay $0x3  }
0x303: {  	(v2sf) =	vpush v5, $0x3;
	v19 =	vand.u32 v3, v7  }
0x304: {  	(v2sf) =	vpush v6, $0x3;
	v20 =	vshrl.u32 v18, $0x10;
	v9 =	vshrl.u32 v19, $0x10  }
0x305: {  	v8 =	vand.u32 $0xFFFF, v18;
	v7 =	vand.u32 v4, v7;
	v9 =	vmax.u32 v20, v9  }
0x306: {  	v7 =	vmax.u32 v8, v7;
	v21 =	vshll.u32 v9, $0x10  }
0x307: {  	v7 =	vor.u32 v7, v21  }
0x308: {  	s31 =	spop (v2sf);
	[tilespmem:s30+$0x0] =	vst v7  }
0x309: {  	s29 =	spop (v2sf);
	v7 =	vld [tilespmem:s31+$0x0]  }
0x30a: {  	v22 =	vld [tilespmem:s29+$0x0];
	_ =	sdelay $0x3  }
0x30b: {  	(v2sf) =	vpush v6, $0x4;
	v23 =	vand.u32 v3, v7  }
0x30c: {  	(v2sf) =	vpush v5, $0x4;
	v8 =	vshrl.u32 v22, $0x10;
	v9 =	vshrl.u32 v23, $0x10  }
0x30d: {  	v24 =	vand.u32 $0xFFFF, v22;
	v7 =	vand.u32 v4, v7;
	v8 =	vmax.u32 v8, v9  }
0x30e: {  	v7 =	vmax.u32 v24, v7;
	v8 =	vshll.u32 v8, $0x10  }
0x30f: {  	s30 =	spop (v2sf);
	v7 =	vor.u32 v7, v8  }
0x310: {  	s31 =	spop (v2sf);
	[tilespmem:s29+$0x0] =	vst v7  }
0x311: {  	v7 =	vld [tilespmem:s31+$0x0]  }
0x312: {  	v25 =	vld [tilespmem:s30+$0x0];
	_ =	sdelay $0x3  }
0x313: {  	(v2sf) =	vpush v6, $0x5;
	v26 =	vand.u32 v3, v7  }
0x314: {  	(v2sf) =	vpush v5, $0x5;
	v8 =	vshrl.u32 v25, $0x10;
	v9 =	vshrl.u32 v26, $0x10  }
0x315: {  	v27 =	vand.u32 $0xFFFF, v25;
	v7 =	vand.u32 v4, v7;
	v8 =	vmax.u32 v8, v9  }
0x316: {  	v7 =	vmax.u32 v27, v7;
	v8 =	vshll.u32 v8, $0x10  }
0x317: {  	v7 =	vor.u32 v7, v8  }
0x318: {  	s29 =	spop (v2sf);
	[tilespmem:s30+$0x0] =	vst v7  }
0x319: {  	s30 =	spop (v2sf);
	v7 =	vld [tilespmem:s29+$0x0]  }
0x31a: {  	v28 =	vld [tilespmem:s30+$0x0];
	_ =	sdelay $0x3  }
0x31b: {  	(v2sf) =	vpush v6, $0x6;
	v29 =	vand.u32 v3, v7  }
0x31c: {  	(v2sf) =	vpush v5, $0x6;
	v8 =	vshrl.u32 v28, $0x10;
	v9 =	vshrl.u32 v29, $0x10  }
0x31d: {  	v30 =	vand.u32 $0xFFFF, v28;
	v7 =	vand.u32 v4, v7;
	v8 =	vmax.u32 v8, v9  }
0x31e: {  	v7 =	vmax.u32 v30, v7;
	v8 =	vshll.u32 v8, $0x10  }
0x31f: {  	v7 =	vor.u32 v7, v8  }
0x320: {  	s31 =	spop (v2sf);
	[tilespmem:s30+$0x0] =	vst v7  }
0x321: {  	s29 =	spop (v2sf);
	v7 =	vld [tilespmem:s31+$0x0]  }
0x322: {  	v31 =	vld [tilespmem:s29+$0x0];
	_ =	sdelay $0x3  }
0x323: {  	(v2sf) =	vpush v6, $0x7;
	v32 =	vand.u32 v3, v7  }
0x324: {  	(v2sf) =	vpush v5, $0x7;
	v33 =	vshrl.u32 v31, $0x10;
	v9 =	vshrl.u32 v32, $0x10  }
0x325: {  	v7 =	vand.u32 v4, v7;
	v8 =	vand.u32 $0xFFFF, v31;
	v9 =	vmax.u32 v33, v9  }
0x326: {  	v7 =	vmax.u32 v8, v7;
	v34 =	vshll.u32 v9, $0x10  }
0x327: {  	v7 =	vor.u32 v7, v34  }
0x328: {  	s30 =	spop (v2sf);
	[tilespmem:s29+$0x0] =	vst v7  }
0x329: {  	s31 =	spop (v2sf);
	v7 =	vld [tilespmem:s30+$0x0]  }
0x32a: {  	v35 =	vld [tilespmem:s31+$0x0];
	_ =	sdelay $0x3  }
0x32b: {  	(v2sf) =	vpush v6, $0x8;
	v36 =	vand.u32 v3, v7  }
0x32c: {  	(v2sf) =	vpush v5, $0x8;
	v8 =	vshrl.u32 v35, $0x10;
	v9 =	vshrl.u32 v36, $0x10  }
0x32d: {  	v37 =	vand.u32 $0xFFFF, v35;
	v7 =	vand.u32 v4, v7;
	v8 =	vmax.u32 v8, v9  }
0x32e: {  	v7 =	vmax.u32 v37, v7;
	v8 =	vshll.u32 v8, $0x10  }
0x32f: {  	v7 =	vor.u32 v7, v8  }
0x330: {  	s29 =	spop (v2sf);
	[tilespmem:s31+$0x0] =	vst v7  }
0x331: {  	s30 =	spop (v2sf);
	v7 =	vld [tilespmem:s29+$0x0]  }
0x332: {  	v38 =	vld [tilespmem:s30+$0x0];
	_ =	sdelay $0x3  }
0x333: {  	(v2sf) =	vpush v5, $0x9;
	v39 =	vand.u32 v3, v7  }
0x334: {  	(v2sf) =	vpush v6, $0x9;
	v40 =	vshrl.u32 v38, $0x10;
	v9 =	vshrl.u32 v39, $0x10  }
0x335: {  	v8 =	vand.u32 $0xFFFF, v38;
	v7 =	vand.u32 v4, v7;
	v9 =	vmax.u32 v40, v9  }
0x336: {  	v7 =	vmax.u32 v8, v7;
	v41 =	vshll.u32 v9, $0x10  }
0x337: {  	v7 =	vor.u32 v7, v41  }
0x338: {  	s31 =	spop (v2sf);
	[tilespmem:s30+$0x0] =	vst v7  }
0x339: {  	s29 =	spop (v2sf);
	v7 =	vld [tilespmem:s31+$0x0]  }
0x33a: {  	v42 =	vld [tilespmem:s29+$0x0];
	_ =	sdelay $0x3  }
0x33b: {  	(v2sf) =	vpush v6, $0xA;
	v43 =	vand.u32 v3, v7  }
0x33c: {  	(v2sf) =	vpush v5, $0xA;
	v8 =	vshrl.u32 v42, $0x10;
	v9 =	vshrl.u32 v43, $0x10  }
0x33d: {  	v44 =	vand.u32 $0xFFFF, v42;
	v7 =	vand.u32 v4, v7;
	v8 =	vmax.u32 v8, v9  }
0x33e: {  	v7 =	vmax.u32 v44, v7;
	v8 =	vshll.u32 v8, $0x10  }
0x33f: {  	s30 =	spop (v2sf);
	v7 =	vor.u32 v7, v8  }
0x340: {  	s31 =	spop (v2sf);
	[tilespmem:s29+$0x0] =	vst v7  }
0x341: {  	v7 =	vld [tilespmem:s31+$0x0]  }
0x342: {  	v45 =	vld [tilespmem:s30+$0x0];
	_ =	sdelay $0x3  }
0x343: {  	(v2sf) =	vpush v5, $0xB;
	v46 =	vand.u32 v3, v7  }
0x344: {  	(v2sf) =	vpush v6, $0xB;
	v47 =	vshrl.u32 v45, $0x10;
	v9 =	vshrl.u32 v46, $0x10  }
0x345: {  	v8 =	vand.u32 $0xFFFF, v45;
	v7 =	vand.u32 v4, v7;
	v9 =	vmax.u32 v47, v9  }
0x346: {  	v7 =	vmax.u32 v8, v7;
	v48 =	vshll.u32 v9, $0x10  }
0x347: {  	v7 =	vor.u32 v7, v48  }
0x348: {  	s29 =	spop (v2sf);
	[tilespmem:s30+$0x0] =	vst v7  }
0x349: {  	s30 =	spop (v2sf);
	v7 =	vld [tilespmem:s29+$0x0]  }
0x34a: {  	v49 =	vld [tilespmem:s30+$0x0];
	_ =	sdelay $0x3  }
0x34b: {  	(v2sf) =	vpush v5, $0xC;
	v50 =	vand.u32 v3, v7  }
0x34c: {  	(v2sf) =	vpush v6, $0xC;
	v51 =	vshrl.u32 v49, $0x10;
	v9 =	vshrl.u32 v50, $0x10  }
0x34d: {  	v8 =	vand.u32 $0xFFFF, v49;
	v7 =	vand.u32 v4, v7;
	v9 =	vmax.u32 v51, v9  }
0x34e: {  	v7 =	vmax.u32 v8, v7;
	v52 =	vshll.u32 v9, $0x10  }
0x34f: {  	s31 =	spop (v2sf);
	v7 =	vor.u32 v7, v52  }
0x350: {  	s29 =	spop (v2sf);
	[tilespmem:s30+$0x0] =	vst v7  }
0x351: {  	v7 =	vld [tilespmem:s29+$0x0]  }
0x352: {  	v53 =	vld [tilespmem:s31+$0x0];
	_ =	sdelay $0x3  }
0x353: {  	(v2sf) =	vpush v5, $0xD;
	v54 =	vand.u32 v3, v7  }
0x354: {  	(v2sf) =	vpush v6, $0xD;
	v55 =	vshrl.u32 v53, $0x10;
	v9 =	vshrl.u32 v54, $0x10  }
0x355: {  	v8 =	vand.u32 $0xFFFF, v53;
	v7 =	vand.u32 v4, v7;
	v9 =	vmax.u32 v55, v9  }
0x356: {  	v7 =	vmax.u32 v8, v7;
	v56 =	vshll.u32 v9, $0x10  }
0x357: {  	s30 =	spop (v2sf);
	v7 =	vor.u32 v7, v56  }
0x358: {  	[tilespmem:s31+$0x0] =	vst v7;
	s31 =	spop (v2sf)  }
0x359: {  	v7 =	vld [tilespmem:s31+$0x0]  }
0x35a: {  	v57 =	vld [tilespmem:s30+$0x0];
	_ =	sdelay $0x3  }
0x35b: {  	(v2sf) =	vpush v6, $0xE;
	v58 =	vand.u32 v3, v7  }
0x35c: {  	(v2sf) =	vpush v5, $0xE;
	v8 =	vshrl.u32 v57, $0x10;
	v9 =	vshrl.u32 v58, $0x10  }
0x35d: {  	v59 =	vand.u32 $0xFFFF, v57;
	v7 =	vand.u32 v4, v7;
	v8 =	vmax.u32 v8, v9  }
0x35e: {  	v7 =	vmax.u32 v59, v7;
	v8 =	vshll.u32 v8, $0x10  }
0x35f: {  	s29 =	spop (v2sf);
	v7 =	vor.u32 v7, v8  }
0x360: {  	[tilespmem:s30+$0x0] =	vst v7;
	s30 =	spop (v2sf)  }
0x361: {  	v7 =	vld [tilespmem:s30+$0x0]  }
0x362: {  	v60 =	vld [tilespmem:s29+$0x0];
	_ =	sdelay $0x3  }
0x363: {  	(v2sf) =	vpush v6, $0xF;
	v61 =	vand.u32 v3, v7  }
0x364: {  	(v2sf) =	vpush v5, $0xF;
	v8 =	vshrl.u32 v60, $0x10;
	v9 =	vshrl.u32 v61, $0x10  }
0x365: {  	v6 =	vand.u32 $0xFFFF, v60;
	v7 =	vand.u32 v4, v7;
	v8 =	vmax.u32 v8, v9  }
0x366: {  	v5 =	vmax.u32 v6, v7;
	v6 =	vshll.u32 v8, $0x10  }
0x367: {  	v5 =	vor.u32 v5, v6  }
0x368: {  	s31 =	spop (v2sf);
	[tilespmem:s29+$0x0] =	vst v5  }
0x369: {  	s29 =	spop (v2sf);
	v5 =	vld [tilespmem:s31+$0x0]  }
0x36a: {  	v6 =	vld [tilespmem:s29+$0x0];
	_ =	sdelay $0x3  }
0x36b: {  	v7 =	vand.u32 v3, v5  }
0x36c: {  	v62 =	vshrl.u32 v6, $0x10;
	v7 =	vshrl.u32 v7, $0x10  }
0x36d: {  	v6 =	vand.u32 $0xFFFF, v6;
	v5 =	vand.u32 v4, v5;
	v7 =	vmax.u32 v62, v7  }
0x36e: {  	v5 =	vmax.u32 v6, v5;
	v6 =	vshll.u32 v7, $0x10  }
0x36f: {  	v5 =	vor.u32 v5, v6  }
0x370: {  	s30 =	spop (v2sf);
	[tilespmem:s29+$0x0] =	vst v5  }
0x371: {  	s31 =	spop (v2sf);
	v5 =	vld [tilespmem:s30+$0x0]  }
0x372: {  	v6 =	vld [tilespmem:s31+$0x0];
	_ =	sdelay $0x2  }
0x373: {  	s26 =	sadd.s32 $0x1, s26  }
0x374: {  	p0 =	sne.s32 s26, $0x28;
	v7 =	vand.u32 v3, v5  }
.Ltmp3:
0x375: {  	v63 =	vshrl.u32 v6, $0x10;
	v7 =	vshrl.u32 v7, $0x10;
	(pc) =	sbr.rel @p0 .LBB2_4-.Ltmp3, $4  }
0x376: {  	v6 =	vand.u32 $0xFFFF, v6;
	v5 =	vand.u32 v4, v5;
	v7 =	vmax.u32 v63, v7  }
0x377: {  	v5 =	vmax.u32 v6, v5;
	v6 =	vshll.u32 v7, $0x10  }
0x378: {  	v5 =	vor.u32 v5, v6  }
0x379: {  	[tilespmem:s31+$0x0] =	vst v5  }
0x37a: {  	s24 =	sadd.s32 $0x1, s24  }
0x37b: {  	p0 =	sne.s32 s24, s12  }
.Ltmp4:
0x37c: {  	_ = 	snop;
	(pc) =	sbr.rel @p0 .LBB2_1-.Ltmp4, $4  }
0x37d: {  	[hbm4b:s11+s2] =	stream.linear.scatter [tilespmem:s23], [sflag:$0x5], $0x9C60, $0x38;
	[tilespmem:$0x1F600] =	vst v63  }
0x37e: {  	_ =	swait.ge [sflag:s14], $0x9C60  }
0x37f: {  	[sflag:s14] =	ssyncset.done $0x0  }
0x380: {  	[sflag:s14] =	ssyncadd.s32 $0xFFFF63A0  }
0x381: {  	_ =	sfence.sel $0x180000  }
0x382: {  	[bflag:$0x0] =	sbarrier.arrive $0xFFFF  }
0x383: {  	_ =	strace $0x90000047  }
0x384: {  	[bflag:$0x2] =	sbarrier.arrive $0xFFFF  }
0x385: {  	p0 =	sne.s32 s0, $0x0;
	s0 =	rddreg [dreg:$0x2]  }
0x386: {  	s0 =	sadd.s32 @!p0 $0x100000, s0  }
0x387: {  	[sflag:s0] =	ssyncadd.tile.s32 @!p0 $0x1;
	_ =	shalt  }
.Lfunc_end2:
_tile_overlayer_lowered:
.L_overlay_start_2:
0x388: {  	(tag) =	ssettag $0x2  }
0x389: {  	s0 =	rddreg [dreg:$0x0];
	s2 =	stileid.u32  }
0x38a: {  	s1 =	rddreg [dreg:$0x1];
	p0 =	sne.s32 s2, $0x0  }
0x38b: {  	s3 =	rddreg [dreg:$0x2];
	[bflag:$0x3] =	sbarrier.arrive $0xFFFF;
	s2 =	simm.s32 @!p0 $0x1C05  }
0x38c: {  	[timem:s3], [sflag:s2] =	dma.local @!p0 [hbm:s0], s1  }
0x38d: {  	s0 =	simm.s32 @!p0 $0x5  }
0x38e: {  	_ =	swait.ge @!p0 [sflag:s0], s1  }
0x38f: {  	s1 =	ssub.s32 @!p0 $0x0, s1;
	[sflag:s0] =	ssyncset.done @!p0 $0x0  }
0x390: {  	[sflag:s0] =	ssyncadd.s32 @!p0 s1  }
0x391: {  	[bflag:$0x3] =	sbarrier.arrive $0xFFFF  }
0x392: {  	_ =	shalt  }

</sc_bundles>
